<compile_context>
chip_gen: v7x
topology: tpu7x:2x2x1
jax: 0.10.2.dev20260603
libtpu: 0.0.44.dev20260713+nightly
codegen_flags: <defaults>
</compile_context>

<pallas_src>
import jax
import jax.numpy as jnp
from jax import lax
from jax.experimental import pallas as pl
from jax.experimental.pallas import tpu as pltpu
from jax.experimental.pallas import tpu_sc as plsc

N_NODES = 10000
N_EDGES = 320000
D_FEAT = 128
DH = D_FEAT // 2

NC = 2
NS = 16
NW = NC * NS

NP = 10240
ROWS_W = NP // NW
ROWS_T = NP // NS

E_TILE = N_EDGES // NS
CH = 128
KCH = N_EDGES // CH
K_W = KCH // NW
NEXTRA = KCH - NW * K_W
NBUF = 4

_mesh = plsc.VectorSubcoreMesh(core_axis_name="c", subcore_axis_name="s")
_params = pltpu.CompilerParams(needs_layout_passes=False,
                               use_tc_tiling_on_sc=False)


def _rsqrt_newton(v):
  i = plsc.bitcast(v, jnp.int32)
  y = plsc.bitcast(jnp.full((16,), 0x5F3759DF, jnp.int32)
                   - lax.shift_right_logical(i, 1), jnp.float32)
  half = v * 0.5
  for _ in range(3):
    y = y * (1.5 - half * y * y)
  return jnp.where(v > 0.5, y, jnp.zeros((16,), jnp.float32))


def _deg_scale_body(row_hbm, xp_hbm, xs0_hbm, xs1_hbm, dis_hbm,
                    row_v, deg_v, acc_v, red_v, x0_v, x1_v,
                    deg_all):
  c = lax.axis_index("c")
  t = lax.axis_index("s")

  def _z(i, _):
    deg_v[pl.ds(i * 16, 16)] = jnp.zeros((16,), jnp.float32)
    return 0
  lax.fori_loop(0, NP // 16, _z, 0)

  pltpu.sync_copy(row_hbm.at[pl.ds(t * E_TILE, E_TILE)], row_v)
  ones = jnp.ones((16,), jnp.float32)

  def _hist(i, _):
    for u in range(5):
      idx = row_v[pl.ds((i * 5 + u) * 16, 16)]
      plsc.addupdate_scatter(deg_v, [idx], ones)
    return 0
  lax.fori_loop(0, E_TILE // 16 // 5, _hist, 0)

  pltpu.sync_copy(deg_v, deg_all.at[t])
  plsc.subcore_barrier()

  pltpu.sync_copy(deg_all.at[pl.ds(0, NS), pl.ds(t * ROWS_T, ROWS_T)], red_v)

  def _add(i, _):
    o = i * 16
    v = red_v[0, pl.ds(o, 16)]
    for j in range(1, NS):
      v = v + red_v[j, pl.ds(o, 16)]
    acc_v[pl.ds(o, 16)] = v
    return 0
  lax.fori_loop(0, ROWS_T // 16, _add, 0)

  def _newton(i, _):
    acc_v[pl.ds(i * 16, 16)] = _rsqrt_newton(acc_v[pl.ds(i * 16, 16)])
    return 0
  lax.fori_loop(0, ROWS_T // 16, _newton, 0)
  pltpu.sync_copy(acc_v.at[pl.ds(c * ROWS_W, ROWS_W)],
                  dis_hbm.at[pl.ds(t * ROWS_T + c * ROWS_W, ROWS_W)])

  r0 = t * ROWS_T + c * ROWS_W
  w = t * NC + c
  TAIL = N_NODES - (NW - 1) * ROWS_W

  @pl.when(w < NW - 1)
  def _full_load():
    pltpu.sync_copy(xp_hbm.at[pl.ds(r0, ROWS_W), pl.ds(0, DH)], x0_v)
    pltpu.sync_copy(xp_hbm.at[pl.ds(r0, ROWS_W), pl.ds(DH, DH)], x1_v)

  @pl.when(w == NW - 1)
  def _tail_load():
    pltpu.sync_copy(xp_hbm.at[pl.ds(r0, TAIL), pl.ds(0, DH)],
                    x0_v.at[pl.ds(0, TAIL)])
    pltpu.sync_copy(xp_hbm.at[pl.ds(r0, TAIL), pl.ds(DH, DH)],
                    x1_v.at[pl.ds(0, TAIL)])

  def _scale(r2, _):
    for u in range(2):
      r = r2 * 2 + u
      dv = plsc.load_gather(acc_v,
                            [jnp.zeros((16,), jnp.int32) + (r + c * ROWS_W)])
      for j in range(4):
        x0_v[r, pl.ds(j * 16, 16)] = x0_v[r, pl.ds(j * 16, 16)] * dv
        x1_v[r, pl.ds(j * 16, 16)] = x1_v[r, pl.ds(j * 16, 16)] * dv
    return 0
  lax.fori_loop(0, ROWS_W // 2, _scale, 0)

  @pl.when(w < NW - 1)
  def _full_store():
    pltpu.sync_copy(x0_v, xs0_hbm.at[pl.ds(r0, ROWS_W)])
    pltpu.sync_copy(x1_v, xs1_hbm.at[pl.ds(r0, ROWS_W)])

  @pl.when(w == NW - 1)
  def _tail_store():
    pltpu.sync_copy(x0_v.at[pl.ds(0, TAIL)], xs0_hbm.at[pl.ds(r0, TAIL)])
    pltpu.sync_copy(x1_v.at[pl.ds(0, TAIL)], xs1_hbm.at[pl.ds(r0, TAIL)])


_deg_scale = pl.kernel(
    _deg_scale_body,
    out_type=(jax.ShapeDtypeStruct((NP, DH), jnp.float32),
              jax.ShapeDtypeStruct((NP, DH), jnp.float32),
              jax.ShapeDtypeStruct((NP,), jnp.float32)),
    mesh=_mesh,
    compiler_params=_params,
    scratch_types=(
        pltpu.VMEM((E_TILE,), jnp.int32),
        pltpu.VMEM((NP,), jnp.float32),
        pltpu.VMEM((ROWS_T,), jnp.float32),
        pltpu.VMEM((NS, ROWS_T), jnp.float32),
        pltpu.VMEM((ROWS_W, DH), jnp.float32),
        pltpu.VMEM((ROWS_W, DH), jnp.float32),
        pltpu.VMEM_SHARED((NS, NP), jnp.float32),
    ),
)


def _aggregate_body(xs0_hbm, xs1_hbm, e3d_hbm, aggp_hbm,
                    col_l, row_l, bufs0, bufs1, bufs2, bufs3,
                    gsem0, gsem1, gsem2, gsem3,
                    agg_s):
  c = lax.axis_index("c")
  t = lax.axis_index("s")
  bufs = (bufs0, bufs1, bufs2, bufs3)
  gsems = (gsem0, gsem1, gsem2, gsem3)

  def _zero_buf0():
    def _zb(i, _):
      for j in range(4):
        bufs0[i, pl.ds(j * 16, 16)] = jnp.zeros((16,), jnp.float32)
      return 0
    lax.fori_loop(0, CH, _zb, 0)

  def _zero_own_slice():
    for i in range(5):
      pltpu.sync_copy(bufs0, agg_s.at[pl.ds(t * ROWS_T + i * CH, CH)])

  _zero_buf0()
  _zero_own_slice()

  w = t * NC + c
  base = w * K_W + jnp.minimum(w, NEXTRA)
  pltpu.sync_copy(e3d_hbm.at[1, pl.ds(base, K_W)], col_l.at[pl.ds(0, K_W)])
  pltpu.sync_copy(e3d_hbm.at[0, pl.ds(base, K_W)], row_l.at[pl.ds(0, K_W)])

  @pl.when(w < NEXTRA)
  def _extra_idx():
    pltpu.sync_copy(e3d_hbm.at[1, pl.ds(base + K_W, 1)],
                    col_l.at[pl.ds(K_W, 1)])
    pltpu.sync_copy(e3d_hbm.at[0, pl.ds(base + K_W, 1)],
                    row_l.at[pl.ds(K_W, 1)])

  plsc.subcore_barrier()

  for h, xs_hbm in ((0, xs0_hbm), (1, xs1_hbm)):
    for j in range(NBUF):
      pltpu.async_copy(xs_hbm.at[col_l.at[j]], bufs[j], gsems[j])

    def _ring(i, _):
      for j in range(NBUF):
        k = i * NBUF + j
        pltpu.make_async_copy(xs_hbm.at[col_l.at[k]], bufs[j], gsems[j]).wait()
        pltpu.sync_copy(bufs[j], agg_s.at[row_l.at[k]], add=True)
        pltpu.async_copy(xs_hbm.at[col_l.at[k + NBUF]], bufs[j], gsems[j])
      return 0
    lax.fori_loop(0, (K_W - 6) // NBUF, _ring, 0)

    for j in range(2):
      k = K_W - 6 + j
      pltpu.make_async_copy(xs_hbm.at[col_l.at[k]], bufs[k % NBUF],
                            gsems[k % NBUF]).wait()
      pltpu.sync_copy(bufs[k % NBUF], agg_s.at[row_l.at[k]], add=True)
      pltpu.async_copy(xs_hbm.at[col_l.at[k + NBUF]], bufs[k % NBUF],
                       gsems[k % NBUF])
    for j in range(NBUF):
      k = K_W - NBUF + j
      pltpu.make_async_copy(xs_hbm.at[col_l.at[k]], bufs[k % NBUF],
                            gsems[k % NBUF]).wait()
      pltpu.sync_copy(bufs[k % NBUF], agg_s.at[row_l.at[k]], add=True)

    @pl.when(w < NEXTRA)
    def _extra_chunk():
      pltpu.async_copy(xs_hbm.at[col_l.at[K_W]], bufs0, gsems[0])
      pltpu.make_async_copy(xs_hbm.at[col_l.at[K_W]], bufs0, gsems[0]).wait()
      pltpu.sync_copy(bufs0, agg_s.at[row_l.at[K_W]], add=True)

    plsc.subcore_barrier()

    for i in range(5):
      pltpu.sync_copy(agg_s.at[pl.ds(t * ROWS_T + i * 128, 128)],
                      aggp_hbm.at[c, pl.ds(t * ROWS_T + i * 128, 128),
                                  pl.ds(h * DH, DH)])

    if h == 0:
      _zero_buf0()
      _zero_own_slice()
      plsc.subcore_barrier()


_aggregate = pl.kernel(
    _aggregate_body,
    out_type=jax.ShapeDtypeStruct((NC, NP, D_FEAT), jnp.float32),
    mesh=_mesh,
    compiler_params=_params,
    scratch_types=(
        pltpu.VMEM((K_W + 1, CH), jnp.int32),
        pltpu.VMEM((K_W + 1, CH), jnp.int32),
        pltpu.VMEM((CH, DH), jnp.float32),
        pltpu.VMEM((CH, DH), jnp.float32),
        pltpu.VMEM((CH, DH), jnp.float32),
        pltpu.VMEM((CH, DH), jnp.float32),
        pltpu.SemaphoreType.DMA,
        pltpu.SemaphoreType.DMA,
        pltpu.SemaphoreType.DMA,
        pltpu.SemaphoreType.DMA,
        pltpu.VMEM_SHARED((NP, DH), jnp.float32),
    ),
)


def _project_body(aggp_ref, dis_ref, w_ref, b_ref, out_ref):
  a = (aggp_ref[0] + aggp_ref[1]) * dis_ref[...]
  y = lax.dot_general(a, w_ref[...], (((1,), (1,)), ((), ())),
                      preferred_element_type=jnp.float32)
  out_ref[...] = jnp.maximum(y + b_ref[...], 0.0)


_BM = 2000


def _project(aggp, dis_col, w, b2):
  return pl.pallas_call(
      _project_body,
      grid=(N_NODES // _BM,),
      in_specs=[
          pl.BlockSpec((NC, _BM, D_FEAT), lambda i: (0, i, 0)),
          pl.BlockSpec((_BM, 1), lambda i: (i, 0)),
          pl.BlockSpec((D_FEAT, D_FEAT), lambda i: (0, 0)),
          pl.BlockSpec((1, D_FEAT), lambda i: (0, 0)),
      ],
      out_specs=pl.BlockSpec((_BM, D_FEAT), lambda i: (i, 0)),
      out_shape=jax.ShapeDtypeStruct((N_NODES, D_FEAT), jnp.float32),
  )(aggp, dis_col, w, b2)


@jax.jit
def kernel(x, edge_index, W, b):
  row = edge_index[0]
  e3d = edge_index.reshape(2, KCH, CH)

  xs0, xs1, dis = _deg_scale(row, x)
  aggp = _aggregate(xs0, xs1, e3d)
  dis_col = dis[:N_NODES].reshape(N_NODES, 1)
  return _project(aggp, dis_col, W, b.reshape(1, D_FEAT))

# --- scband reference (transcript-rebuilt; emitter-appended) ---
"""Pipeline reference for scband-gcnlayer-74491912781904 (READ-ONLY COPY).

The authoritative reference and input builder live on the scoring server;
editing this copy changes nothing except your own understanding.
"""

import jax, jax.numpy as jnp
import numpy as np

N_NODES = 10000
N_EDGES = 320000
D_FEAT = 128

def setup_inputs(seed: int = 0) -> dict:
    key = jax.random.key(seed)
    k1, k2, k3, k4 = jax.random.split(key, 4)
    x = jax.random.normal(k1, (N_NODES, D_FEAT), dtype=jnp.float32)
    edge_index = jax.random.randint(k2, (2, N_EDGES), 0, N_NODES, dtype=jnp.int32)
    # nn.Linear(in_features=128, out_features=128): W [out, in], b [out]
    bound = 1.0 / np.sqrt(D_FEAT)
    W = jax.random.uniform(k3, (D_FEAT, D_FEAT), dtype=jnp.float32, minval=-bound, maxval=bound)
    b = jax.random.uniform(k4, (D_FEAT,), dtype=jnp.float32, minval=-bound, maxval=bound)
    return {"x": x, "edge_index": edge_index, "W": W, "b": b}

def reference(x, edge_index, W, b):
    num_nodes = x.shape[0]
    row = edge_index[0]
    col = edge_index[1]
    # degree_norm: symmetric GCN normalisation
    deg = jnp.zeros((num_nodes,), dtype=x.dtype).at[row].add(jnp.ones((row.shape[0],), dtype=x.dtype))
    deg_inv_sqrt = jnp.where(deg > 0, deg ** -0.5, 0.0)
    # gather source features, weight by norm of source node
    weighted = x[col] * deg_inv_sqrt[col][:, None]
    # scatter-add into destination rows
    agg = jnp.zeros_like(x).at[row].add(weighted)
    agg = agg * deg_inv_sqrt[:, None]
    out = jax.nn.relu(agg @ W.T + b)
    return out

if __name__ == "__main__":
    import jax
    _d = setup_inputs()
    print(jax.jit(kernel)(*tuple(_d.values())))

</pallas_src>

<mosaic_0001>
#map = affine_map<(d0, d1) -> (0, 0)>
#map1 = affine_map<(d0, d1) -> (0, 0, 0)>
module attributes {stable_mosaic.version = 14 : i64} {
  func.func @_aggregate_body(%arg0: i32, %arg1: i32, %arg2: memref<10240x64xf32, #tpu.memory_space<hbm>>, %arg3: memref<10240x64xf32, #tpu.memory_space<hbm>>, %arg4: memref<2x2500x128xi32, #tpu.memory_space<hbm>>, %arg5: memref<2x10240x128xf32, #tpu.memory_space<hbm>>, %arg6: memref<79x128xi32, #tpu.memory_space<vmem>>, %arg7: memref<79x128xi32, #tpu.memory_space<vmem>>, %arg8: memref<128x64xf32, #tpu.memory_space<vmem>>, %arg9: memref<128x64xf32, #tpu.memory_space<vmem>>, %arg10: memref<128x64xf32, #tpu.memory_space<vmem>>, %arg11: memref<128x64xf32, #tpu.memory_space<vmem>>, %arg12: memref<!tpu.dma_semaphore, #tpu.memory_space<semaphore_mem>>, %arg13: memref<!tpu.dma_semaphore, #tpu.memory_space<semaphore_mem>>, %arg14: memref<!tpu.dma_semaphore, #tpu.memory_space<semaphore_mem>>, %arg15: memref<!tpu.dma_semaphore, #tpu.memory_space<semaphore_mem>>, %arg16: memref<10240x64xf32, #tpu.memory_space<vmem_shared>>) attributes {dimension_semantics = [#tpu.dimension_semantics<core_parallel>, #tpu.dimension_semantics<subcore_parallel>], iteration_bounds = array<i64: 2, 16>, scalar_prefetch = 0 : i64, scratch_operands = 11 : i64, tpu.core_type = #tpu.core_type<sc_vector_subcore>, window_params = [{transform_indices = #map}, {transform_indices = #map}, {transform_indices = #map1}, {transform_indices = #map1}]} {
    %scan3A = arith.constant 0 : i32
    %scan3A_0 = arith.constant 0 : i32
    %scan3A_1 = arith.constant 128 : i32
    %scan3A_2 = arith.addi %scan3A_0, %scan3A_1 : i32
    %scan3A_3 = arith.constant 1 : i32
    %scan3A_4 = scf.for %scan3A_346 = %scan3A_0 to %scan3A_2 step %scan3A_3 iter_args(%scan3A_347 = %scan3A) -> (i32)  : i32 {
      %broadcast_in_dim3A = arith.constant 0.000000e+00 : f32
      %broadcast_in_dim3A_348 = vector.broadcast %broadcast_in_dim3A : f32 to vector<16xf32>
      %swap3A = arith.index_cast %scan3A_346 : i32 to index
      %swap3A_349 = arith.constant 0 : index
      %swap3A_350 = tpu.vector_load %arg8[%swap3A, %swap3A_349] {strides = array<i32>} : memref<128x64xf32, #tpu.memory_space<vmem>>, vector<16xf32>,
      tpu.vector_store %arg8[%swap3A, %swap3A_349], %broadcast_in_dim3A_348 {strides = array<i32>} : memref<128x64xf32, #tpu.memory_space<vmem>>, vector<16xf32>,
      %broadcast_in_dim3A_351 = arith.constant 0.000000e+00 : f32
      %broadcast_in_dim3A_352 = vector.broadcast %broadcast_in_dim3A_351 : f32 to vector<16xf32>
      %swap3A_353 = arith.index_cast %scan3A_346 : i32 to index
      %swap3A_354 = arith.constant 16 : index
      %swap3A_355 = tpu.vector_load %arg8[%swap3A_353, %swap3A_354] {strides = array<i32>} : memref<128x64xf32, #tpu.memory_space<vmem>>, vector<16xf32>,
      tpu.vector_store %arg8[%swap3A_353, %swap3A_354], %broadcast_in_dim3A_352 {strides = array<i32>} : memref<128x64xf32, #tpu.memory_space<vmem>>, vector<16xf32>,
      %broadcast_in_dim3A_356 = arith.constant 0.000000e+00 : f32
      %broadcast_in_dim3A_357 = vector.broadcast %broadcast_in_dim3A_356 : f32 to vector<16xf32>
      %swap3A_358 = arith.index_cast %scan3A_346 : i32 to index
      %swap3A_359 = arith.constant 32 : index
      %swap3A_360 = tpu.vector_load %arg8[%swap3A_358, %swap3A_359] {strides = array<i32>} : memref<128x64xf32, #tpu.memory_space<vmem>>, vector<16xf32>,
      tpu.vector_store %arg8[%swap3A_358, %swap3A_359], %broadcast_in_dim3A_357 {strides = array<i32>} : memref<128x64xf32, #tpu.memory_space<vmem>>, vector<16xf32>,
      %broadcast_in_dim3A_361 = arith.constant 0.000000e+00 : f32
      %broadcast_in_dim3A_362 = vector.broadcast %broadcast_in_dim3A_361 : f32 to vector<16xf32>
      %swap3A_363 = arith.index_cast %scan3A_346 : i32 to index
      %swap3A_364 = arith.constant 48 : index
      %swap3A_365 = tpu.vector_load %arg8[%swap3A_363, %swap3A_364] {strides = array<i32>} : memref<128x64xf32, #tpu.memory_space<vmem>>, vector<16xf32>,
      tpu.vector_store %arg8[%swap3A_363, %swap3A_364], %broadcast_in_dim3A_362 {strides = array<i32>} : memref<128x64xf32, #tpu.memory_space<vmem>>, vector<16xf32>,
      %scan3A_366 = arith.constant 0 : i32
      scf.yield %scan3A_366 : i32
    }
    %scan3A_5 = arith.constant 128 : i32
    %mul3A = arith.constant 640 : i32
    %mul3A_6 = arith.muli %arg1, %mul3A : i32
    %add3A = arith.constant 0 : i32
    %add3A_7 = arith.addi %mul3A_6, %add3A : i32
    "tpu.region"() ({
      %run_scoped3A_346 = tpu.sem_alloc : memref<!tpu.dma_semaphore, #tpu.memory_space<semaphore_mem>>
      %dma_start3A_347 = arith.constant 0 : i32
      %dma_start3A_348 = tpu.memref_slice %arg16[%add3A_7, %dma_start3A_347] : memref<10240x64xf32, #tpu.memory_space<vmem_shared>> -> memref<128x64xf32, #tpu.memory_space<vmem_shared>>
      %dma_start3A_349 = arith.constant 0 : i32
      %dma_start3A_350 = tpu.memref_slice %arg16[%add3A_7, %dma_start3A_349] : memref<10240x64xf32, #tpu.memory_space<vmem_shared>> -> memref<128x64xf32, #tpu.memory_space<vmem_shared>>
      tpu.enqueue_dma source(%arg8 : memref<128x64xf32, #tpu.memory_space<vmem>>) target(%dma_start3A_350 : memref<128x64xf32, #tpu.memory_space<vmem_shared>>) target_semaphore(%run_scoped3A_346 : memref<!tpu.dma_semaphore, #tpu.memory_space<semaphore_mem>>)
      %dma_wait3A_351 = arith.constant 0 : i32
      %dma_wait3A_352 = tpu.memref_slice %arg16[%add3A_7, %dma_wait3A_351] : memref<10240x64xf32, #tpu.memory_space<vmem_shared>> -> memref<128x64xf32, #tpu.memory_space<vmem_shared>>
      %dma_wait3A_353 = arith.constant 0 : i32
      %dma_wait3A_354 = tpu.memref_slice %arg16[%add3A_7, %dma_wait3A_353] : memref<10240x64xf32, #tpu.memory_space<vmem_shared>> -> memref<128x64xf32, #tpu.memory_space<vmem_shared>>
      tpu.wait_dma2 semaphore(%run_scoped3A_346 : memref<!tpu.dma_semaphore, #tpu.memory_space<semaphore_mem>>) src(%arg8 : memref<128x64xf32, #tpu.memory_space<vmem>>) dst(%dma_wait3A_354 : memref<128x64xf32, #tpu.memory_space<vmem_shared>>)
      tpu.yield
    }) : () -> ()
    %mul3A_8 = arith.constant 640 : i32
    %mul3A_9 = arith.muli %arg1, %mul3A_8 : i32
    %add3A_10 = arith.constant 128 : i32
    %add3A_11 = arith.addi %mul3A_9, %add3A_10 : i32
    "tpu.region"() ({
      %run_scoped3A_346 = tpu.sem_alloc : memref<!tpu.dma_semaphore, #tpu.memory_space<semaphore_mem>>
      %dma_start3A_347 = arith.constant 0 : i32
      %dma_start3A_348 = tpu.memref_slice %arg16[%add3A_11, %dma_start3A_347] : memref<10240x64xf32, #tpu.memory_space<vmem_shared>> -> memref<128x64xf32, #tpu.memory_space<vmem_shared>>
      %dma_start3A_349 = arith.constant 0 : i32
      %dma_start3A_350 = tpu.memref_slice %arg16[%add3A_11, %dma_start3A_349] : memref<10240x64xf32, #tpu.memory_space<vmem_shared>> -> memref<128x64xf32, #tpu.memory_space<vmem_shared>>
      tpu.enqueue_dma source(%arg8 : memref<128x64xf32, #tpu.memory_space<vmem>>) target(%dma_start3A_350 : memref<128x64xf32, #tpu.memory_space<vmem_shared>>) target_semaphore(%run_scoped3A_346 : memref<!tpu.dma_semaphore, #tpu.memory_space<semaphore_mem>>)
      %dma_wait3A_351 = arith.constant 0 : i32
      %dma_wait3A_352 = tpu.memref_slice %arg16[%add3A_11, %dma_wait3A_351] : memref<10240x64xf32, #tpu.memory_space<vmem_shared>> -> memref<128x64xf32, #tpu.memory_space<vmem_shared>>
      %dma_wait3A_353 = arith.constant 0 : i32
      %dma_wait3A_354 = tpu.memref_slice %arg16[%add3A_11, %dma_wait3A_353] : memref<10240x64xf32, #tpu.memory_space<vmem_shared>> -> memref<128x64xf32, #tpu.memory_space<vmem_shared>>
      tpu.wait_dma2 semaphore(%run_scoped3A_346 : memref<!tpu.dma_semaphore, #tpu.memory_space<semaphore_mem>>) src(%arg8 : memref<128x64xf32, #tpu.memory_space<vmem>>) dst(%dma_wait3A_354 : memref<128x64xf32, #tpu.memory_space<vmem_shared>>)
      tpu.yield
    }) : () -> ()
    %mul3A_12 = arith.constant 640 : i32
    %mul3A_13 = arith.muli %arg1, %mul3A_12 : i32
    %add3A_14 = arith.constant 256 : i32
    %add3A_15 = arith.addi %mul3A_13, %add3A_14 : i32
    "tpu.region"() ({
      %run_scoped3A_346 = tpu.sem_alloc : memref<!tpu.dma_semaphore, #tpu.memory_space<semaphore_mem>>
      %dma_start3A_347 = arith.constant 0 : i32
      %dma_start3A_348 = tpu.memref_slice %arg16[%add3A_15, %dma_start3A_347] : memref<10240x64xf32, #tpu.memory_space<vmem_shared>> -> memref<128x64xf32, #tpu.memory_space<vmem_shared>>
      %dma_start3A_349 = arith.constant 0 : i32
      %dma_start3A_350 = tpu.memref_slice %arg16[%add3A_15, %dma_start3A_349] : memref<10240x64xf32, #tpu.memory_space<vmem_shared>> -> memref<128x64xf32, #tpu.memory_space<vmem_shared>>
      tpu.enqueue_dma source(%arg8 : memref<128x64xf32, #tpu.memory_space<vmem>>) target(%dma_start3A_350 : memref<128x64xf32, #tpu.memory_space<vmem_shared>>) target_semaphore(%run_scoped3A_346 : memref<!tpu.dma_semaphore, #tpu.memory_space<semaphore_mem>>)
      %dma_wait3A_351 = arith.constant 0 : i32
      %dma_wait3A_352 = tpu.memref_slice %arg16[%add3A_15, %dma_wait3A_351] : memref<10240x64xf32, #tpu.memory_space<vmem_shared>> -> memref<128x64xf32, #tpu.memory_space<vmem_shared>>
      %dma_wait3A_353 = arith.constant 0 : i32
      %dma_wait3A_354 = tpu.memref_slice %arg16[%add3A_15, %dma_wait3A_353] : memref<10240x64xf32, #tpu.memory_space<vmem_shared>> -> memref<128x64xf32, #tpu.memory_space<vmem_shared>>
      tpu.wait_dma2 semaphore(%run_scoped3A_346 : memref<!tpu.dma_semaphore, #tpu.memory_space<semaphore_mem>>) src(%arg8 : memref<128x64xf32, #tpu.memory_space<vmem>>) dst(%dma_wait3A_354 : memref<128x64xf32, #tpu.memory_space<vmem_shared>>)
      tpu.yield
    }) : () -> ()
    %mul3A_16 = arith.constant 640 : i32
    %mul3A_17 = arith.muli %arg1, %mul3A_16 : i32
    %add3A_18 = arith.constant 384 : i32
    %add3A_19 = arith.addi %mul3A_17, %add3A_18 : i32
    "tpu.region"() ({
      %run_scoped3A_346 = tpu.sem_alloc : memref<!tpu.dma_semaphore, #tpu.memory_space<semaphore_mem>>
      %dma_start3A_347 = arith.constant 0 : i32
      %dma_start3A_348 = tpu.memref_slice %arg16[%add3A_19, %dma_start3A_347] : memref<10240x64xf32, #tpu.memory_space<vmem_shared>> -> memref<128x64xf32, #tpu.memory_space<vmem_shared>>
      %dma_start3A_349 = arith.constant 0 : i32
      %dma_start3A_350 = tpu.memref_slice %arg16[%add3A_19, %dma_start3A_349] : memref<10240x64xf32, #tpu.memory_space<vmem_shared>> -> memref<128x64xf32, #tpu.memory_space<vmem_shared>>
      tpu.enqueue_dma source(%arg8 : memref<128x64xf32, #tpu.memory_space<vmem>>) target(%dma_start3A_350 : memref<128x64xf32, #tpu.memory_space<vmem_shared>>) target_semaphore(%run_scoped3A_346 : memref<!tpu.dma_semaphore, #tpu.memory_space<semaphore_mem>>)
      %dma_wait3A_351 = arith.constant 0 : i32
      %dma_wait3A_352 = tpu.memref_slice %arg16[%add3A_19, %dma_wait3A_351] : memref<10240x64xf32, #tpu.memory_space<vmem_shared>> -> memref<128x64xf32, #tpu.memory_space<vmem_shared>>
      %dma_wait3A_353 = arith.constant 0 : i32
      %dma_wait3A_354 = tpu.memref_slice %arg16[%add3A_19, %dma_wait3A_353] : memref<10240x64xf32, #tpu.memory_space<vmem_shared>> -> memref<128x64xf32, #tpu.memory_space<vmem_shared>>
      tpu.wait_dma2 semaphore(%run_scoped3A_346 : memref<!tpu.dma_semaphore, #tpu.memory_space<semaphore_mem>>) src(%arg8 : memref<128x64xf32, #tpu.memory_space<vmem>>) dst(%dma_wait3A_354 : memref<128x64xf32, #tpu.memory_space<vmem_shared>>)
      tpu.yield
    }) : () -> ()
    %mul3A_20 = arith.constant 640 : i32
    %mul3A_21 = arith.muli %arg1, %mul3A_20 : i32
    %add3A_22 = arith.constant 512 : i32
    %add3A_23 = arith.addi %mul3A_21, %add3A_22 : i32
    "tpu.region"() ({
      %run_scoped3A_346 = tpu.sem_alloc : memref<!tpu.dma_semaphore, #tpu.memory_space<semaphore_mem>>
      %dma_start3A_347 = arith.constant 0 : i32
      %dma_start3A_348 = tpu.memref_slice %arg16[%add3A_23, %dma_start3A_347] : memref<10240x64xf32, #tpu.memory_space<vmem_shared>> -> memref<128x64xf32, #tpu.memory_space<vmem_shared>>
      %dma_start3A_349 = arith.constant 0 : i32
      %dma_start3A_350 = tpu.memref_slice %arg16[%add3A_23, %dma_start3A_349] : memref<10240x64xf32, #tpu.memory_space<vmem_shared>> -> memref<128x64xf32, #tpu.memory_space<vmem_shared>>
      tpu.enqueue_dma source(%arg8 : memref<128x64xf32, #tpu.memory_space<vmem>>) target(%dma_start3A_350 : memref<128x64xf32, #tpu.memory_space<vmem_shared>>) target_semaphore(%run_scoped3A_346 : memref<!tpu.dma_semaphore, #tpu.memory_space<semaphore_mem>>)
      %dma_wait3A_351 = arith.constant 0 : i32
      %dma_wait3A_352 = tpu.memref_slice %arg16[%add3A_23, %dma_wait3A_351] : memref<10240x64xf32, #tpu.memory_space<vmem_shared>> -> memref<128x64xf32, #tpu.memory_space<vmem_shared>>
      %dma_wait3A_353 = arith.constant 0 : i32
      %dma_wait3A_354 = tpu.memref_slice %arg16[%add3A_23, %dma_wait3A_353] : memref<10240x64xf32, #tpu.memory_space<vmem_shared>> -> memref<128x64xf32, #tpu.memory_space<vmem_shared>>
      tpu.wait_dma2 semaphore(%run_scoped3A_346 : memref<!tpu.dma_semaphore, #tpu.memory_space<semaphore_mem>>) src(%arg8 : memref<128x64xf32, #tpu.memory_space<vmem>>) dst(%dma_wait3A_354 : memref<128x64xf32, #tpu.memory_space<vmem_shared>>)
      tpu.yield
    }) : () -> ()
    %mul3A_24 = arith.constant 2 : i32
    %mul3A_25 = arith.muli %arg1, %mul3A_24 : i32
    %add3A_26 = arith.addi %mul3A_25, %arg0 : i32
    %mul3A_27 = arith.constant 78 : i32
    %mul3A_28 = arith.muli %add3A_26, %mul3A_27 : i32
    %min3A = arith.constant 4 : i32
    %min3A_29 = arith.minsi %add3A_26, %min3A : i32
    %add3A_30 = arith.addi %mul3A_28, %min3A_29 : i32
    %run_scoped3A = arith.constant 1 : i32
    "tpu.region"() ({
      %run_scoped3A_346 = tpu.sem_alloc : memref<!tpu.dma_semaphore, #tpu.memory_space<semaphore_mem>>
      %dma_start3A_347 = arith.constant 0 : i32
      %dma_start3A_348 = arith.constant 0 : i32
      %dma_start3A_349 = tpu.memref_slice %arg6[%dma_start3A_347, %dma_start3A_348] : memref<79x128xi32, #tpu.memory_space<vmem>> -> memref<78x128xi32, #tpu.memory_space<vmem>>
      %dma_start3A_350 = arith.constant 0 : i32
      %dma_start3A_351 = tpu.memref_slice %arg4[%run_scoped3A, %add3A_30, %dma_start3A_350] : memref<2x2500x128xi32, #tpu.memory_space<hbm>> -> memref<1x78x128xi32, #tpu.memory_space<hbm>>
      %dma_start3A_352 = tpu.memref_squeeze %dma_start3A_351 : memref<1x78x128xi32, #tpu.memory_space<hbm>> -> memref<78x128xi32, #tpu.memory_space<hbm>>
      %dma_start3A_353 = arith.constant 0 : i32
      %dma_start3A_354 = arith.constant 0 : i32
      %dma_start3A_355 = tpu.memref_slice %arg6[%dma_start3A_353, %dma_start3A_354] : memref<79x128xi32, #tpu.memory_space<vmem>> -> memref<78x128xi32, #tpu.memory_space<vmem>>
      %dma_start3A_356 = arith.constant 0 : i32
      %dma_start3A_357 = tpu.memref_slice %arg4[%run_scoped3A, %add3A_30, %dma_start3A_356] : memref<2x2500x128xi32, #tpu.memory_space<hbm>> -> memref<1x78x128xi32, #tpu.memory_space<hbm>>
      %dma_start3A_358 = tpu.memref_squeeze %dma_start3A_357 : memref<1x78x128xi32, #tpu.memory_space<hbm>> -> memref<78x128xi32, #tpu.memory_space<hbm>>
      tpu.enqueue_dma source(%dma_start3A_358 : memref<78x128xi32, #tpu.memory_space<hbm>>) target(%dma_start3A_355 : memref<78x128xi32, #tpu.memory_space<vmem>>) target_semaphore(%run_scoped3A_346 : memref<!tpu.dma_semaphore, #tpu.memory_space<semaphore_mem>>)
      %dma_wait3A_359 = arith.constant 0 : i32
      %dma_wait3A_360 = arith.constant 0 : i32
      %dma_wait3A_361 = tpu.memref_slice %arg6[%dma_wait3A_359, %dma_wait3A_360] : memref<79x128xi32, #tpu.memory_space<vmem>> -> memref<78x128xi32, #tpu.memory_space<vmem>>
      %dma_wait3A_362 = arith.constant 0 : i32
      %dma_wait3A_363 = tpu.memref_slice %arg4[%run_scoped3A, %add3A_30, %dma_wait3A_362] : memref<2x2500x128xi32, #tpu.memory_space<hbm>> -> memref<1x78x128xi32, #tpu.memory_space<hbm>>
      %dma_wait3A_364 = tpu.memref_squeeze %dma_wait3A_363 : memref<1x78x128xi32, #tpu.memory_space<hbm>> -> memref<78x128xi32, #tpu.memory_space<hbm>>
      %dma_wait3A_365 = arith.constant 0 : i32
      %dma_wait3A_366 = arith.constant 0 : i32
      %dma_wait3A_367 = tpu.memref_slice %arg6[%dma_wait3A_365, %dma_wait3A_366] : memref<79x128xi32, #tpu.memory_space<vmem>> -> memref<78x128xi32, #tpu.memory_space<vmem>>
      %dma_wait3A_368 = arith.constant 0 : i32
      %dma_wait3A_369 = tpu.memref_slice %arg4[%run_scoped3A, %add3A_30, %dma_wait3A_368] : memref<2x2500x128xi32, #tpu.memory_space<hbm>> -> memref<1x78x128xi32, #tpu.memory_space<hbm>>
      %dma_wait3A_370 = tpu.memref_squeeze %dma_wait3A_369 : memref<1x78x128xi32, #tpu.memory_space<hbm>> -> memref<78x128xi32, #tpu.memory_space<hbm>>
      tpu.wait_dma2 semaphore(%run_scoped3A_346 : memref<!tpu.dma_semaphore, #tpu.memory_space<semaphore_mem>>) src(%dma_wait3A_370 : memref<78x128xi32, #tpu.memory_space<hbm>>) dst(%dma_wait3A_367 : memref<78x128xi32, #tpu.memory_space<vmem>>)
      tpu.yield
    }) : () -> ()
    %run_scoped3A_31 = arith.constant 0 : i32
    "tpu.region"() ({
      %run_scoped3A_346 = tpu.sem_alloc : memref<!tpu.dma_semaphore, #tpu.memory_space<semaphore_mem>>
      %dma_start3A_347 = arith.constant 0 : i32
      %dma_start3A_348 = arith.constant 0 : i32
      %dma_start3A_349 = tpu.memref_slice %arg7[%dma_start3A_347, %dma_start3A_348] : memref<79x128xi32, #tpu.memory_space<vmem>> -> memref<78x128xi32, #tpu.memory_space<vmem>>
      %dma_start3A_350 = arith.constant 0 : i32
      %dma_start3A_351 = tpu.memref_slice %arg4[%run_scoped3A_31, %add3A_30, %dma_start3A_350] : memref<2x2500x128xi32, #tpu.memory_space<hbm>> -> memref<1x78x128xi32, #tpu.memory_space<hbm>>
      %dma_start3A_352 = tpu.memref_squeeze %dma_start3A_351 : memref<1x78x128xi32, #tpu.memory_space<hbm>> -> memref<78x128xi32, #tpu.memory_space<hbm>>
      %dma_start3A_353 = arith.constant 0 : i32
      %dma_start3A_354 = arith.constant 0 : i32
      %dma_start3A_355 = tpu.memref_slice %arg7[%dma_start3A_353, %dma_start3A_354] : memref<79x128xi32, #tpu.memory_space<vmem>> -> memref<78x128xi32, #tpu.memory_space<vmem>>
      %dma_start3A_356 = arith.constant 0 : i32
      %dma_start3A_357 = tpu.memref_slice %arg4[%run_scoped3A_31, %add3A_30, %dma_start3A_356] : memref<2x2500x128xi32, #tpu.memory_space<hbm>> -> memref<1x78x128xi32, #tpu.memory_space<hbm>>
      %dma_start3A_358 = tpu.memref_squeeze %dma_start3A_357 : memref<1x78x128xi32, #tpu.memory_space<hbm>> -> memref<78x128xi32, #tpu.memory_space<hbm>>
      tpu.enqueue_dma source(%dma_start3A_358 : memref<78x128xi32, #tpu.memory_space<hbm>>) target(%dma_start3A_355 : memref<78x128xi32, #tpu.memory_space<vmem>>) target_semaphore(%run_scoped3A_346 : memref<!tpu.dma_semaphore, #tpu.memory_space<semaphore_mem>>)
      %dma_wait3A_359 = arith.constant 0 : i32
      %dma_wait3A_360 = arith.constant 0 : i32
      %dma_wait3A_361 = tpu.memref_slice %arg7[%dma_wait3A_359, %dma_wait3A_360] : memref<79x128xi32, #tpu.memory_space<vmem>> -> memref<78x128xi32, #tpu.memory_space<vmem>>
      %dma_wait3A_362 = arith.constant 0 : i32
      %dma_wait3A_363 = tpu.memref_slice %arg4[%run_scoped3A_31, %add3A_30, %dma_wait3A_362] : memref<2x2500x128xi32, #tpu.memory_space<hbm>> -> memref<1x78x128xi32, #tpu.memory_space<hbm>>
      %dma_wait3A_364 = tpu.memref_squeeze %dma_wait3A_363 : memref<1x78x128xi32, #tpu.memory_space<hbm>> -> memref<78x128xi32, #tpu.memory_space<hbm>>
      %dma_wait3A_365 = arith.constant 0 : i32
      %dma_wait3A_366 = arith.constant 0 : i32
      %dma_wait3A_367 = tpu.memref_slice %arg7[%dma_wait3A_365, %dma_wait3A_366] : memref<79x128xi32, #tpu.memory_space<vmem>> -> memref<78x128xi32, #tpu.memory_space<vmem>>
      %dma_wait3A_368 = arith.constant 0 : i32
      %dma_wait3A_369 = tpu.memref_slice %arg4[%run_scoped3A_31, %add3A_30, %dma_wait3A_368] : memref<2x2500x128xi32, #tpu.memory_space<hbm>> -> memref<1x78x128xi32, #tpu.memory_space<hbm>>
      %dma_wait3A_370 = tpu.memref_squeeze %dma_wait3A_369 : memref<1x78x128xi32, #tpu.memory_space<hbm>> -> memref<78x128xi32, #tpu.memory_space<hbm>>
      tpu.wait_dma2 semaphore(%run_scoped3A_346 : memref<!tpu.dma_semaphore, #tpu.memory_space<semaphore_mem>>) src(%dma_wait3A_370 : memref<78x128xi32, #tpu.memory_space<hbm>>) dst(%dma_wait3A_367 : memref<78x128xi32, #tpu.memory_space<vmem>>)
      tpu.yield
    }) : () -> ()
    %lt3A = arith.constant 4 : i32
    %lt3A_32 = arith.cmpi slt, %add3A_26, %lt3A : i32
    %convert_element_type3A = arith.extui %lt3A_32 : i1 to i32
    %cond3A = arith.constant 0 : i32
    %cond3A_33 = arith.cmpi ne, %convert_element_type3A, %cond3A : i32
    scf.if %cond3A_33 {
      %add3A_346 = arith.constant 78 : i32
      %add3A_347 = arith.addi %add3A_30, %add3A_346 : i32
      %run_scoped3A_348 = arith.constant 1 : i32
      "tpu.region"() ({
        %run_scoped3A_352 = tpu.sem_alloc : memref<!tpu.dma_semaphore, #tpu.memory_space<semaphore_mem>>
        %dma_start3A_353 = arith.constant 78 : i32
        %dma_start3A_354 = arith.constant 0 : i32
        %dma_start3A_355 = tpu.memref_slice %arg6[%dma_start3A_353, %dma_start3A_354] : memref<79x128xi32, #tpu.memory_space<vmem>> -> memref<1x128xi32, #tpu.memory_space<vmem>>
        %dma_start3A_356 = arith.constant 0 : i32
        %dma_start3A_357 = tpu.memref_slice %arg4[%run_scoped3A_348, %add3A_347, %dma_start3A_356] : memref<2x2500x128xi32, #tpu.memory_space<hbm>> -> memref<1x1x128xi32, #tpu.memory_space<hbm>>
        %dma_start3A_358 = tpu.memref_squeeze %dma_start3A_357 : memref<1x1x128xi32, #tpu.memory_space<hbm>> -> memref<1x128xi32, #tpu.memory_space<hbm>>
        %dma_start3A_359 = arith.constant 78 : i32
        %dma_start3A_360 = arith.constant 0 : i32
        %dma_start3A_361 = tpu.memref_slice %arg6[%dma_start3A_359, %dma_start3A_360] : memref<79x128xi32, #tpu.memory_space<vmem>> -> memref<1x128xi32, #tpu.memory_space<vmem>>
        %dma_start3A_362 = arith.constant 0 : i32
        %dma_start3A_363 = tpu.memref_slice %arg4[%run_scoped3A_348, %add3A_347, %dma_start3A_362] : memref<2x2500x128xi32, #tpu.memory_space<hbm>> -> memref<1x1x128xi32, #tpu.memory_space<hbm>>
        %dma_start3A_364 = tpu.memref_squeeze %dma_start3A_363 : memref<1x1x128xi32, #tpu.memory_space<hbm>> -> memref<1x128xi32, #tpu.memory_space<hbm>>
        tpu.enqueue_dma source(%dma_start3A_364 : memref<1x128xi32, #tpu.memory_space<hbm>>) target(%dma_start3A_361 : memref<1x128xi32, #tpu.memory_space<vmem>>) target_semaphore(%run_scoped3A_352 : memref<!tpu.dma_semaphore, #tpu.memory_space<semaphore_mem>>)
        %dma_wait3A_365 = arith.constant 78 : i32
        %dma_wait3A_366 = arith.constant 0 : i32
        %dma_wait3A_367 = tpu.memref_slice %arg6[%dma_wait3A_365, %dma_wait3A_366] : memref<79x128xi32, #tpu.memory_space<vmem>> -> memref<1x128xi32, #tpu.memory_space<vmem>>
        %dma_wait3A_368 = arith.constant 0 : i32
        %dma_wait3A_369 = tpu.memref_slice %arg4[%run_scoped3A_348, %add3A_347, %dma_wait3A_368] : memref<2x2500x128xi32, #tpu.memory_space<hbm>> -> memref<1x1x128xi32, #tpu.memory_space<hbm>>
        %dma_wait3A_370 = tpu.memref_squeeze %dma_wait3A_369 : memref<1x1x128xi32, #tpu.memory_space<hbm>> -> memref<1x128xi32, #tpu.memory_space<hbm>>
        %dma_wait3A_371 = arith.constant 78 : i32
        %dma_wait3A_372 = arith.constant 0 : i32
        %dma_wait3A_373 = tpu.memref_slice %arg6[%dma_wait3A_371, %dma_wait3A_372] : memref<79x128xi32, #tpu.memory_space<vmem>> -> memref<1x128xi32, #tpu.memory_space<vmem>>
        %dma_wait3A_374 = arith.constant 0 : i32
        %dma_wait3A_375 = tpu.memref_slice %arg4[%run_scoped3A_348, %add3A_347, %dma_wait3A_374] : memref<2x2500x128xi32, #tpu.memory_space<hbm>> -> memref<1x1x128xi32, #tpu.memory_space<hbm>>
        %dma_wait3A_376 = tpu.memref_squeeze %dma_wait3A_375 : memref<1x1x128xi32, #tpu.memory_space<hbm>> -> memref<1x128xi32, #tpu.memory_space<hbm>>
        tpu.wait_dma2 semaphore(%run_scoped3A_352 : memref<!tpu.dma_semaphore, #tpu.memory_space<semaphore_mem>>) src(%dma_wait3A_376 : memref<1x128xi32, #tpu.memory_space<hbm>>) dst(%dma_wait3A_373 : memref<1x128xi32, #tpu.memory_space<vmem>>)
        tpu.yield
      }) : () -> ()
      %add3A_349 = arith.constant 78 : i32
      %add3A_350 = arith.addi %add3A_30, %add3A_349 : i32
      %run_scoped3A_351 = arith.constant 0 : i32
      "tpu.region"() ({
        %run_scoped3A_352 = tpu.sem_alloc : memref<!tpu.dma_semaphore, #tpu.memory_space<semaphore_mem>>
        %dma_start3A_353 = arith.constant 78 : i32
        %dma_start3A_354 = arith.constant 0 : i32
        %dma_start3A_355 = tpu.memref_slice %arg7[%dma_start3A_353, %dma_start3A_354] : memref<79x128xi32, #tpu.memory_space<vmem>> -> memref<1x128xi32, #tpu.memory_space<vmem>>
        %dma_start3A_356 = arith.constant 0 : i32
        %dma_start3A_357 = tpu.memref_slice %arg4[%run_scoped3A_351, %add3A_350, %dma_start3A_356] : memref<2x2500x128xi32, #tpu.memory_space<hbm>> -> memref<1x1x128xi32, #tpu.memory_space<hbm>>
        %dma_start3A_358 = tpu.memref_squeeze %dma_start3A_357 : memref<1x1x128xi32, #tpu.memory_space<hbm>> -> memref<1x128xi32, #tpu.memory_space<hbm>>
        %dma_start3A_359 = arith.constant 78 : i32
        %dma_start3A_360 = arith.constant 0 : i32
        %dma_start3A_361 = tpu.memref_slice %arg7[%dma_start3A_359, %dma_start3A_360] : memref<79x128xi32, #tpu.memory_space<vmem>> -> memref<1x128xi32, #tpu.memory_space<vmem>>
        %dma_start3A_362 = arith.constant 0 : i32
        %dma_start3A_363 = tpu.memref_slice %arg4[%run_scoped3A_351, %add3A_350, %dma_start3A_362] : memref<2x2500x128xi32, #tpu.memory_space<hbm>> -> memref<1x1x128xi32, #tpu.memory_space<hbm>>
        %dma_start3A_364 = tpu.memref_squeeze %dma_start3A_363 : memref<1x1x128xi32, #tpu.memory_space<hbm>> -> memref<1x128xi32, #tpu.memory_space<hbm>>
        tpu.enqueue_dma source(%dma_start3A_364 : memref<1x128xi32, #tpu.memory_space<hbm>>) target(%dma_start3A_361 : memref<1x128xi32, #tpu.memory_space<vmem>>) target_semaphore(%run_scoped3A_352 : memref<!tpu.dma_semaphore, #tpu.memory_space<semaphore_mem>>)
        %dma_wait3A_365 = arith.constant 78 : i32
        %dma_wait3A_366 = arith.constant 0 : i32
        %dma_wait3A_367 = tpu.memref_slice %arg7[%dma_wait3A_365, %dma_wait3A_366] : memref<79x128xi32, #tpu.memory_space<vmem>> -> memref<1x128xi32, #tpu.memory_space<vmem>>
        %dma_wait3A_368 = arith.constant 0 : i32
        %dma_wait3A_369 = tpu.memref_slice %arg4[%run_scoped3A_351, %add3A_350, %dma_wait3A_368] : memref<2x2500x128xi32, #tpu.memory_space<hbm>> -> memref<1x1x128xi32, #tpu.memory_space<hbm>>
        %dma_wait3A_370 = tpu.memref_squeeze %dma_wait3A_369 : memref<1x1x128xi32, #tpu.memory_space<hbm>> -> memref<1x128xi32, #tpu.memory_space<hbm>>
        %dma_wait3A_371 = arith.constant 78 : i32
        %dma_wait3A_372 = arith.constant 0 : i32
        %dma_wait3A_373 = tpu.memref_slice %arg7[%dma_wait3A_371, %dma_wait3A_372] : memref<79x128xi32, #tpu.memory_space<vmem>> -> memref<1x128xi32, #tpu.memory_space<vmem>>
        %dma_wait3A_374 = arith.constant 0 : i32
        %dma_wait3A_375 = tpu.memref_slice %arg4[%run_scoped3A_351, %add3A_350, %dma_wait3A_374] : memref<2x2500x128xi32, #tpu.memory_space<hbm>> -> memref<1x1x128xi32, #tpu.memory_space<hbm>>
        %dma_wait3A_376 = tpu.memref_squeeze %dma_wait3A_375 : memref<1x1x128xi32, #tpu.memory_space<hbm>> -> memref<1x128xi32, #tpu.memory_space<hbm>>
        tpu.wait_dma2 semaphore(%run_scoped3A_352 : memref<!tpu.dma_semaphore, #tpu.memory_space<semaphore_mem>>) src(%dma_wait3A_376 : memref<1x128xi32, #tpu.memory_space<hbm>>) dst(%dma_wait3A_373 : memref<1x128xi32, #tpu.memory_space<vmem>>)
        tpu.yield
      }) : () -> ()
    } else {
    }
    %barrier3A = arith.constant 0 : index
    tpu.barrier barrier_id(%barrier3A)
    %dma_start3A = arith.constant 0 : i32
    %dma_start3A_34 = arith.constant 0 : i32
    %dma_start3A_35 = tpu.memref_slice %arg6[%dma_start3A, %dma_start3A_34] : memref<79x128xi32, #tpu.memory_space<vmem>> -> memref<1x128xi32, #tpu.memory_space<vmem>>
    %dma_start3A_36 = tpu.memref_squeeze %dma_start3A_35 : memref<1x128xi32, #tpu.memory_space<vmem>> -> memref<128xi32, #tpu.memory_space<vmem>>
    %dma_start3A_37 = arith.constant 0 : i32
    %dma_start3A_38 = arith.constant 0 : i32
    %dma_start3A_39 = tpu.memref_slice %arg2[%dma_start3A_37, %dma_start3A_38] : memref<10240x64xf32, #tpu.memory_space<hbm>> -> memref<10240x64xf32, #tpu.memory_space<hbm>>
    tpu.enqueue_indirect_dma source(%dma_start3A_39 : memref<10240x64xf32, #tpu.memory_space<hbm>>) target(%arg8 : memref<128x64xf32, #tpu.memory_space<vmem>>) offsets(%dma_start3A_36 : memref<128xi32, #tpu.memory_space<vmem>>) semaphore(%arg12 : memref<!tpu.dma_semaphore, #tpu.memory_space<semaphore_mem>>)
    %dma_start3A_40 = arith.constant 1 : i32
    %dma_start3A_41 = arith.constant 0 : i32
    %dma_start3A_42 = tpu.memref_slice %arg6[%dma_start3A_40, %dma_start3A_41] : memref<79x128xi32, #tpu.memory_space<vmem>> -> memref<1x128xi32, #tpu.memory_space<vmem>>
    %dma_start3A_43 = tpu.memref_squeeze %dma_start3A_42 : memref<1x128xi32, #tpu.memory_space<vmem>> -> memref<128xi32, #tpu.memory_space<vmem>>
    %dma_start3A_44 = arith.constant 0 : i32
    %dma_start3A_45 = arith.constant 0 : i32
    %dma_start3A_46 = tpu.memref_slice %arg2[%dma_start3A_44, %dma_start3A_45] : memref<10240x64xf32, #tpu.memory_space<hbm>> -> memref<10240x64xf32, #tpu.memory_space<hbm>>
    tpu.enqueue_indirect_dma source(%dma_start3A_46 : memref<10240x64xf32, #tpu.memory_space<hbm>>) target(%arg9 : memref<128x64xf32, #tpu.memory_space<vmem>>) offsets(%dma_start3A_43 : memref<128xi32, #tpu.memory_space<vmem>>) semaphore(%arg13 : memref<!tpu.dma_semaphore, #tpu.memory_space<semaphore_mem>>)
    %dma_start3A_47 = arith.constant 2 : i32
    %dma_start3A_48 = arith.constant 0 : i32
    %dma_start3A_49 = tpu.memref_slice %arg6[%dma_start3A_47, %dma_start3A_48] : memref<79x128xi32, #tpu.memory_space<vmem>> -> memref<1x128xi32, #tpu.memory_space<vmem>>
    %dma_start3A_50 = tpu.memref_squeeze %dma_start3A_49 : memref<1x128xi32, #tpu.memory_space<vmem>> -> memref<128xi32, #tpu.memory_space<vmem>>
    %dma_start3A_51 = arith.constant 0 : i32
    %dma_start3A_52 = arith.constant 0 : i32
    %dma_start3A_53 = tpu.memref_slice %arg2[%dma_start3A_51, %dma_start3A_52] : memref<10240x64xf32, #tpu.memory_space<hbm>> -> memref<10240x64xf32, #tpu.memory_space<hbm>>
    tpu.enqueue_indirect_dma source(%dma_start3A_53 : memref<10240x64xf32, #tpu.memory_space<hbm>>) target(%arg10 : memref<128x64xf32, #tpu.memory_space<vmem>>) offsets(%dma_start3A_50 : memref<128xi32, #tpu.memory_space<vmem>>) semaphore(%arg14 : memref<!tpu.dma_semaphore, #tpu.memory_space<semaphore_mem>>)
    %dma_start3A_54 = arith.constant 3 : i32
    %dma_start3A_55 = arith.constant 0 : i32
    %dma_start3A_56 = tpu.memref_slice %arg6[%dma_start3A_54, %dma_start3A_55] : memref<79x128xi32, #tpu.memory_space<vmem>> -> memref<1x128xi32, #tpu.memory_space<vmem>>
    %dma_start3A_57 = tpu.memref_squeeze %dma_start3A_56 : memref<1x128xi32, #tpu.memory_space<vmem>> -> memref<128xi32, #tpu.memory_space<vmem>>
    %dma_start3A_58 = arith.constant 0 : i32
    %dma_start3A_59 = arith.constant 0 : i32
    %dma_start3A_60 = tpu.memref_slice %arg2[%dma_start3A_58, %dma_start3A_59] : memref<10240x64xf32, #tpu.memory_space<hbm>> -> memref<10240x64xf32, #tpu.memory_space<hbm>>
    tpu.enqueue_indirect_dma source(%dma_start3A_60 : memref<10240x64xf32, #tpu.memory_space<hbm>>) target(%arg11 : memref<128x64xf32, #tpu.memory_space<vmem>>) offsets(%dma_start3A_57 : memref<128xi32, #tpu.memory_space<vmem>>) semaphore(%arg15 : memref<!tpu.dma_semaphore, #tpu.memory_space<semaphore_mem>>)
    %scan3A_61 = arith.constant 0 : i32
    %scan3A_62 = arith.constant 0 : i32
    %scan3A_63 = arith.constant 18 : i32
    %scan3A_64 = arith.addi %scan3A_62, %scan3A_63 : i32
    %scan3A_65 = arith.constant 1 : i32
    %scan3A_66 = scf.for %scan3A_346 = %scan3A_62 to %scan3A_64 step %scan3A_65 iter_args(%scan3A_347 = %scan3A_61) -> (i32)  : i32 {
      %mul3A_348 = arith.constant 4 : i32
      %mul3A_349 = arith.muli %scan3A_346, %mul3A_348 : i32
      %add3A_350 = arith.constant 0 : i32
      %add3A_351 = arith.addi %mul3A_349, %add3A_350 : i32
      %dma_wait3A_352 = arith.constant 0 : i32
      %dma_wait3A_353 = tpu.memref_slice %arg6[%add3A_351, %dma_wait3A_352] : memref<79x128xi32, #tpu.memory_space<vmem>> -> memref<1x128xi32, #tpu.memory_space<vmem>>
      %dma_wait3A_354 = tpu.memref_squeeze %dma_wait3A_353 : memref<1x128xi32, #tpu.memory_space<vmem>> -> memref<128xi32, #tpu.memory_space<vmem>>
      %dma_wait3A_355 = arith.constant 0 : i32
      %dma_wait3A_356 = arith.constant 0 : i32
      %dma_wait3A_357 = tpu.memref_slice %arg2[%dma_wait3A_355, %dma_wait3A_356] : memref<10240x64xf32, #tpu.memory_space<hbm>> -> memref<10240x64xf32, #tpu.memory_space<hbm>>
      tpu.wait_indirect_dma semaphore(%arg12 : memref<!tpu.dma_semaphore, #tpu.memory_space<semaphore_mem>>) src(%dma_wait3A_357 : memref<10240x64xf32, #tpu.memory_space<hbm>>) dst(%arg8 : memref<128x64xf32, #tpu.memory_space<vmem>>)
      "tpu.region"() ({
        %run_scoped3A_421 = tpu.sem_alloc : memref<!tpu.dma_semaphore, #tpu.memory_space<semaphore_mem>>
        %dma_start3A_422 = arith.constant 0 : i32
        %dma_start3A_423 = tpu.memref_slice %arg7[%add3A_351, %dma_start3A_422] : memref<79x128xi32, #tpu.memory_space<vmem>> -> memref<1x128xi32, #tpu.memory_space<vmem>>
        %dma_start3A_424 = tpu.memref_squeeze %dma_start3A_423 : memref<1x128xi32, #tpu.memory_space<vmem>> -> memref<128xi32, #tpu.memory_space<vmem>>
        %dma_start3A_425 = arith.constant 0 : i32
        %dma_start3A_426 = arith.constant 0 : i32
        %dma_start3A_427 = tpu.memref_slice %arg16[%dma_start3A_425, %dma_start3A_426] : memref<10240x64xf32, #tpu.memory_space<vmem_shared>> -> memref<10240x64xf32, #tpu.memory_space<vmem_shared>>
        tpu.enqueue_indirect_dma source(%arg8 : memref<128x64xf32, #tpu.memory_space<vmem>>) target(%dma_start3A_427 : memref<10240x64xf32, #tpu.memory_space<vmem_shared>>) offsets(%dma_start3A_424 : memref<128xi32, #tpu.memory_space<vmem>>) semaphore(%run_scoped3A_421 : memref<!tpu.dma_semaphore, #tpu.memory_space<semaphore_mem>>) {add = true}
        %dma_wait3A_428 = arith.constant 0 : i32
        %dma_wait3A_429 = tpu.memref_slice %arg7[%add3A_351, %dma_wait3A_428] : memref<79x128xi32, #tpu.memory_space<vmem>> -> memref<1x128xi32, #tpu.memory_space<vmem>>
        %dma_wait3A_430 = tpu.memref_squeeze %dma_wait3A_429 : memref<1x128xi32, #tpu.memory_space<vmem>> -> memref<128xi32, #tpu.memory_space<vmem>>
        %dma_wait3A_431 = arith.constant 0 : i32
        %dma_wait3A_432 = arith.constant 0 : i32
        %dma_wait3A_433 = tpu.memref_slice %arg16[%dma_wait3A_431, %dma_wait3A_432] : memref<10240x64xf32, #tpu.memory_space<vmem_shared>> -> memref<10240x64xf32, #tpu.memory_space<vmem_shared>>
        tpu.wait_indirect_dma semaphore(%run_scoped3A_421 : memref<!tpu.dma_semaphore, #tpu.memory_space<semaphore_mem>>) src(%arg8 : memref<128x64xf32, #tpu.memory_space<vmem>>) dst(%dma_wait3A_433 : memref<10240x64xf32, #tpu.memory_space<vmem_shared>>)
        tpu.yield
      }) : () -> ()
      %add3A_358 = arith.constant 4 : i32
      %add3A_359 = arith.addi %add3A_351, %add3A_358 : i32
      %dma_start3A_360 = arith.constant 0 : i32
      %dma_start3A_361 = tpu.memref_slice %arg6[%add3A_359, %dma_start3A_360] : memref<79x128xi32, #tpu.memory_space<vmem>> -> memref<1x128xi32, #tpu.memory_space<vmem>>
      %dma_start3A_362 = tpu.memref_squeeze %dma_start3A_361 : memref<1x128xi32, #tpu.memory_space<vmem>> -> memref<128xi32, #tpu.memory_space<vmem>>
      %dma_start3A_363 = arith.constant 0 : i32
      %dma_start3A_364 = arith.constant 0 : i32
      %dma_start3A_365 = tpu.memref_slice %arg2[%dma_start3A_363, %dma_start3A_364] : memref<10240x64xf32, #tpu.memory_space<hbm>> -> memref<10240x64xf32, #tpu.memory_space<hbm>>
      tpu.enqueue_indirect_dma source(%dma_start3A_365 : memref<10240x64xf32, #tpu.memory_space<hbm>>) target(%arg8 : memref<128x64xf32, #tpu.memory_space<vmem>>) offsets(%dma_start3A_362 : memref<128xi32, #tpu.memory_space<vmem>>) semaphore(%arg12 : memref<!tpu.dma_semaphore, #tpu.memory_space<semaphore_mem>>)
      %mul3A_366 = arith.constant 4 : i32
      %mul3A_367 = arith.muli %scan3A_346, %mul3A_366 : i32
      %add3A_368 = arith.constant 1 : i32
      %add3A_369 = arith.addi %mul3A_367, %add3A_368 : i32
      %dma_wait3A_370 = arith.constant 0 : i32
      %dma_wait3A_371 = tpu.memref_slice %arg6[%add3A_369, %dma_wait3A_370] : memref<79x128xi32, #tpu.memory_space<vmem>> -> memref<1x128xi32, #tpu.memory_space<vmem>>
      %dma_wait3A_372 = tpu.memref_squeeze %dma_wait3A_371 : memref<1x128xi32, #tpu.memory_space<vmem>> -> memref<128xi32, #tpu.memory_space<vmem>>
      %dma_wait3A_373 = arith.constant 0 : i32
      %dma_wait3A_374 = arith.constant 0 : i32
      %dma_wait3A_375 = tpu.memref_slice %arg2[%dma_wait3A_373, %dma_wait3A_374] : memref<10240x64xf32, #tpu.memory_space<hbm>> -> memref<10240x64xf32, #tpu.memory_space<hbm>>
      tpu.wait_indirect_dma semaphore(%arg13 : memref<!tpu.dma_semaphore, #tpu.memory_space<semaphore_mem>>) src(%dma_wait3A_375 : memref<10240x64xf32, #tpu.memory_space<hbm>>) dst(%arg9 : memref<128x64xf32, #tpu.memory_space<vmem>>)
      "tpu.region"() ({
        %run_scoped3A_421 = tpu.sem_alloc : memref<!tpu.dma_semaphore, #tpu.memory_space<semaphore_mem>>
        %dma_start3A_422 = arith.constant 0 : i32
        %dma_start3A_423 = tpu.memref_slice %arg7[%add3A_369, %dma_start3A_422] : memref<79x128xi32, #tpu.memory_space<vmem>> -> memref<1x128xi32, #tpu.memory_space<vmem>>
        %dma_start3A_424 = tpu.memref_squeeze %dma_start3A_423 : memref<1x128xi32, #tpu.memory_space<vmem>> -> memref<128xi32, #tpu.memory_space<vmem>>
        %dma_start3A_425 = arith.constant 0 : i32
        %dma_start3A_426 = arith.constant 0 : i32
        %dma_start3A_427 = tpu.memref_slice %arg16[%dma_start3A_425, %dma_start3A_426] : memref<10240x64xf32, #tpu.memory_space<vmem_shared>> -> memref<10240x64xf32, #tpu.memory_space<vmem_shared>>
        tpu.enqueue_indirect_dma source(%arg9 : memref<128x64xf32, #tpu.memory_space<vmem>>) target(%dma_start3A_427 : memref<10240x64xf32, #tpu.memory_space<vmem_shared>>) offsets(%dma_start3A_424 : memref<128xi32, #tpu.memory_space<vmem>>) semaphore(%run_scoped3A_421 : memref<!tpu.dma_semaphore, #tpu.memory_space<semaphore_mem>>) {add = true}
        %dma_wait3A_428 = arith.constant 0 : i32
        %dma_wait3A_429 = tpu.memref_slice %arg7[%add3A_369, %dma_wait3A_428] : memref<79x128xi32, #tpu.memory_space<vmem>> -> memref<1x128xi32, #tpu.memory_space<vmem>>
        %dma_wait3A_430 = tpu.memref_squeeze %dma_wait3A_429 : memref<1x128xi32, #tpu.memory_space<vmem>> -> memref<128xi32, #tpu.memory_space<vmem>>
        %dma_wait3A_431 = arith.constant 0 : i32
        %dma_wait3A_432 = arith.constant 0 : i32
        %dma_wait3A_433 = tpu.memref_slice %arg16[%dma_wait3A_431, %dma_wait3A_432] : memref<10240x64xf32, #tpu.memory_space<vmem_shared>> -> memref<10240x64xf32, #tpu.memory_space<vmem_shared>>
        tpu.wait_indirect_dma semaphore(%run_scoped3A_421 : memref<!tpu.dma_semaphore, #tpu.memory_space<semaphore_mem>>) src(%arg9 : memref<128x64xf32, #tpu.memory_space<vmem>>) dst(%dma_wait3A_433 : memref<10240x64xf32, #tpu.memory_space<vmem_shared>>)
        tpu.yield
      }) : () -> ()
      %add3A_376 = arith.constant 4 : i32
      %add3A_377 = arith.addi %add3A_369, %add3A_376 : i32
      %dma_start3A_378 = arith.constant 0 : i32
      %dma_start3A_379 = tpu.memref_slice %arg6[%add3A_377, %dma_start3A_378] : memref<79x128xi32, #tpu.memory_space<vmem>> -> memref<1x128xi32, #tpu.memory_space<vmem>>
      %dma_start3A_380 = tpu.memref_squeeze %dma_start3A_379 : memref<1x128xi32, #tpu.memory_space<vmem>> -> memref<128xi32, #tpu.memory_space<vmem>>
      %dma_start3A_381 = arith.constant 0 : i32
      %dma_start3A_382 = arith.constant 0 : i32
      %dma_start3A_383 = tpu.memref_slice %arg2[%dma_start3A_381, %dma_start3A_382] : memref<10240x64xf32, #tpu.memory_space<hbm>> -> memref<10240x64xf32, #tpu.memory_space<hbm>>
      tpu.enqueue_indirect_dma source(%dma_start3A_383 : memref<10240x64xf32, #tpu.memory_space<hbm>>) target(%arg9 : memref<128x64xf32, #tpu.memory_space<vmem>>) offsets(%dma_start3A_380 : memref<128xi32, #tpu.memory_space<vmem>>) semaphore(%arg13 : memref<!tpu.dma_semaphore, #tpu.memory_space<semaphore_mem>>)
      %mul3A_384 = arith.constant 4 : i32
      %mul3A_385 = arith.muli %scan3A_346, %mul3A_384 : i32
      %add3A_386 = arith.constant 2 : i32
      %add3A_387 = arith.addi %mul3A_385, %add3A_386 : i32
      %dma_wait3A_388 = arith.constant 0 : i32
      %dma_wait3A_389 = tpu.memref_slice %arg6[%add3A_387, %dma_wait3A_388] : memref<79x128xi32, #tpu.memory_space<vmem>> -> memref<1x128xi32, #tpu.memory_space<vmem>>
      %dma_wait3A_390 = tpu.memref_squeeze %dma_wait3A_389 : memref<1x128xi32, #tpu.memory_space<vmem>> -> memref<128xi32, #tpu.memory_space<vmem>>
      %dma_wait3A_391 = arith.constant 0 : i32
      %dma_wait3A_392 = arith.constant 0 : i32
      %dma_wait3A_393 = tpu.memref_slice %arg2[%dma_wait3A_391, %dma_wait3A_392] : memref<10240x64xf32, #tpu.memory_space<hbm>> -> memref<10240x64xf32, #tpu.memory_space<hbm>>
      tpu.wait_indirect_dma semaphore(%arg14 : memref<!tpu.dma_semaphore, #tpu.memory_space<semaphore_mem>>) src(%dma_wait3A_393 : memref<10240x64xf32, #tpu.memory_space<hbm>>) dst(%arg10 : memref<128x64xf32, #tpu.memory_space<vmem>>)
      "tpu.region"() ({
        %run_scoped3A_421 = tpu.sem_alloc : memref<!tpu.dma_semaphore, #tpu.memory_space<semaphore_mem>>
        %dma_start3A_422 = arith.constant 0 : i32
        %dma_start3A_423 = tpu.memref_slice %arg7[%add3A_387, %dma_start3A_422] : memref<79x128xi32, #tpu.memory_space<vmem>> -> memref<1x128xi32, #tpu.memory_space<vmem>>
        %dma_start3A_424 = tpu.memref_squeeze %dma_start3A_423 : memref<1x128xi32, #tpu.memory_space<vmem>> -> memref<128xi32, #tpu.memory_space<vmem>>
        %dma_start3A_425 = arith.constant 0 : i32
        %dma_start3A_426 = arith.constant 0 : i32
        %dma_start3A_427 = tpu.memref_slice %arg16[%dma_start3A_425, %dma_start3A_426] : memref<10240x64xf32, #tpu.memory_space<vmem_shared>> -> memref<10240x64xf32, #tpu.memory_space<vmem_shared>>
        tpu.enqueue_indirect_dma source(%arg10 : memref<128x64xf32, #tpu.memory_space<vmem>>) target(%dma_start3A_427 : memref<10240x64xf32, #tpu.memory_space<vmem_shared>>) offsets(%dma_start3A_424 : memref<128xi32, #tpu.memory_space<vmem>>) semaphore(%run_scoped3A_421 : memref<!tpu.dma_semaphore, #tpu.memory_space<semaphore_mem>>) {add = true}
        %dma_wait3A_428 = arith.constant 0 : i32
        %dma_wait3A_429 = tpu.memref_slice %arg7[%add3A_387, %dma_wait3A_428] : memref<79x128xi32, #tpu.memory_space<vmem>> -> memref<1x128xi32, #tpu.memory_space<vmem>>
        %dma_wait3A_430 = tpu.memref_squeeze %dma_wait3A_429 : memref<1x128xi32, #tpu.memory_space<vmem>> -> memref<128xi32, #tpu.memory_space<vmem>>
        %dma_wait3A_431 = arith.constant 0 : i32
        %dma_wait3A_432 = arith.constant 0 : i32
        %dma_wait3A_433 = tpu.memref_slice %arg16[%dma_wait3A_431, %dma_wait3A_432] : memref<10240x64xf32, #tpu.memory_space<vmem_shared>> -> memref<10240x64xf32, #tpu.memory_space<vmem_shared>>
        tpu.wait_indirect_dma semaphore(%run_scoped3A_421 : memref<!tpu.dma_semaphore, #tpu.memory_space<semaphore_mem>>) src(%arg10 : memref<128x64xf32, #tpu.memory_space<vmem>>) dst(%dma_wait3A_433 : memref<10240x64xf32, #tpu.memory_space<vmem_shared>>)
        tpu.yield
      }) : () -> ()
      %add3A_394 = arith.constant 4 : i32
      %add3A_395 = arith.addi %add3A_387, %add3A_394 : i32
      %dma_start3A_396 = arith.constant 0 : i32
      %dma_start3A_397 = tpu.memref_slice %arg6[%add3A_395, %dma_start3A_396] : memref<79x128xi32, #tpu.memory_space<vmem>> -> memref<1x128xi32, #tpu.memory_space<vmem>>
      %dma_start3A_398 = tpu.memref_squeeze %dma_start3A_397 : memref<1x128xi32, #tpu.memory_space<vmem>> -> memref<128xi32, #tpu.memory_space<vmem>>
      %dma_start3A_399 = arith.constant 0 : i32
      %dma_start3A_400 = arith.constant 0 : i32
      %dma_start3A_401 = tpu.memref_slice %arg2[%dma_start3A_399, %dma_start3A_400] : memref<10240x64xf32, #tpu.memory_space<hbm>> -> memref<10240x64xf32, #tpu.memory_space<hbm>>
      tpu.enqueue_indirect_dma source(%dma_start3A_401 : memref<10240x64xf32, #tpu.memory_space<hbm>>) target(%arg10 : memref<128x64xf32, #tpu.memory_space<vmem>>) offsets(%dma_start3A_398 : memref<128xi32, #tpu.memory_space<vmem>>) semaphore(%arg14 : memref<!tpu.dma_semaphore, #tpu.memory_space<semaphore_mem>>)
      %mul3A_402 = arith.constant 4 : i32
      %mul3A_403 = arith.muli %scan3A_346, %mul3A_402 : i32
      %add3A_404 = arith.constant 3 : i32
      %add3A_405 = arith.addi %mul3A_403, %add3A_404 : i32
      %dma_wait3A_406 = arith.constant 0 : i32
      %dma_wait3A_407 = tpu.memref_slice %arg6[%add3A_405, %dma_wait3A_406] : memref<79x128xi32, #tpu.memory_space<vmem>> -> memref<1x128xi32, #tpu.memory_space<vmem>>
      %dma_wait3A_408 = tpu.memref_squeeze %dma_wait3A_407 : memref<1x128xi32, #tpu.memory_space<vmem>> -> memref<128xi32, #tpu.memory_space<vmem>>
      %dma_wait3A_409 = arith.constant 0 : i32
      %dma_wait3A_410 = arith.constant 0 : i32
      %dma_wait3A_411 = tpu.memref_slice %arg2[%dma_wait3A_409, %dma_wait3A_410] : memref<10240x64xf32, #tpu.memory_space<hbm>> -> memref<10240x64xf32, #tpu.memory_space<hbm>>
      tpu.wait_indirect_dma semaphore(%arg15 : memref<!tpu.dma_semaphore, #tpu.memory_space<semaphore_mem>>) src(%dma_wait3A_411 : memref<10240x64xf32, #tpu.memory_space<hbm>>) dst(%arg11 : memref<128x64xf32, #tpu.memory_space<vmem>>)
      "tpu.region"() ({
        %run_scoped3A_421 = tpu.sem_alloc : memref<!tpu.dma_semaphore, #tpu.memory_space<semaphore_mem>>
        %dma_start3A_422 = arith.constant 0 : i32
        %dma_start3A_423 = tpu.memref_slice %arg7[%add3A_405, %dma_start3A_422] : memref<79x128xi32, #tpu.memory_space<vmem>> -> memref<1x128xi32, #tpu.memory_space<vmem>>
        %dma_start3A_424 = tpu.memref_squeeze %dma_start3A_423 : memref<1x128xi32, #tpu.memory_space<vmem>> -> memref<128xi32, #tpu.memory_space<vmem>>
        %dma_start3A_425 = arith.constant 0 : i32
        %dma_start3A_426 = arith.constant 0 : i32
        %dma_start3A_427 = tpu.memref_slice %arg16[%dma_start3A_425, %dma_start3A_426] : memref<10240x64xf32, #tpu.memory_space<vmem_shared>> -> memref<10240x64xf32, #tpu.memory_space<vmem_shared>>
        tpu.enqueue_indirect_dma source(%arg11 : memref<128x64xf32, #tpu.memory_space<vmem>>) target(%dma_start3A_427 : memref<10240x64xf32, #tpu.memory_space<vmem_shared>>) offsets(%dma_start3A_424 : memref<128xi32, #tpu.memory_space<vmem>>) semaphore(%run_scoped3A_421 : memref<!tpu.dma_semaphore, #tpu.memory_space<semaphore_mem>>) {add = true}
        %dma_wait3A_428 = arith.constant 0 : i32
        %dma_wait3A_429 = tpu.memref_slice %arg7[%add3A_405, %dma_wait3A_428] : memref<79x128xi32, #tpu.memory_space<vmem>> -> memref<1x128xi32, #tpu.memory_space<vmem>>
        %dma_wait3A_430 = tpu.memref_squeeze %dma_wait3A_429 : memref<1x128xi32, #tpu.memory_space<vmem>> -> memref<128xi32, #tpu.memory_space<vmem>>
        %dma_wait3A_431 = arith.constant 0 : i32
        %dma_wait3A_432 = arith.constant 0 : i32
        %dma_wait3A_433 = tpu.memref_slice %arg16[%dma_wait3A_431, %dma_wait3A_432] : memref<10240x64xf32, #tpu.memory_space<vmem_shared>> -> memref<10240x64xf32, #tpu.memory_space<vmem_shared>>
        tpu.wait_indirect_dma semaphore(%run_scoped3A_421 : memref<!tpu.dma_semaphore, #tpu.memory_space<semaphore_mem>>) src(%arg11 : memref<128x64xf32, #tpu.memory_space<vmem>>) dst(%dma_wait3A_433 : memref<10240x64xf32, #tpu.memory_space<vmem_shared>>)
        tpu.yield
      }) : () -> ()
      %add3A_412 = arith.constant 4 : i32
      %add3A_413 = arith.addi %add3A_405, %add3A_412 : i32
      %dma_start3A_414 = arith.constant 0 : i32
      %dma_start3A_415 = tpu.memref_slice %arg6[%add3A_413, %dma_start3A_414] : memref<79x128xi32, #tpu.memory_space<vmem>> -> memref<1x128xi32, #tpu.memory_space<vmem>>
      %dma_start3A_416 = tpu.memref_squeeze %dma_start3A_415 : memref<1x128xi32, #tpu.memory_space<vmem>> -> memref<128xi32, #tpu.memory_space<vmem>>
      %dma_start3A_417 = arith.constant 0 : i32
      %dma_start3A_418 = arith.constant 0 : i32
      %dma_start3A_419 = tpu.memref_slice %arg2[%dma_start3A_417, %dma_start3A_418] : memref<10240x64xf32, #tpu.memory_space<hbm>> -> memref<10240x64xf32, #tpu.memory_space<hbm>>
      tpu.enqueue_indirect_dma source(%dma_start3A_419 : memref<10240x64xf32, #tpu.memory_space<hbm>>) target(%arg11 : memref<128x64xf32, #tpu.memory_space<vmem>>) offsets(%dma_start3A_416 : memref<128xi32, #tpu.memory_space<vmem>>) semaphore(%arg15 : memref<!tpu.dma_semaphore, #tpu.memory_space<semaphore_mem>>)
      %scan3A_420 = arith.constant 0 : i32
      scf.yield %scan3A_420 : i32
    }
    %scan3A_67 = arith.constant 18 : i32
    %dma_wait3A = arith.constant 72 : i32
    %dma_wait3A_68 = arith.constant 0 : i32
    %dma_wait3A_69 = tpu.memref_slice %arg6[%dma_wait3A, %dma_wait3A_68] : memref<79x128xi32, #tpu.memory_space<vmem>> -> memref<1x128xi32, #tpu.memory_space<vmem>>
    %dma_wait3A_70 = tpu.memref_squeeze %dma_wait3A_69 : memref<1x128xi32, #tpu.memory_space<vmem>> -> memref<128xi32, #tpu.memory_space<vmem>>
    %dma_wait3A_71 = arith.constant 0 : i32
    %dma_wait3A_72 = arith.constant 0 : i32
    %dma_wait3A_73 = tpu.memref_slice %arg2[%dma_wait3A_71, %dma_wait3A_72] : memref<10240x64xf32, #tpu.memory_space<hbm>> -> memref<10240x64xf32, #tpu.memory_space<hbm>>
    tpu.wait_indirect_dma semaphore(%arg12 : memref<!tpu.dma_semaphore, #tpu.memory_space<semaphore_mem>>) src(%dma_wait3A_73 : memref<10240x64xf32, #tpu.memory_space<hbm>>) dst(%arg8 : memref<128x64xf32, #tpu.memory_space<vmem>>)
    %run_scoped3A_74 = arith.constant 72 : i32
    "tpu.region"() ({
      %run_scoped3A_346 = tpu.sem_alloc : memref<!tpu.dma_semaphore, #tpu.memory_space<semaphore_mem>>
      %dma_start3A_347 = arith.constant 0 : i32
      %dma_start3A_348 = tpu.memref_slice %arg7[%run_scoped3A_74, %dma_start3A_347] : memref<79x128xi32, #tpu.memory_space<vmem>> -> memref<1x128xi32, #tpu.memory_space<vmem>>
      %dma_start3A_349 = tpu.memref_squeeze %dma_start3A_348 : memref<1x128xi32, #tpu.memory_space<vmem>> -> memref<128xi32, #tpu.memory_space<vmem>>
      %dma_start3A_350 = arith.constant 0 : i32
      %dma_start3A_351 = arith.constant 0 : i32
      %dma_start3A_352 = tpu.memref_slice %arg16[%dma_start3A_350, %dma_start3A_351] : memref<10240x64xf32, #tpu.memory_space<vmem_shared>> -> memref<10240x64xf32, #tpu.memory_space<vmem_shared>>
      tpu.enqueue_indirect_dma source(%arg8 : memref<128x64xf32, #tpu.memory_space<vmem>>) target(%dma_start3A_352 : memref<10240x64xf32, #tpu.memory_space<vmem_shared>>) offsets(%dma_start3A_349 : memref<128xi32, #tpu.memory_space<vmem>>) semaphore(%run_scoped3A_346 : memref<!tpu.dma_semaphore, #tpu.memory_space<semaphore_mem>>) {add = true}
      %dma_wait3A_353 = arith.constant 0 : i32
      %dma_wait3A_354 = tpu.memref_slice %arg7[%run_scoped3A_74, %dma_wait3A_353] : memref<79x128xi32, #tpu.memory_space<vmem>> -> memref<1x128xi32, #tpu.memory_space<vmem>>
      %dma_wait3A_355 = tpu.memref_squeeze %dma_wait3A_354 : memref<1x128xi32, #tpu.memory_space<vmem>> -> memref<128xi32, #tpu.memory_space<vmem>>
      %dma_wait3A_356 = arith.constant 0 : i32
      %dma_wait3A_357 = arith.constant 0 : i32
      %dma_wait3A_358 = tpu.memref_slice %arg16[%dma_wait3A_356, %dma_wait3A_357] : memref<10240x64xf32, #tpu.memory_space<vmem_shared>> -> memref<10240x64xf32, #tpu.memory_space<vmem_shared>>
      tpu.wait_indirect_dma semaphore(%run_scoped3A_346 : memref<!tpu.dma_semaphore, #tpu.memory_space<semaphore_mem>>) src(%arg8 : memref<128x64xf32, #tpu.memory_space<vmem>>) dst(%dma_wait3A_358 : memref<10240x64xf32, #tpu.memory_space<vmem_shared>>)
      tpu.yield
    }) : () -> ()
    %dma_start3A_75 = arith.constant 76 : i32
    %dma_start3A_76 = arith.constant 0 : i32
    %dma_start3A_77 = tpu.memref_slice %arg6[%dma_start3A_75, %dma_start3A_76] : memref<79x128xi32, #tpu.memory_space<vmem>> -> memref<1x128xi32, #tpu.memory_space<vmem>>
    %dma_start3A_78 = tpu.memref_squeeze %dma_start3A_77 : memref<1x128xi32, #tpu.memory_space<vmem>> -> memref<128xi32, #tpu.memory_space<vmem>>
    %dma_start3A_79 = arith.constant 0 : i32
    %dma_start3A_80 = arith.constant 0 : i32
    %dma_start3A_81 = tpu.memref_slice %arg2[%dma_start3A_79, %dma_start3A_80] : memref<10240x64xf32, #tpu.memory_space<hbm>> -> memref<10240x64xf32, #tpu.memory_space<hbm>>
    tpu.enqueue_indirect_dma source(%dma_start3A_81 : memref<10240x64xf32, #tpu.memory_space<hbm>>) target(%arg8 : memref<128x64xf32, #tpu.memory_space<vmem>>) offsets(%dma_start3A_78 : memref<128xi32, #tpu.memory_space<vmem>>) semaphore(%arg12 : memref<!tpu.dma_semaphore, #tpu.memory_space<semaphore_mem>>)
    %dma_wait3A_82 = arith.constant 73 : i32
    %dma_wait3A_83 = arith.constant 0 : i32
    %dma_wait3A_84 = tpu.memref_slice %arg6[%dma_wait3A_82, %dma_wait3A_83] : memref<79x128xi32, #tpu.memory_space<vmem>> -> memref<1x128xi32, #tpu.memory_space<vmem>>
    %dma_wait3A_85 = tpu.memref_squeeze %dma_wait3A_84 : memref<1x128xi32, #tpu.memory_space<vmem>> -> memref<128xi32, #tpu.memory_space<vmem>>
    %dma_wait3A_86 = arith.constant 0 : i32
    %dma_wait3A_87 = arith.constant 0 : i32
    %dma_wait3A_88 = tpu.memref_slice %arg2[%dma_wait3A_86, %dma_wait3A_87] : memref<10240x64xf32, #tpu.memory_space<hbm>> -> memref<10240x64xf32, #tpu.memory_space<hbm>>
    tpu.wait_indirect_dma semaphore(%arg13 : memref<!tpu.dma_semaphore, #tpu.memory_space<semaphore_mem>>) src(%dma_wait3A_88 : memref<10240x64xf32, #tpu.memory_space<hbm>>) dst(%arg9 : memref<128x64xf32, #tpu.memory_space<vmem>>)
    %run_scoped3A_89 = arith.constant 73 : i32
    "tpu.region"() ({
      %run_scoped3A_346 = tpu.sem_alloc : memref<!tpu.dma_semaphore, #tpu.memory_space<semaphore_mem>>
      %dma_start3A_347 = arith.constant 0 : i32
      %dma_start3A_348 = tpu.memref_slice %arg7[%run_scoped3A_89, %dma_start3A_347] : memref<79x128xi32, #tpu.memory_space<vmem>> -> memref<1x128xi32, #tpu.memory_space<vmem>>
      %dma_start3A_349 = tpu.memref_squeeze %dma_start3A_348 : memref<1x128xi32, #tpu.memory_space<vmem>> -> memref<128xi32, #tpu.memory_space<vmem>>
      %dma_start3A_350 = arith.constant 0 : i32
      %dma_start3A_351 = arith.constant 0 : i32
      %dma_start3A_352 = tpu.memref_slice %arg16[%dma_start3A_350, %dma_start3A_351] : memref<10240x64xf32, #tpu.memory_space<vmem_shared>> -> memref<10240x64xf32, #tpu.memory_space<vmem_shared>>
      tpu.enqueue_indirect_dma source(%arg9 : memref<128x64xf32, #tpu.memory_space<vmem>>) target(%dma_start3A_352 : memref<10240x64xf32, #tpu.memory_space<vmem_shared>>) offsets(%dma_start3A_349 : memref<128xi32, #tpu.memory_space<vmem>>) semaphore(%run_scoped3A_346 : memref<!tpu.dma_semaphore, #tpu.memory_space<semaphore_mem>>) {add = true}
      %dma_wait3A_353 = arith.constant 0 : i32
      %dma_wait3A_354 = tpu.memref_slice %arg7[%run_scoped3A_89, %dma_wait3A_353] : memref<79x128xi32, #tpu.memory_space<vmem>> -> memref<1x128xi32, #tpu.memory_space<vmem>>
      %dma_wait3A_355 = tpu.memref_squeeze %dma_wait3A_354 : memref<1x128xi32, #tpu.memory_space<vmem>> -> memref<128xi32, #tpu.memory_space<vmem>>
      %dma_wait3A_356 = arith.constant 0 : i32
      %dma_wait3A_357 = arith.constant 0 : i32
      %dma_wait3A_358 = tpu.memref_slice %arg16[%dma_wait3A_356, %dma_wait3A_357] : memref<10240x64xf32, #tpu.memory_space<vmem_shared>> -> memref<10240x64xf32, #tpu.memory_space<vmem_shared>>
      tpu.wait_indirect_dma semaphore(%run_scoped3A_346 : memref<!tpu.dma_semaphore, #tpu.memory_space<semaphore_mem>>) src(%arg9 : memref<128x64xf32, #tpu.memory_space<vmem>>) dst(%dma_wait3A_358 : memref<10240x64xf32, #tpu.memory_space<vmem_shared>>)
      tpu.yield
    }) : () -> ()
    %dma_start3A_90 = arith.constant 77 : i32
    %dma_start3A_91 = arith.constant 0 : i32
    %dma_start3A_92 = tpu.memref_slice %arg6[%dma_start3A_90, %dma_start3A_91] : memref<79x128xi32, #tpu.memory_space<vmem>> -> memref<1x128xi32, #tpu.memory_space<vmem>>
    %dma_start3A_93 = tpu.memref_squeeze %dma_start3A_92 : memref<1x128xi32, #tpu.memory_space<vmem>> -> memref<128xi32, #tpu.memory_space<vmem>>
    %dma_start3A_94 = arith.constant 0 : i32
    %dma_start3A_95 = arith.constant 0 : i32
    %dma_start3A_96 = tpu.memref_slice %arg2[%dma_start3A_94, %dma_start3A_95] : memref<10240x64xf32, #tpu.memory_space<hbm>> -> memref<10240x64xf32, #tpu.memory_space<hbm>>
    tpu.enqueue_indirect_dma source(%dma_start3A_96 : memref<10240x64xf32, #tpu.memory_space<hbm>>) target(%arg9 : memref<128x64xf32, #tpu.memory_space<vmem>>) offsets(%dma_start3A_93 : memref<128xi32, #tpu.memory_space<vmem>>) semaphore(%arg13 : memref<!tpu.dma_semaphore, #tpu.memory_space<semaphore_mem>>)
    %dma_wait3A_97 = arith.constant 74 : i32
    %dma_wait3A_98 = arith.constant 0 : i32
    %dma_wait3A_99 = tpu.memref_slice %arg6[%dma_wait3A_97, %dma_wait3A_98] : memref<79x128xi32, #tpu.memory_space<vmem>> -> memref<1x128xi32, #tpu.memory_space<vmem>>
    %dma_wait3A_100 = tpu.memref_squeeze %dma_wait3A_99 : memref<1x128xi32, #tpu.memory_space<vmem>> -> memref<128xi32, #tpu.memory_space<vmem>>
    %dma_wait3A_101 = arith.constant 0 : i32
    %dma_wait3A_102 = arith.constant 0 : i32
    %dma_wait3A_103 = tpu.memref_slice %arg2[%dma_wait3A_101, %dma_wait3A_102] : memref<10240x64xf32, #tpu.memory_space<hbm>> -> memref<10240x64xf32, #tpu.memory_space<hbm>>
    tpu.wait_indirect_dma semaphore(%arg14 : memref<!tpu.dma_semaphore, #tpu.memory_space<semaphore_mem>>) src(%dma_wait3A_103 : memref<10240x64xf32, #tpu.memory_space<hbm>>) dst(%arg10 : memref<128x64xf32, #tpu.memory_space<vmem>>)
    %run_scoped3A_104 = arith.constant 74 : i32
    "tpu.region"() ({
      %run_scoped3A_346 = tpu.sem_alloc : memref<!tpu.dma_semaphore, #tpu.memory_space<semaphore_mem>>
      %dma_start3A_347 = arith.constant 0 : i32
      %dma_start3A_348 = tpu.memref_slice %arg7[%run_scoped3A_104, %dma_start3A_347] : memref<79x128xi32, #tpu.memory_space<vmem>> -> memref<1x128xi32, #tpu.memory_space<vmem>>
      %dma_start3A_349 = tpu.memref_squeeze %dma_start3A_348 : memref<1x128xi32, #tpu.memory_space<vmem>> -> memref<128xi32, #tpu.memory_space<vmem>>
      %dma_start3A_350 = arith.constant 0 : i32
      %dma_start3A_351 = arith.constant 0 : i32
      %dma_start3A_352 = tpu.memref_slice %arg16[%dma_start3A_350, %dma_start3A_351] : memref<10240x64xf32, #tpu.memory_space<vmem_shared>> -> memref<10240x64xf32, #tpu.memory_space<vmem_shared>>
      tpu.enqueue_indirect_dma source(%arg10 : memref<128x64xf32, #tpu.memory_space<vmem>>) target(%dma_start3A_352 : memref<10240x64xf32, #tpu.memory_space<vmem_shared>>) offsets(%dma_start3A_349 : memref<128xi32, #tpu.memory_space<vmem>>) semaphore(%run_scoped3A_346 : memref<!tpu.dma_semaphore, #tpu.memory_space<semaphore_mem>>) {add = true}
      %dma_wait3A_353 = arith.constant 0 : i32
      %dma_wait3A_354 = tpu.memref_slice %arg7[%run_scoped3A_104, %dma_wait3A_353] : memref<79x128xi32, #tpu.memory_space<vmem>> -> memref<1x128xi32, #tpu.memory_space<vmem>>
      %dma_wait3A_355 = tpu.memref_squeeze %dma_wait3A_354 : memref<1x128xi32, #tpu.memory_space<vmem>> -> memref<128xi32, #tpu.memory_space<vmem>>
      %dma_wait3A_356 = arith.constant 0 : i32
      %dma_wait3A_357 = arith.constant 0 : i32
      %dma_wait3A_358 = tpu.memref_slice %arg16[%dma_wait3A_356, %dma_wait3A_357] : memref<10240x64xf32, #tpu.memory_space<vmem_shared>> -> memref<10240x64xf32, #tpu.memory_space<vmem_shared>>
      tpu.wait_indirect_dma semaphore(%run_scoped3A_346 : memref<!tpu.dma_semaphore, #tpu.memory_space<semaphore_mem>>) src(%arg10 : memref<128x64xf32, #tpu.memory_space<vmem>>) dst(%dma_wait3A_358 : memref<10240x64xf32, #tpu.memory_space<vmem_shared>>)
      tpu.yield
    }) : () -> ()
    %dma_wait3A_105 = arith.constant 75 : i32
    %dma_wait3A_106 = arith.constant 0 : i32
    %dma_wait3A_107 = tpu.memref_slice %arg6[%dma_wait3A_105, %dma_wait3A_106] : memref<79x128xi32, #tpu.memory_space<vmem>> -> memref<1x128xi32, #tpu.memory_space<vmem>>
    %dma_wait3A_108 = tpu.memref_squeeze %dma_wait3A_107 : memref<1x128xi32, #tpu.memory_space<vmem>> -> memref<128xi32, #tpu.memory_space<vmem>>
    %dma_wait3A_109 = arith.constant 0 : i32
    %dma_wait3A_110 = arith.constant 0 : i32
    %dma_wait3A_111 = tpu.memref_slice %arg2[%dma_wait3A_109, %dma_wait3A_110] : memref<10240x64xf32, #tpu.memory_space<hbm>> -> memref<10240x64xf32, #tpu.memory_space<hbm>>
    tpu.wait_indirect_dma semaphore(%arg15 : memref<!tpu.dma_semaphore, #tpu.memory_space<semaphore_mem>>) src(%dma_wait3A_111 : memref<10240x64xf32, #tpu.memory_space<hbm>>) dst(%arg11 : memref<128x64xf32, #tpu.memory_space<vmem>>)
    %run_scoped3A_112 = arith.constant 75 : i32
    "tpu.region"() ({
      %run_scoped3A_346 = tpu.sem_alloc : memref<!tpu.dma_semaphore, #tpu.memory_space<semaphore_mem>>
      %dma_start3A_347 = arith.constant 0 : i32
      %dma_start3A_348 = tpu.memref_slice %arg7[%run_scoped3A_112, %dma_start3A_347] : memref<79x128xi32, #tpu.memory_space<vmem>> -> memref<1x128xi32, #tpu.memory_space<vmem>>
      %dma_start3A_349 = tpu.memref_squeeze %dma_start3A_348 : memref<1x128xi32, #tpu.memory_space<vmem>> -> memref<128xi32, #tpu.memory_space<vmem>>
      %dma_start3A_350 = arith.constant 0 : i32
      %dma_start3A_351 = arith.constant 0 : i32
      %dma_start3A_352 = tpu.memref_slice %arg16[%dma_start3A_350, %dma_start3A_351] : memref<10240x64xf32, #tpu.memory_space<vmem_shared>> -> memref<10240x64xf32, #tpu.memory_space<vmem_shared>>
      tpu.enqueue_indirect_dma source(%arg11 : memref<128x64xf32, #tpu.memory_space<vmem>>) target(%dma_start3A_352 : memref<10240x64xf32, #tpu.memory_space<vmem_shared>>) offsets(%dma_start3A_349 : memref<128xi32, #tpu.memory_space<vmem>>) semaphore(%run_scoped3A_346 : memref<!tpu.dma_semaphore, #tpu.memory_space<semaphore_mem>>) {add = true}
      %dma_wait3A_353 = arith.constant 0 : i32
      %dma_wait3A_354 = tpu.memref_slice %arg7[%run_scoped3A_112, %dma_wait3A_353] : memref<79x128xi32, #tpu.memory_space<vmem>> -> memref<1x128xi32, #tpu.memory_space<vmem>>
      %dma_wait3A_355 = tpu.memref_squeeze %dma_wait3A_354 : memref<1x128xi32, #tpu.memory_space<vmem>> -> memref<128xi32, #tpu.memory_space<vmem>>
      %dma_wait3A_356 = arith.constant 0 : i32
      %dma_wait3A_357 = arith.constant 0 : i32
      %dma_wait3A_358 = tpu.memref_slice %arg16[%dma_wait3A_356, %dma_wait3A_357] : memref<10240x64xf32, #tpu.memory_space<vmem_shared>> -> memref<10240x64xf32, #tpu.memory_space<vmem_shared>>
      tpu.wait_indirect_dma semaphore(%run_scoped3A_346 : memref<!tpu.dma_semaphore, #tpu.memory_space<semaphore_mem>>) src(%arg11 : memref<128x64xf32, #tpu.memory_space<vmem>>) dst(%dma_wait3A_358 : memref<10240x64xf32, #tpu.memory_space<vmem_shared>>)
      tpu.yield
    }) : () -> ()
    %dma_wait3A_113 = arith.constant 76 : i32
    %dma_wait3A_114 = arith.constant 0 : i32
    %dma_wait3A_115 = tpu.memref_slice %arg6[%dma_wait3A_113, %dma_wait3A_114] : memref<79x128xi32, #tpu.memory_space<vmem>> -> memref<1x128xi32, #tpu.memory_space<vmem>>
    %dma_wait3A_116 = tpu.memref_squeeze %dma_wait3A_115 : memref<1x128xi32, #tpu.memory_space<vmem>> -> memref<128xi32, #tpu.memory_space<vmem>>
    %dma_wait3A_117 = arith.constant 0 : i32
    %dma_wait3A_118 = arith.constant 0 : i32
    %dma_wait3A_119 = tpu.memref_slice %arg2[%dma_wait3A_117, %dma_wait3A_118] : memref<10240x64xf32, #tpu.memory_space<hbm>> -> memref<10240x64xf32, #tpu.memory_space<hbm>>
    tpu.wait_indirect_dma semaphore(%arg12 : memref<!tpu.dma_semaphore, #tpu.memory_space<semaphore_mem>>) src(%dma_wait3A_119 : memref<10240x64xf32, #tpu.memory_space<hbm>>) dst(%arg8 : memref<128x64xf32, #tpu.memory_space<vmem>>)
    %run_scoped3A_120 = arith.constant 76 : i32
    "tpu.region"() ({
      %run_scoped3A_346 = tpu.sem_alloc : memref<!tpu.dma_semaphore, #tpu.memory_space<semaphore_mem>>
      %dma_start3A_347 = arith.constant 0 : i32
      %dma_start3A_348 = tpu.memref_slice %arg7[%run_scoped3A_120, %dma_start3A_347] : memref<79x128xi32, #tpu.memory_space<vmem>> -> memref<1x128xi32, #tpu.memory_space<vmem>>
      %dma_start3A_349 = tpu.memref_squeeze %dma_start3A_348 : memref<1x128xi32, #tpu.memory_space<vmem>> -> memref<128xi32, #tpu.memory_space<vmem>>
      %dma_start3A_350 = arith.constant 0 : i32
      %dma_start3A_351 = arith.constant 0 : i32
      %dma_start3A_352 = tpu.memref_slice %arg16[%dma_start3A_350, %dma_start3A_351] : memref<10240x64xf32, #tpu.memory_space<vmem_shared>> -> memref<10240x64xf32, #tpu.memory_space<vmem_shared>>
      tpu.enqueue_indirect_dma source(%arg8 : memref<128x64xf32, #tpu.memory_space<vmem>>) target(%dma_start3A_352 : memref<10240x64xf32, #tpu.memory_space<vmem_shared>>) offsets(%dma_start3A_349 : memref<128xi32, #tpu.memory_space<vmem>>) semaphore(%run_scoped3A_346 : memref<!tpu.dma_semaphore, #tpu.memory_space<semaphore_mem>>) {add = true}
      %dma_wait3A_353 = arith.constant 0 : i32
      %dma_wait3A_354 = tpu.memref_slice %arg7[%run_scoped3A_120, %dma_wait3A_353] : memref<79x128xi32, #tpu.memory_space<vmem>> -> memref<1x128xi32, #tpu.memory_space<vmem>>
      %dma_wait3A_355 = tpu.memref_squeeze %dma_wait3A_354 : memref<1x128xi32, #tpu.memory_space<vmem>> -> memref<128xi32, #tpu.memory_space<vmem>>
      %dma_wait3A_356 = arith.constant 0 : i32
      %dma_wait3A_357 = arith.constant 0 : i32
      %dma_wait3A_358 = tpu.memref_slice %arg16[%dma_wait3A_356, %dma_wait3A_357] : memref<10240x64xf32, #tpu.memory_space<vmem_shared>> -> memref<10240x64xf32, #tpu.memory_space<vmem_shared>>
      tpu.wait_indirect_dma semaphore(%run_scoped3A_346 : memref<!tpu.dma_semaphore, #tpu.memory_space<semaphore_mem>>) src(%arg8 : memref<128x64xf32, #tpu.memory_space<vmem>>) dst(%dma_wait3A_358 : memref<10240x64xf32, #tpu.memory_space<vmem_shared>>)
      tpu.yield
    }) : () -> ()
    %dma_wait3A_121 = arith.constant 77 : i32
    %dma_wait3A_122 = arith.constant 0 : i32
    %dma_wait3A_123 = tpu.memref_slice %arg6[%dma_wait3A_121, %dma_wait3A_122] : memref<79x128xi32, #tpu.memory_space<vmem>> -> memref<1x128xi32, #tpu.memory_space<vmem>>
    %dma_wait3A_124 = tpu.memref_squeeze %dma_wait3A_123 : memref<1x128xi32, #tpu.memory_space<vmem>> -> memref<128xi32, #tpu.memory_space<vmem>>
    %dma_wait3A_125 = arith.constant 0 : i32
    %dma_wait3A_126 = arith.constant 0 : i32
    %dma_wait3A_127 = tpu.memref_slice %arg2[%dma_wait3A_125, %dma_wait3A_126] : memref<10240x64xf32, #tpu.memory_space<hbm>> -> memref<10240x64xf32, #tpu.memory_space<hbm>>
    tpu.wait_indirect_dma semaphore(%arg13 : memref<!tpu.dma_semaphore, #tpu.memory_space<semaphore_mem>>) src(%dma_wait3A_127 : memref<10240x64xf32, #tpu.memory_space<hbm>>) dst(%arg9 : memref<128x64xf32, #tpu.memory_space<vmem>>)
    %run_scoped3A_128 = arith.constant 77 : i32
    "tpu.region"() ({
      %run_scoped3A_346 = tpu.sem_alloc : memref<!tpu.dma_semaphore, #tpu.memory_space<semaphore_mem>>
      %dma_start3A_347 = arith.constant 0 : i32
      %dma_start3A_348 = tpu.memref_slice %arg7[%run_scoped3A_128, %dma_start3A_347] : memref<79x128xi32, #tpu.memory_space<vmem>> -> memref<1x128xi32, #tpu.memory_space<vmem>>
      %dma_start3A_349 = tpu.memref_squeeze %dma_start3A_348 : memref<1x128xi32, #tpu.memory_space<vmem>> -> memref<128xi32, #tpu.memory_space<vmem>>
      %dma_start3A_350 = arith.constant 0 : i32
      %dma_start3A_351 = arith.constant 0 : i32
      %dma_start3A_352 = tpu.memref_slice %arg16[%dma_start3A_350, %dma_start3A_351] : memref<10240x64xf32, #tpu.memory_space<vmem_shared>> -> memref<10240x64xf32, #tpu.memory_space<vmem_shared>>
      tpu.enqueue_indirect_dma source(%arg9 : memref<128x64xf32, #tpu.memory_space<vmem>>) target(%dma_start3A_352 : memref<10240x64xf32, #tpu.memory_space<vmem_shared>>) offsets(%dma_start3A_349 : memref<128xi32, #tpu.memory_space<vmem>>) semaphore(%run_scoped3A_346 : memref<!tpu.dma_semaphore, #tpu.memory_space<semaphore_mem>>) {add = true}
      %dma_wait3A_353 = arith.constant 0 : i32
      %dma_wait3A_354 = tpu.memref_slice %arg7[%run_scoped3A_128, %dma_wait3A_353] : memref<79x128xi32, #tpu.memory_space<vmem>> -> memref<1x128xi32, #tpu.memory_space<vmem>>
      %dma_wait3A_355 = tpu.memref_squeeze %dma_wait3A_354 : memref<1x128xi32, #tpu.memory_space<vmem>> -> memref<128xi32, #tpu.memory_space<vmem>>
      %dma_wait3A_356 = arith.constant 0 : i32
      %dma_wait3A_357 = arith.constant 0 : i32
      %dma_wait3A_358 = tpu.memref_slice %arg16[%dma_wait3A_356, %dma_wait3A_357] : memref<10240x64xf32, #tpu.memory_space<vmem_shared>> -> memref<10240x64xf32, #tpu.memory_space<vmem_shared>>
      tpu.wait_indirect_dma semaphore(%run_scoped3A_346 : memref<!tpu.dma_semaphore, #tpu.memory_space<semaphore_mem>>) src(%arg9 : memref<128x64xf32, #tpu.memory_space<vmem>>) dst(%dma_wait3A_358 : memref<10240x64xf32, #tpu.memory_space<vmem_shared>>)
      tpu.yield
    }) : () -> ()
    %lt3A_129 = arith.constant 4 : i32
    %lt3A_130 = arith.cmpi slt, %add3A_26, %lt3A_129 : i32
    %convert_element_type3A_131 = arith.extui %lt3A_130 : i1 to i32
    %cond3A_132 = arith.constant 0 : i32
    %cond3A_133 = arith.cmpi ne, %convert_element_type3A_131, %cond3A_132 : i32
    scf.if %cond3A_133 {
      %dma_start3A_346 = arith.constant 78 : i32
      %dma_start3A_347 = arith.constant 0 : i32
      %dma_start3A_348 = tpu.memref_slice %arg6[%dma_start3A_346, %dma_start3A_347] : memref<79x128xi32, #tpu.memory_space<vmem>> -> memref<1x128xi32, #tpu.memory_space<vmem>>
      %dma_start3A_349 = tpu.memref_squeeze %dma_start3A_348 : memref<1x128xi32, #tpu.memory_space<vmem>> -> memref<128xi32, #tpu.memory_space<vmem>>
      %dma_start3A_350 = arith.constant 0 : i32
      %dma_start3A_351 = arith.constant 0 : i32
      %dma_start3A_352 = tpu.memref_slice %arg2[%dma_start3A_350, %dma_start3A_351] : memref<10240x64xf32, #tpu.memory_space<hbm>> -> memref<10240x64xf32, #tpu.memory_space<hbm>>
      tpu.enqueue_indirect_dma source(%dma_start3A_352 : memref<10240x64xf32, #tpu.memory_space<hbm>>) target(%arg8 : memref<128x64xf32, #tpu.memory_space<vmem>>) offsets(%dma_start3A_349 : memref<128xi32, #tpu.memory_space<vmem>>) semaphore(%arg12 : memref<!tpu.dma_semaphore, #tpu.memory_space<semaphore_mem>>)
      %dma_wait3A_353 = arith.constant 78 : i32
      %dma_wait3A_354 = arith.constant 0 : i32
      %dma_wait3A_355 = tpu.memref_slice %arg6[%dma_wait3A_353, %dma_wait3A_354] : memref<79x128xi32, #tpu.memory_space<vmem>> -> memref<1x128xi32, #tpu.memory_space<vmem>>
      %dma_wait3A_356 = tpu.memref_squeeze %dma_wait3A_355 : memref<1x128xi32, #tpu.memory_space<vmem>> -> memref<128xi32, #tpu.memory_space<vmem>>
      %dma_wait3A_357 = arith.constant 0 : i32
      %dma_wait3A_358 = arith.constant 0 : i32
      %dma_wait3A_359 = tpu.memref_slice %arg2[%dma_wait3A_357, %dma_wait3A_358] : memref<10240x64xf32, #tpu.memory_space<hbm>> -> memref<10240x64xf32, #tpu.memory_space<hbm>>
      tpu.wait_indirect_dma semaphore(%arg12 : memref<!tpu.dma_semaphore, #tpu.memory_space<semaphore_mem>>) src(%dma_wait3A_359 : memref<10240x64xf32, #tpu.memory_space<hbm>>) dst(%arg8 : memref<128x64xf32, #tpu.memory_space<vmem>>)
      %run_scoped3A_360 = arith.constant 78 : i32
      "tpu.region"() ({
        %run_scoped3A_361 = tpu.sem_alloc : memref<!tpu.dma_semaphore, #tpu.memory_space<semaphore_mem>>
        %dma_start3A_362 = arith.constant 0 : i32
        %dma_start3A_363 = tpu.memref_slice %arg7[%run_scoped3A_360, %dma_start3A_362] : memref<79x128xi32, #tpu.memory_space<vmem>> -> memref<1x128xi32, #tpu.memory_space<vmem>>
        %dma_start3A_364 = tpu.memref_squeeze %dma_start3A_363 : memref<1x128xi32, #tpu.memory_space<vmem>> -> memref<128xi32, #tpu.memory_space<vmem>>
        %dma_start3A_365 = arith.constant 0 : i32
        %dma_start3A_366 = arith.constant 0 : i32
        %dma_start3A_367 = tpu.memref_slice %arg16[%dma_start3A_365, %dma_start3A_366] : memref<10240x64xf32, #tpu.memory_space<vmem_shared>> -> memref<10240x64xf32, #tpu.memory_space<vmem_shared>>
        tpu.enqueue_indirect_dma source(%arg8 : memref<128x64xf32, #tpu.memory_space<vmem>>) target(%dma_start3A_367 : memref<10240x64xf32, #tpu.memory_space<vmem_shared>>) offsets(%dma_start3A_364 : memref<128xi32, #tpu.memory_space<vmem>>) semaphore(%run_scoped3A_361 : memref<!tpu.dma_semaphore, #tpu.memory_space<semaphore_mem>>) {add = true}
        %dma_wait3A_368 = arith.constant 0 : i32
        %dma_wait3A_369 = tpu.memref_slice %arg7[%run_scoped3A_360, %dma_wait3A_368] : memref<79x128xi32, #tpu.memory_space<vmem>> -> memref<1x128xi32, #tpu.memory_space<vmem>>
        %dma_wait3A_370 = tpu.memref_squeeze %dma_wait3A_369 : memref<1x128xi32, #tpu.memory_space<vmem>> -> memref<128xi32, #tpu.memory_space<vmem>>
        %dma_wait3A_371 = arith.constant 0 : i32
        %dma_wait3A_372 = arith.constant 0 : i32
        %dma_wait3A_373 = tpu.memref_slice %arg16[%dma_wait3A_371, %dma_wait3A_372] : memref<10240x64xf32, #tpu.memory_space<vmem_shared>> -> memref<10240x64xf32, #tpu.memory_space<vmem_shared>>
        tpu.wait_indirect_dma semaphore(%run_scoped3A_361 : memref<!tpu.dma_semaphore, #tpu.memory_space<semaphore_mem>>) src(%arg8 : memref<128x64xf32, #tpu.memory_space<vmem>>) dst(%dma_wait3A_373 : memref<10240x64xf32, #tpu.memory_space<vmem_shared>>)
        tpu.yield
      }) : () -> ()
    } else {
    }
    %barrier3A_134 = arith.constant 0 : index
    tpu.barrier barrier_id(%barrier3A_134)
    %mul3A_135 = arith.constant 640 : i32
    %mul3A_136 = arith.muli %arg1, %mul3A_135 : i32
    %add3A_137 = arith.constant 0 : i32
    %add3A_138 = arith.addi %mul3A_136, %add3A_137 : i32
    %mul3A_139 = arith.constant 640 : i32
    %mul3A_140 = arith.muli %arg1, %mul3A_139 : i32
    %add3A_141 = arith.constant 0 : i32
    %add3A_142 = arith.addi %mul3A_140, %add3A_141 : i32
    "tpu.region"() ({
      %run_scoped3A_346 = tpu.sem_alloc : memref<!tpu.dma_semaphore, #tpu.memory_space<semaphore_mem>>
      %dma_start3A_347 = arith.constant 0 : i32
      %dma_start3A_348 = tpu.memref_slice %arg5[%arg0, %add3A_142, %dma_start3A_347] : memref<2x10240x128xf32, #tpu.memory_space<hbm>> -> memref<1x128x64xf32, #tpu.memory_space<hbm>>
      %dma_start3A_349 = tpu.memref_squeeze %dma_start3A_348 : memref<1x128x64xf32, #tpu.memory_space<hbm>> -> memref<128x64xf32, #tpu.memory_space<hbm>>
      %dma_start3A_350 = arith.constant 0 : i32
      %dma_start3A_351 = tpu.memref_slice %arg16[%add3A_138, %dma_start3A_350] : memref<10240x64xf32, #tpu.memory_space<vmem_shared>> -> memref<128x64xf32, #tpu.memory_space<vmem_shared>>
      tpu.enqueue_dma source(%dma_start3A_351 : memref<128x64xf32, #tpu.memory_space<vmem_shared>>) target(%dma_start3A_349 : memref<128x64xf32, #tpu.memory_space<hbm>>) target_semaphore(%run_scoped3A_346 : memref<!tpu.dma_semaphore, #tpu.memory_space<semaphore_mem>>)
      %dma_wait3A_352 = arith.constant 0 : i32
      %dma_wait3A_353 = tpu.memref_slice %arg5[%arg0, %add3A_142, %dma_wait3A_352] : memref<2x10240x128xf32, #tpu.memory_space<hbm>> -> memref<1x128x64xf32, #tpu.memory_space<hbm>>
      %dma_wait3A_354 = tpu.memref_squeeze %dma_wait3A_353 : memref<1x128x64xf32, #tpu.memory_space<hbm>> -> memref<128x64xf32, #tpu.memory_space<hbm>>
      %dma_wait3A_355 = arith.constant 0 : i32
      %dma_wait3A_356 = tpu.memref_slice %arg16[%add3A_138, %dma_wait3A_355] : memref<10240x64xf32, #tpu.memory_space<vmem_shared>> -> memref<128x64xf32, #tpu.memory_space<vmem_shared>>
      tpu.wait_dma2 semaphore(%run_scoped3A_346 : memref<!tpu.dma_semaphore, #tpu.memory_space<semaphore_mem>>) src(%dma_wait3A_356 : memref<128x64xf32, #tpu.memory_space<vmem_shared>>) dst(%dma_wait3A_354 : memref<128x64xf32, #tpu.memory_space<hbm>>)
      tpu.yield
    }) : () -> ()
    %mul3A_143 = arith.constant 640 : i32
    %mul3A_144 = arith.muli %arg1, %mul3A_143 : i32
    %add3A_145 = arith.constant 128 : i32
    %add3A_146 = arith.addi %mul3A_144, %add3A_145 : i32
    %mul3A_147 = arith.constant 640 : i32
    %mul3A_148 = arith.muli %arg1, %mul3A_147 : i32
    %add3A_149 = arith.constant 128 : i32
    %add3A_150 = arith.addi %mul3A_148, %add3A_149 : i32
    "tpu.region"() ({
      %run_scoped3A_346 = tpu.sem_alloc : memref<!tpu.dma_semaphore, #tpu.memory_space<semaphore_mem>>
      %dma_start3A_347 = arith.constant 0 : i32
      %dma_start3A_348 = tpu.memref_slice %arg5[%arg0, %add3A_150, %dma_start3A_347] : memref<2x10240x128xf32, #tpu.memory_space<hbm>> -> memref<1x128x64xf32, #tpu.memory_space<hbm>>
      %dma_start3A_349 = tpu.memref_squeeze %dma_start3A_348 : memref<1x128x64xf32, #tpu.memory_space<hbm>> -> memref<128x64xf32, #tpu.memory_space<hbm>>
      %dma_start3A_350 = arith.constant 0 : i32
      %dma_start3A_351 = tpu.memref_slice %arg16[%add3A_146, %dma_start3A_350] : memref<10240x64xf32, #tpu.memory_space<vmem_shared>> -> memref<128x64xf32, #tpu.memory_space<vmem_shared>>
      tpu.enqueue_dma source(%dma_start3A_351 : memref<128x64xf32, #tpu.memory_space<vmem_shared>>) target(%dma_start3A_349 : memref<128x64xf32, #tpu.memory_space<hbm>>) target_semaphore(%run_scoped3A_346 : memref<!tpu.dma_semaphore, #tpu.memory_space<semaphore_mem>>)
      %dma_wait3A_352 = arith.constant 0 : i32
      %dma_wait3A_353 = tpu.memref_slice %arg5[%arg0, %add3A_150, %dma_wait3A_352] : memref<2x10240x128xf32, #tpu.memory_space<hbm>> -> memref<1x128x64xf32, #tpu.memory_space<hbm>>
      %dma_wait3A_354 = tpu.memref_squeeze %dma_wait3A_353 : memref<1x128x64xf32, #tpu.memory_space<hbm>> -> memref<128x64xf32, #tpu.memory_space<hbm>>
      %dma_wait3A_355 = arith.constant 0 : i32
      %dma_wait3A_356 = tpu.memref_slice %arg16[%add3A_146, %dma_wait3A_355] : memref<10240x64xf32, #tpu.memory_space<vmem_shared>> -> memref<128x64xf32, #tpu.memory_space<vmem_shared>>
      tpu.wait_dma2 semaphore(%run_scoped3A_346 : memref<!tpu.dma_semaphore, #tpu.memory_space<semaphore_mem>>) src(%dma_wait3A_356 : memref<128x64xf32, #tpu.memory_space<vmem_shared>>) dst(%dma_wait3A_354 : memref<128x64xf32, #tpu.memory_space<hbm>>)
      tpu.yield
    }) : () -> ()
    %mul3A_151 = arith.constant 640 : i32
    %mul3A_152 = arith.muli %arg1, %mul3A_151 : i32
    %add3A_153 = arith.constant 256 : i32
    %add3A_154 = arith.addi %mul3A_152, %add3A_153 : i32
    %mul3A_155 = arith.constant 640 : i32
    %mul3A_156 = arith.muli %arg1, %mul3A_155 : i32
    %add3A_157 = arith.constant 256 : i32
    %add3A_158 = arith.addi %mul3A_156, %add3A_157 : i32
    "tpu.region"() ({
      %run_scoped3A_346 = tpu.sem_alloc : memref<!tpu.dma_semaphore, #tpu.memory_space<semaphore_mem>>
      %dma_start3A_347 = arith.constant 0 : i32
      %dma_start3A_348 = tpu.memref_slice %arg5[%arg0, %add3A_158, %dma_start3A_347] : memref<2x10240x128xf32, #tpu.memory_space<hbm>> -> memref<1x128x64xf32, #tpu.memory_space<hbm>>
      %dma_start3A_349 = tpu.memref_squeeze %dma_start3A_348 : memref<1x128x64xf32, #tpu.memory_space<hbm>> -> memref<128x64xf32, #tpu.memory_space<hbm>>
      %dma_start3A_350 = arith.constant 0 : i32
      %dma_start3A_351 = tpu.memref_slice %arg16[%add3A_154, %dma_start3A_350] : memref<10240x64xf32, #tpu.memory_space<vmem_shared>> -> memref<128x64xf32, #tpu.memory_space<vmem_shared>>
      tpu.enqueue_dma source(%dma_start3A_351 : memref<128x64xf32, #tpu.memory_space<vmem_shared>>) target(%dma_start3A_349 : memref<128x64xf32, #tpu.memory_space<hbm>>) target_semaphore(%run_scoped3A_346 : memref<!tpu.dma_semaphore, #tpu.memory_space<semaphore_mem>>)
      %dma_wait3A_352 = arith.constant 0 : i32
      %dma_wait3A_353 = tpu.memref_slice %arg5[%arg0, %add3A_158, %dma_wait3A_352] : memref<2x10240x128xf32, #tpu.memory_space<hbm>> -> memref<1x128x64xf32, #tpu.memory_space<hbm>>
      %dma_wait3A_354 = tpu.memref_squeeze %dma_wait3A_353 : memref<1x128x64xf32, #tpu.memory_space<hbm>> -> memref<128x64xf32, #tpu.memory_space<hbm>>
      %dma_wait3A_355 = arith.constant 0 : i32
      %dma_wait3A_356 = tpu.memref_slice %arg16[%add3A_154, %dma_wait3A_355] : memref<10240x64xf32, #tpu.memory_space<vmem_shared>> -> memref<128x64xf32, #tpu.memory_space<vmem_shared>>
      tpu.wait_dma2 semaphore(%run_scoped3A_346 : memref<!tpu.dma_semaphore, #tpu.memory_space<semaphore_mem>>) src(%dma_wait3A_356 : memref<128x64xf32, #tpu.memory_space<vmem_shared>>) dst(%dma_wait3A_354 : memref<128x64xf32, #tpu.memory_space<hbm>>)
      tpu.yield
    }) : () -> ()
    %mul3A_159 = arith.constant 640 : i32
    %mul3A_160 = arith.muli %arg1, %mul3A_159 : i32
    %add3A_161 = arith.constant 384 : i32
    %add3A_162 = arith.addi %mul3A_160, %add3A_161 : i32
    %mul3A_163 = arith.constant 640 : i32
    %mul3A_164 = arith.muli %arg1, %mul3A_163 : i32
    %add3A_165 = arith.constant 384 : i32
    %add3A_166 = arith.addi %mul3A_164, %add3A_165 : i32
    "tpu.region"() ({
      %run_scoped3A_346 = tpu.sem_alloc : memref<!tpu.dma_semaphore, #tpu.memory_space<semaphore_mem>>
      %dma_start3A_347 = arith.constant 0 : i32
      %dma_start3A_348 = tpu.memref_slice %arg5[%arg0, %add3A_166, %dma_start3A_347] : memref<2x10240x128xf32, #tpu.memory_space<hbm>> -> memref<1x128x64xf32, #tpu.memory_space<hbm>>
      %dma_start3A_349 = tpu.memref_squeeze %dma_start3A_348 : memref<1x128x64xf32, #tpu.memory_space<hbm>> -> memref<128x64xf32, #tpu.memory_space<hbm>>
      %dma_start3A_350 = arith.constant 0 : i32
      %dma_start3A_351 = tpu.memref_slice %arg16[%add3A_162, %dma_start3A_350] : memref<10240x64xf32, #tpu.memory_space<vmem_shared>> -> memref<128x64xf32, #tpu.memory_space<vmem_shared>>
      tpu.enqueue_dma source(%dma_start3A_351 : memref<128x64xf32, #tpu.memory_space<vmem_shared>>) target(%dma_start3A_349 : memref<128x64xf32, #tpu.memory_space<hbm>>) target_semaphore(%run_scoped3A_346 : memref<!tpu.dma_semaphore, #tpu.memory_space<semaphore_mem>>)
      %dma_wait3A_352 = arith.constant 0 : i32
      %dma_wait3A_353 = tpu.memref_slice %arg5[%arg0, %add3A_166, %dma_wait3A_352] : memref<2x10240x128xf32, #tpu.memory_space<hbm>> -> memref<1x128x64xf32, #tpu.memory_space<hbm>>
      %dma_wait3A_354 = tpu.memref_squeeze %dma_wait3A_353 : memref<1x128x64xf32, #tpu.memory_space<hbm>> -> memref<128x64xf32, #tpu.memory_space<hbm>>
      %dma_wait3A_355 = arith.constant 0 : i32
      %dma_wait3A_356 = tpu.memref_slice %arg16[%add3A_162, %dma_wait3A_355] : memref<10240x64xf32, #tpu.memory_space<vmem_shared>> -> memref<128x64xf32, #tpu.memory_space<vmem_shared>>
      tpu.wait_dma2 semaphore(%run_scoped3A_346 : memref<!tpu.dma_semaphore, #tpu.memory_space<semaphore_mem>>) src(%dma_wait3A_356 : memref<128x64xf32, #tpu.memory_space<vmem_shared>>) dst(%dma_wait3A_354 : memref<128x64xf32, #tpu.memory_space<hbm>>)
      tpu.yield
    }) : () -> ()
    %mul3A_167 = arith.constant 640 : i32
    %mul3A_168 = arith.muli %arg1, %mul3A_167 : i32
    %add3A_169 = arith.constant 512 : i32
    %add3A_170 = arith.addi %mul3A_168, %add3A_169 : i32
    %mul3A_171 = arith.constant 640 : i32
    %mul3A_172 = arith.muli %arg1, %mul3A_171 : i32
    %add3A_173 = arith.constant 512 : i32
    %add3A_174 = arith.addi %mul3A_172, %add3A_173 : i32
    "tpu.region"() ({
      %run_scoped3A_346 = tpu.sem_alloc : memref<!tpu.dma_semaphore, #tpu.memory_space<semaphore_mem>>
      %dma_start3A_347 = arith.constant 0 : i32
      %dma_start3A_348 = tpu.memref_slice %arg5[%arg0, %add3A_174, %dma_start3A_347] : memref<2x10240x128xf32, #tpu.memory_space<hbm>> -> memref<1x128x64xf32, #tpu.memory_space<hbm>>
      %dma_start3A_349 = tpu.memref_squeeze %dma_start3A_348 : memref<1x128x64xf32, #tpu.memory_space<hbm>> -> memref<128x64xf32, #tpu.memory_space<hbm>>
      %dma_start3A_350 = arith.constant 0 : i32
      %dma_start3A_351 = tpu.memref_slice %arg16[%add3A_170, %dma_start3A_350] : memref<10240x64xf32, #tpu.memory_space<vmem_shared>> -> memref<128x64xf32, #tpu.memory_space<vmem_shared>>
      tpu.enqueue_dma source(%dma_start3A_351 : memref<128x64xf32, #tpu.memory_space<vmem_shared>>) target(%dma_start3A_349 : memref<128x64xf32, #tpu.memory_space<hbm>>) target_semaphore(%run_scoped3A_346 : memref<!tpu.dma_semaphore, #tpu.memory_space<semaphore_mem>>)
      %dma_wait3A_352 = arith.constant 0 : i32
      %dma_wait3A_353 = tpu.memref_slice %arg5[%arg0, %add3A_174, %dma_wait3A_352] : memref<2x10240x128xf32, #tpu.memory_space<hbm>> -> memref<1x128x64xf32, #tpu.memory_space<hbm>>
      %dma_wait3A_354 = tpu.memref_squeeze %dma_wait3A_353 : memref<1x128x64xf32, #tpu.memory_space<hbm>> -> memref<128x64xf32, #tpu.memory_space<hbm>>
      %dma_wait3A_355 = arith.constant 0 : i32
      %dma_wait3A_356 = tpu.memref_slice %arg16[%add3A_170, %dma_wait3A_355] : memref<10240x64xf32, #tpu.memory_space<vmem_shared>> -> memref<128x64xf32, #tpu.memory_space<vmem_shared>>
      tpu.wait_dma2 semaphore(%run_scoped3A_346 : memref<!tpu.dma_semaphore, #tpu.memory_space<semaphore_mem>>) src(%dma_wait3A_356 : memref<128x64xf32, #tpu.memory_space<vmem_shared>>) dst(%dma_wait3A_354 : memref<128x64xf32, #tpu.memory_space<hbm>>)
      tpu.yield
    }) : () -> ()
    %scan3A_175 = arith.constant 0 : i32
    %scan3A_176 = arith.constant 0 : i32
    %scan3A_177 = arith.constant 128 : i32
    %scan3A_178 = arith.addi %scan3A_176, %scan3A_177 : i32
    %scan3A_179 = arith.constant 1 : i32
    %scan3A_180 = scf.for %scan3A_346 = %scan3A_176 to %scan3A_178 step %scan3A_179 iter_args(%scan3A_347 = %scan3A_175) -> (i32)  : i32 {
      %broadcast_in_dim3A = arith.constant 0.000000e+00 : f32
      %broadcast_in_dim3A_348 = vector.broadcast %broadcast_in_dim3A : f32 to vector<16xf32>
      %swap3A = arith.index_cast %scan3A_346 : i32 to index
      %swap3A_349 = arith.constant 0 : index
      %swap3A_350 = tpu.vector_load %arg8[%swap3A, %swap3A_349] {strides = array<i32>} : memref<128x64xf32, #tpu.memory_space<vmem>>, vector<16xf32>,
      tpu.vector_store %arg8[%swap3A, %swap3A_349], %broadcast_in_dim3A_348 {strides = array<i32>} : memref<128x64xf32, #tpu.memory_space<vmem>>, vector<16xf32>,
      %broadcast_in_dim3A_351 = arith.constant 0.000000e+00 : f32
      %broadcast_in_dim3A_352 = vector.broadcast %broadcast_in_dim3A_351 : f32 to vector<16xf32>
      %swap3A_353 = arith.index_cast %scan3A_346 : i32 to index
      %swap3A_354 = arith.constant 16 : index
      %swap3A_355 = tpu.vector_load %arg8[%swap3A_353, %swap3A_354] {strides = array<i32>} : memref<128x64xf32, #tpu.memory_space<vmem>>, vector<16xf32>,
      tpu.vector_store %arg8[%swap3A_353, %swap3A_354], %broadcast_in_dim3A_352 {strides = array<i32>} : memref<128x64xf32, #tpu.memory_space<vmem>>, vector<16xf32>,
      %broadcast_in_dim3A_356 = arith.constant 0.000000e+00 : f32
      %broadcast_in_dim3A_357 = vector.broadcast %broadcast_in_dim3A_356 : f32 to vector<16xf32>
      %swap3A_358 = arith.index_cast %scan3A_346 : i32 to index
      %swap3A_359 = arith.constant 32 : index
      %swap3A_360 = tpu.vector_load %arg8[%swap3A_358, %swap3A_359] {strides = array<i32>} : memref<128x64xf32, #tpu.memory_space<vmem>>, vector<16xf32>,
      tpu.vector_store %arg8[%swap3A_358, %swap3A_359], %broadcast_in_dim3A_357 {strides = array<i32>} : memref<128x64xf32, #tpu.memory_space<vmem>>, vector<16xf32>,
      %broadcast_in_dim3A_361 = arith.constant 0.000000e+00 : f32
      %broadcast_in_dim3A_362 = vector.broadcast %broadcast_in_dim3A_361 : f32 to vector<16xf32>
      %swap3A_363 = arith.index_cast %scan3A_346 : i32 to index
      %swap3A_364 = arith.constant 48 : index
      %swap3A_365 = tpu.vector_load %arg8[%swap3A_363, %swap3A_364] {strides = array<i32>} : memref<128x64xf32, #tpu.memory_space<vmem>>, vector<16xf32>,
      tpu.vector_store %arg8[%swap3A_363, %swap3A_364], %broadcast_in_dim3A_362 {strides = array<i32>} : memref<128x64xf32, #tpu.memory_space<vmem>>, vector<16xf32>,
      %scan3A_366 = arith.constant 0 : i32
      scf.yield %scan3A_366 : i32
    }
    %scan3A_181 = arith.constant 128 : i32
    %mul3A_182 = arith.constant 640 : i32
    %mul3A_183 = arith.muli %arg1, %mul3A_182 : i32
    %add3A_184 = arith.constant 0 : i32
    %add3A_185 = arith.addi %mul3A_183, %add3A_184 : i32
    "tpu.region"() ({
      %run_scoped3A_346 = tpu.sem_alloc : memref<!tpu.dma_semaphore, #tpu.memory_space<semaphore_mem>>
      %dma_start3A_347 = arith.constant 0 : i32
      %dma_start3A_348 = tpu.memref_slice %arg16[%add3A_185, %dma_start3A_347] : memref<10240x64xf32, #tpu.memory_space<vmem_shared>> -> memref<128x64xf32, #tpu.memory_space<vmem_shared>>
      %dma_start3A_349 = arith.constant 0 : i32
      %dma_start3A_350 = tpu.memref_slice %arg16[%add3A_185, %dma_start3A_349] : memref<10240x64xf32, #tpu.memory_space<vmem_shared>> -> memref<128x64xf32, #tpu.memory_space<vmem_shared>>
      tpu.enqueue_dma source(%arg8 : memref<128x64xf32, #tpu.memory_space<vmem>>) target(%dma_start3A_350 : memref<128x64xf32, #tpu.memory_space<vmem_shared>>) target_semaphore(%run_scoped3A_346 : memref<!tpu.dma_semaphore, #tpu.memory_space<semaphore_mem>>)
      %dma_wait3A_351 = arith.constant 0 : i32
      %dma_wait3A_352 = tpu.memref_slice %arg16[%add3A_185, %dma_wait3A_351] : memref<10240x64xf32, #tpu.memory_space<vmem_shared>> -> memref<128x64xf32, #tpu.memory_space<vmem_shared>>
      %dma_wait3A_353 = arith.constant 0 : i32
      %dma_wait3A_354 = tpu.memref_slice %arg16[%add3A_185, %dma_wait3A_353] : memref<10240x64xf32, #tpu.memory_space<vmem_shared>> -> memref<128x64xf32, #tpu.memory_space<vmem_shared>>
      tpu.wait_dma2 semaphore(%run_scoped3A_346 : memref<!tpu.dma_semaphore, #tpu.memory_space<semaphore_mem>>) src(%arg8 : memref<128x64xf32, #tpu.memory_space<vmem>>) dst(%dma_wait3A_354 : memref<128x64xf32, #tpu.memory_space<vmem_shared>>)
      tpu.yield
    }) : () -> ()
    %mul3A_186 = arith.constant 640 : i32
    %mul3A_187 = arith.muli %arg1, %mul3A_186 : i32
    %add3A_188 = arith.constant 128 : i32
    %add3A_189 = arith.addi %mul3A_187, %add3A_188 : i32
    "tpu.region"() ({
      %run_scoped3A_346 = tpu.sem_alloc : memref<!tpu.dma_semaphore, #tpu.memory_space<semaphore_mem>>
      %dma_start3A_347 = arith.constant 0 : i32
      %dma_start3A_348 = tpu.memref_slice %arg16[%add3A_189, %dma_start3A_347] : memref<10240x64xf32, #tpu.memory_space<vmem_shared>> -> memref<128x64xf32, #tpu.memory_space<vmem_shared>>
      %dma_start3A_349 = arith.constant 0 : i32
      %dma_start3A_350 = tpu.memref_slice %arg16[%add3A_189, %dma_start3A_349] : memref<10240x64xf32, #tpu.memory_space<vmem_shared>> -> memref<128x64xf32, #tpu.memory_space<vmem_shared>>
      tpu.enqueue_dma source(%arg8 : memref<128x64xf32, #tpu.memory_space<vmem>>) target(%dma_start3A_350 : memref<128x64xf32, #tpu.memory_space<vmem_shared>>) target_semaphore(%run_scoped3A_346 : memref<!tpu.dma_semaphore, #tpu.memory_space<semaphore_mem>>)
      %dma_wait3A_351 = arith.constant 0 : i32
      %dma_wait3A_352 = tpu.memref_slice %arg16[%add3A_189, %dma_wait3A_351] : memref<10240x64xf32, #tpu.memory_space<vmem_shared>> -> memref<128x64xf32, #tpu.memory_space<vmem_shared>>
      %dma_wait3A_353 = arith.constant 0 : i32
      %dma_wait3A_354 = tpu.memref_slice %arg16[%add3A_189, %dma_wait3A_353] : memref<10240x64xf32, #tpu.memory_space<vmem_shared>> -> memref<128x64xf32, #tpu.memory_space<vmem_shared>>
      tpu.wait_dma2 semaphore(%run_scoped3A_346 : memref<!tpu.dma_semaphore, #tpu.memory_space<semaphore_mem>>) src(%arg8 : memref<128x64xf32, #tpu.memory_space<vmem>>) dst(%dma_wait3A_354 : memref<128x64xf32, #tpu.memory_space<vmem_shared>>)
      tpu.yield
    }) : () -> ()
    %mul3A_190 = arith.constant 640 : i32
    %mul3A_191 = arith.muli %arg1, %mul3A_190 : i32
    %add3A_192 = arith.constant 256 : i32
    %add3A_193 = arith.addi %mul3A_191, %add3A_192 : i32
    "tpu.region"() ({
      %run_scoped3A_346 = tpu.sem_alloc : memref<!tpu.dma_semaphore, #tpu.memory_space<semaphore_mem>>
      %dma_start3A_347 = arith.constant 0 : i32
      %dma_start3A_348 = tpu.memref_slice %arg16[%add3A_193, %dma_start3A_347] : memref<10240x64xf32, #tpu.memory_space<vmem_shared>> -> memref<128x64xf32, #tpu.memory_space<vmem_shared>>
      %dma_start3A_349 = arith.constant 0 : i32
      %dma_start3A_350 = tpu.memref_slice %arg16[%add3A_193, %dma_start3A_349] : memref<10240x64xf32, #tpu.memory_space<vmem_shared>> -> memref<128x64xf32, #tpu.memory_space<vmem_shared>>
      tpu.enqueue_dma source(%arg8 : memref<128x64xf32, #tpu.memory_space<vmem>>) target(%dma_start3A_350 : memref<128x64xf32, #tpu.memory_space<vmem_shared>>) target_semaphore(%run_scoped3A_346 : memref<!tpu.dma_semaphore, #tpu.memory_space<semaphore_mem>>)
      %dma_wait3A_351 = arith.constant 0 : i32
      %dma_wait3A_352 = tpu.memref_slice %arg16[%add3A_193, %dma_wait3A_351] : memref<10240x64xf32, #tpu.memory_space<vmem_shared>> -> memref<128x64xf32, #tpu.memory_space<vmem_shared>>
      %dma_wait3A_353 = arith.constant 0 : i32
      %dma_wait3A_354 = tpu.memref_slice %arg16[%add3A_193, %dma_wait3A_353] : memref<10240x64xf32, #tpu.memory_space<vmem_shared>> -> memref<128x64xf32, #tpu.memory_space<vmem_shared>>
      tpu.wait_dma2 semaphore(%run_scoped3A_346 : memref<!tpu.dma_semaphore, #tpu.memory_space<semaphore_mem>>) src(%arg8 : memref<128x64xf32, #tpu.memory_space<vmem>>) dst(%dma_wait3A_354 : memref<128x64xf32, #tpu.memory_space<vmem_shared>>)
      tpu.yield
    }) : () -> ()
    %mul3A_194 = arith.constant 640 : i32
    %mul3A_195 = arith.muli %arg1, %mul3A_194 : i32
    %add3A_196 = arith.constant 384 : i32
    %add3A_197 = arith.addi %mul3A_195, %add3A_196 : i32
    "tpu.region"() ({
      %run_scoped3A_346 = tpu.sem_alloc : memref<!tpu.dma_semaphore, #tpu.memory_space<semaphore_mem>>
      %dma_start3A_347 = arith.constant 0 : i32
      %dma_start3A_348 = tpu.memref_slice %arg16[%add3A_197, %dma_start3A_347] : memref<10240x64xf32, #tpu.memory_space<vmem_shared>> -> memref<128x64xf32, #tpu.memory_space<vmem_shared>>
      %dma_start3A_349 = arith.constant 0 : i32
      %dma_start3A_350 = tpu.memref_slice %arg16[%add3A_197, %dma_start3A_349] : memref<10240x64xf32, #tpu.memory_space<vmem_shared>> -> memref<128x64xf32, #tpu.memory_space<vmem_shared>>
      tpu.enqueue_dma source(%arg8 : memref<128x64xf32, #tpu.memory_space<vmem>>) target(%dma_start3A_350 : memref<128x64xf32, #tpu.memory_space<vmem_shared>>) target_semaphore(%run_scoped3A_346 : memref<!tpu.dma_semaphore, #tpu.memory_space<semaphore_mem>>)
      %dma_wait3A_351 = arith.constant 0 : i32
      %dma_wait3A_352 = tpu.memref_slice %arg16[%add3A_197, %dma_wait3A_351] : memref<10240x64xf32, #tpu.memory_space<vmem_shared>> -> memref<128x64xf32, #tpu.memory_space<vmem_shared>>
      %dma_wait3A_353 = arith.constant 0 : i32
      %dma_wait3A_354 = tpu.memref_slice %arg16[%add3A_197, %dma_wait3A_353] : memref<10240x64xf32, #tpu.memory_space<vmem_shared>> -> memref<128x64xf32, #tpu.memory_space<vmem_shared>>
      tpu.wait_dma2 semaphore(%run_scoped3A_346 : memref<!tpu.dma_semaphore, #tpu.memory_space<semaphore_mem>>) src(%arg8 : memref<128x64xf32, #tpu.memory_space<vmem>>) dst(%dma_wait3A_354 : memref<128x64xf32, #tpu.memory_space<vmem_shared>>)
      tpu.yield
    }) : () -> ()
    %mul3A_198 = arith.constant 640 : i32
    %mul3A_199 = arith.muli %arg1, %mul3A_198 : i32
    %add3A_200 = arith.constant 512 : i32
    %add3A_201 = arith.addi %mul3A_199, %add3A_200 : i32
    "tpu.region"() ({
      %run_scoped3A_346 = tpu.sem_alloc : memref<!tpu.dma_semaphore, #tpu.memory_space<semaphore_mem>>
      %dma_start3A_347 = arith.constant 0 : i32
      %dma_start3A_348 = tpu.memref_slice %arg16[%add3A_201, %dma_start3A_347] : memref<10240x64xf32, #tpu.memory_space<vmem_shared>> -> memref<128x64xf32, #tpu.memory_space<vmem_shared>>
      %dma_start3A_349 = arith.constant 0 : i32
      %dma_start3A_350 = tpu.memref_slice %arg16[%add3A_201, %dma_start3A_349] : memref<10240x64xf32, #tpu.memory_space<vmem_shared>> -> memref<128x64xf32, #tpu.memory_space<vmem_shared>>
      tpu.enqueue_dma source(%arg8 : memref<128x64xf32, #tpu.memory_space<vmem>>) target(%dma_start3A_350 : memref<128x64xf32, #tpu.memory_space<vmem_shared>>) target_semaphore(%run_scoped3A_346 : memref<!tpu.dma_semaphore, #tpu.memory_space<semaphore_mem>>)
      %dma_wait3A_351 = arith.constant 0 : i32
      %dma_wait3A_352 = tpu.memref_slice %arg16[%add3A_201, %dma_wait3A_351] : memref<10240x64xf32, #tpu.memory_space<vmem_shared>> -> memref<128x64xf32, #tpu.memory_space<vmem_shared>>
      %dma_wait3A_353 = arith.constant 0 : i32
      %dma_wait3A_354 = tpu.memref_slice %arg16[%add3A_201, %dma_wait3A_353] : memref<10240x64xf32, #tpu.memory_space<vmem_shared>> -> memref<128x64xf32, #tpu.memory_space<vmem_shared>>
      tpu.wait_dma2 semaphore(%run_scoped3A_346 : memref<!tpu.dma_semaphore, #tpu.memory_space<semaphore_mem>>) src(%arg8 : memref<128x64xf32, #tpu.memory_space<vmem>>) dst(%dma_wait3A_354 : memref<128x64xf32, #tpu.memory_space<vmem_shared>>)
      tpu.yield
    }) : () -> ()
    %barrier3A_202 = arith.constant 0 : index
    tpu.barrier barrier_id(%barrier3A_202)
    %dma_start3A_203 = arith.constant 0 : i32
    %dma_start3A_204 = arith.constant 0 : i32
    %dma_start3A_205 = tpu.memref_slice %arg6[%dma_start3A_203, %dma_start3A_204] : memref<79x128xi32, #tpu.memory_space<vmem>> -> memref<1x128xi32, #tpu.memory_space<vmem>>
    %dma_start3A_206 = tpu.memref_squeeze %dma_start3A_205 : memref<1x128xi32, #tpu.memory_space<vmem>> -> memref<128xi32, #tpu.memory_space<vmem>>
    %dma_start3A_207 = arith.constant 0 : i32
    %dma_start3A_208 = arith.constant 0 : i32
    %dma_start3A_209 = tpu.memref_slice %arg3[%dma_start3A_207, %dma_start3A_208] : memref<10240x64xf32, #tpu.memory_space<hbm>> -> memref<10240x64xf32, #tpu.memory_space<hbm>>
    tpu.enqueue_indirect_dma source(%dma_start3A_209 : memref<10240x64xf32, #tpu.memory_space<hbm>>) target(%arg8 : memref<128x64xf32, #tpu.memory_space<vmem>>) offsets(%dma_start3A_206 : memref<128xi32, #tpu.memory_space<vmem>>) semaphore(%arg12 : memref<!tpu.dma_semaphore, #tpu.memory_space<semaphore_mem>>)
    %dma_start3A_210 = arith.constant 1 : i32
    %dma_start3A_211 = arith.constant 0 : i32
    %dma_start3A_212 = tpu.memref_slice %arg6[%dma_start3A_210, %dma_start3A_211] : memref<79x128xi32, #tpu.memory_space<vmem>> -> memref<1x128xi32, #tpu.memory_space<vmem>>
    %dma_start3A_213 = tpu.memref_squeeze %dma_start3A_212 : memref<1x128xi32, #tpu.memory_space<vmem>> -> memref<128xi32, #tpu.memory_space<vmem>>
    %dma_start3A_214 = arith.constant 0 : i32
    %dma_start3A_215 = arith.constant 0 : i32
    %dma_start3A_216 = tpu.memref_slice %arg3[%dma_start3A_214, %dma_start3A_215] : memref<10240x64xf32, #tpu.memory_space<hbm>> -> memref<10240x64xf32, #tpu.memory_space<hbm>>
    tpu.enqueue_indirect_dma source(%dma_start3A_216 : memref<10240x64xf32, #tpu.memory_space<hbm>>) target(%arg9 : memref<128x64xf32, #tpu.memory_space<vmem>>) offsets(%dma_start3A_213 : memref<128xi32, #tpu.memory_space<vmem>>) semaphore(%arg13 : memref<!tpu.dma_semaphore, #tpu.memory_space<semaphore_mem>>)
    %dma_start3A_217 = arith.constant 2 : i32
    %dma_start3A_218 = arith.constant 0 : i32
    %dma_start3A_219 = tpu.memref_slice %arg6[%dma_start3A_217, %dma_start3A_218] : memref<79x128xi32, #tpu.memory_space<vmem>> -> memref<1x128xi32, #tpu.memory_space<vmem>>
    %dma_start3A_220 = tpu.memref_squeeze %dma_start3A_219 : memref<1x128xi32, #tpu.memory_space<vmem>> -> memref<128xi32, #tpu.memory_space<vmem>>
    %dma_start3A_221 = arith.constant 0 : i32
    %dma_start3A_222 = arith.constant 0 : i32
    %dma_start3A_223 = tpu.memref_slice %arg3[%dma_start3A_221, %dma_start3A_222] : memref<10240x64xf32, #tpu.memory_space<hbm>> -> memref<10240x64xf32, #tpu.memory_space<hbm>>
    tpu.enqueue_indirect_dma source(%dma_start3A_223 : memref<10240x64xf32, #tpu.memory_space<hbm>>) target(%arg10 : memref<128x64xf32, #tpu.memory_space<vmem>>) offsets(%dma_start3A_220 : memref<128xi32, #tpu.memory_space<vmem>>) semaphore(%arg14 : memref<!tpu.dma_semaphore, #tpu.memory_space<semaphore_mem>>)
    %dma_start3A_224 = arith.constant 3 : i32
    %dma_start3A_225 = arith.constant 0 : i32
    %dma_start3A_226 = tpu.memref_slice %arg6[%dma_start3A_224, %dma_start3A_225] : memref<79x128xi32, #tpu.memory_space<vmem>> -> memref<1x128xi32, #tpu.memory_space<vmem>>
    %dma_start3A_227 = tpu.memref_squeeze %dma_start3A_226 : memref<1x128xi32, #tpu.memory_space<vmem>> -> memref<128xi32, #tpu.memory_space<vmem>>
    %dma_start3A_228 = arith.constant 0 : i32
    %dma_start3A_229 = arith.constant 0 : i32
    %dma_start3A_230 = tpu.memref_slice %arg3[%dma_start3A_228, %dma_start3A_229] : memref<10240x64xf32, #tpu.memory_space<hbm>> -> memref<10240x64xf32, #tpu.memory_space<hbm>>
    tpu.enqueue_indirect_dma source(%dma_start3A_230 : memref<10240x64xf32, #tpu.memory_space<hbm>>) target(%arg11 : memref<128x64xf32, #tpu.memory_space<vmem>>) offsets(%dma_start3A_227 : memref<128xi32, #tpu.memory_space<vmem>>) semaphore(%arg15 : memref<!tpu.dma_semaphore, #tpu.memory_space<semaphore_mem>>)
    %scan3A_231 = arith.constant 0 : i32
    %scan3A_232 = arith.constant 0 : i32
    %scan3A_233 = arith.constant 18 : i32
    %scan3A_234 = arith.addi %scan3A_232, %scan3A_233 : i32
    %scan3A_235 = arith.constant 1 : i32
    %scan3A_236 = scf.for %scan3A_346 = %scan3A_232 to %scan3A_234 step %scan3A_235 iter_args(%scan3A_347 = %scan3A_231) -> (i32)  : i32 {
      %mul3A_348 = arith.constant 4 : i32
      %mul3A_349 = arith.muli %scan3A_346, %mul3A_348 : i32
      %add3A_350 = arith.constant 0 : i32
      %add3A_351 = arith.addi %mul3A_349, %add3A_350 : i32
      %dma_wait3A_352 = arith.constant 0 : i32
      %dma_wait3A_353 = tpu.memref_slice %arg6[%add3A_351, %dma_wait3A_352] : memref<79x128xi32, #tpu.memory_space<vmem>> -> memref<1x128xi32, #tpu.memory_space<vmem>>
      %dma_wait3A_354 = tpu.memref_squeeze %dma_wait3A_353 : memref<1x128xi32, #tpu.memory_space<vmem>> -> memref<128xi32, #tpu.memory_space<vmem>>
      %dma_wait3A_355 = arith.constant 0 : i32
      %dma_wait3A_356 = arith.constant 0 : i32
      %dma_wait3A_357 = tpu.memref_slice %arg3[%dma_wait3A_355, %dma_wait3A_356] : memref<10240x64xf32, #tpu.memory_space<hbm>> -> memref<10240x64xf32, #tpu.memory_space<hbm>>
      tpu.wait_indirect_dma semaphore(%arg12 : memref<!tpu.dma_semaphore, #tpu.memory_space<semaphore_mem>>) src(%dma_wait3A_357 : memref<10240x64xf32, #tpu.memory_space<hbm>>) dst(%arg8 : memref<128x64xf32, #tpu.memory_space<vmem>>)
      "tpu.region"() ({
        %run_scoped3A_421 = tpu.sem_alloc : memref<!tpu.dma_semaphore, #tpu.memory_space<semaphore_mem>>
        %dma_start3A_422 = arith.constant 0 : i32
        %dma_start3A_423 = tpu.memref_slice %arg7[%add3A_351, %dma_start3A_422] : memref<79x128xi32, #tpu.memory_space<vmem>> -> memref<1x128xi32, #tpu.memory_space<vmem>>
        %dma_start3A_424 = tpu.memref_squeeze %dma_start3A_423 : memref<1x128xi32, #tpu.memory_space<vmem>> -> memref<128xi32, #tpu.memory_space<vmem>>
        %dma_start3A_425 = arith.constant 0 : i32
        %dma_start3A_426 = arith.constant 0 : i32
        %dma_start3A_427 = tpu.memref_slice %arg16[%dma_start3A_425, %dma_start3A_426] : memref<10240x64xf32, #tpu.memory_space<vmem_shared>> -> memref<10240x64xf32, #tpu.memory_space<vmem_shared>>
        tpu.enqueue_indirect_dma source(%arg8 : memref<128x64xf32, #tpu.memory_space<vmem>>) target(%dma_start3A_427 : memref<10240x64xf32, #tpu.memory_space<vmem_shared>>) offsets(%dma_start3A_424 : memref<128xi32, #tpu.memory_space<vmem>>) semaphore(%run_scoped3A_421 : memref<!tpu.dma_semaphore, #tpu.memory_space<semaphore_mem>>) {add = true}
        %dma_wait3A_428 = arith.constant 0 : i32
        %dma_wait3A_429 = tpu.memref_slice %arg7[%add3A_351, %dma_wait3A_428] : memref<79x128xi32, #tpu.memory_space<vmem>> -> memref<1x128xi32, #tpu.memory_space<vmem>>
        %dma_wait3A_430 = tpu.memref_squeeze %dma_wait3A_429 : memref<1x128xi32, #tpu.memory_space<vmem>> -> memref<128xi32, #tpu.memory_space<vmem>>
        %dma_wait3A_431 = arith.constant 0 : i32
        %dma_wait3A_432 = arith.constant 0 : i32
        %dma_wait3A_433 = tpu.memref_slice %arg16[%dma_wait3A_431, %dma_wait3A_432] : memref<10240x64xf32, #tpu.memory_space<vmem_shared>> -> memref<10240x64xf32, #tpu.memory_space<vmem_shared>>
        tpu.wait_indirect_dma semaphore(%run_scoped3A_421 : memref<!tpu.dma_semaphore, #tpu.memory_space<semaphore_mem>>) src(%arg8 : memref<128x64xf32, #tpu.memory_space<vmem>>) dst(%dma_wait3A_433 : memref<10240x64xf32, #tpu.memory_space<vmem_shared>>)
        tpu.yield
      }) : () -> ()
      %add3A_358 = arith.constant 4 : i32
      %add3A_359 = arith.addi %add3A_351, %add3A_358 : i32
      %dma_start3A_360 = arith.constant 0 : i32
      %dma_start3A_361 = tpu.memref_slice %arg6[%add3A_359, %dma_start3A_360] : memref<79x128xi32, #tpu.memory_space<vmem>> -> memref<1x128xi32, #tpu.memory_space<vmem>>
      %dma_start3A_362 = tpu.memref_squeeze %dma_start3A_361 : memref<1x128xi32, #tpu.memory_space<vmem>> -> memref<128xi32, #tpu.memory_space<vmem>>
      %dma_start3A_363 = arith.constant 0 : i32
      %dma_start3A_364 = arith.constant 0 : i32
      %dma_start3A_365 = tpu.memref_slice %arg3[%dma_start3A_363, %dma_start3A_364] : memref<10240x64xf32, #tpu.memory_space<hbm>> -> memref<10240x64xf32, #tpu.memory_space<hbm>>
      tpu.enqueue_indirect_dma source(%dma_start3A_365 : memref<10240x64xf32, #tpu.memory_space<hbm>>) target(%arg8 : memref<128x64xf32, #tpu.memory_space<vmem>>) offsets(%dma_start3A_362 : memref<128xi32, #tpu.memory_space<vmem>>) semaphore(%arg12 : memref<!tpu.dma_semaphore, #tpu.memory_space<semaphore_mem>>)
      %mul3A_366 = arith.constant 4 : i32
      %mul3A_367 = arith.muli %scan3A_346, %mul3A_366 : i32
      %add3A_368 = arith.constant 1 : i32
      %add3A_369 = arith.addi %mul3A_367, %add3A_368 : i32
      %dma_wait3A_370 = arith.constant 0 : i32
      %dma_wait3A_371 = tpu.memref_slice %arg6[%add3A_369, %dma_wait3A_370] : memref<79x128xi32, #tpu.memory_space<vmem>> -> memref<1x128xi32, #tpu.memory_space<vmem>>
      %dma_wait3A_372 = tpu.memref_squeeze %dma_wait3A_371 : memref<1x128xi32, #tpu.memory_space<vmem>> -> memref<128xi32, #tpu.memory_space<vmem>>
      %dma_wait3A_373 = arith.constant 0 : i32
      %dma_wait3A_374 = arith.constant 0 : i32
      %dma_wait3A_375 = tpu.memref_slice %arg3[%dma_wait3A_373, %dma_wait3A_374] : memref<10240x64xf32, #tpu.memory_space<hbm>> -> memref<10240x64xf32, #tpu.memory_space<hbm>>
      tpu.wait_indirect_dma semaphore(%arg13 : memref<!tpu.dma_semaphore, #tpu.memory_space<semaphore_mem>>) src(%dma_wait3A_375 : memref<10240x64xf32, #tpu.memory_space<hbm>>) dst(%arg9 : memref<128x64xf32, #tpu.memory_space<vmem>>)
      "tpu.region"() ({
        %run_scoped3A_421 = tpu.sem_alloc : memref<!tpu.dma_semaphore, #tpu.memory_space<semaphore_mem>>
        %dma_start3A_422 = arith.constant 0 : i32
        %dma_start3A_423 = tpu.memref_slice %arg7[%add3A_369, %dma_start3A_422] : memref<79x128xi32, #tpu.memory_space<vmem>> -> memref<1x128xi32, #tpu.memory_space<vmem>>
        %dma_start3A_424 = tpu.memref_squeeze %dma_start3A_423 : memref<1x128xi32, #tpu.memory_space<vmem>> -> memref<128xi32, #tpu.memory_space<vmem>>
        %dma_start3A_425 = arith.constant 0 : i32
        %dma_start3A_426 = arith.constant 0 : i32
        %dma_start3A_427 = tpu.memref_slice %arg16[%dma_start3A_425, %dma_start3A_426] : memref<10240x64xf32, #tpu.memory_space<vmem_shared>> -> memref<10240x64xf32, #tpu.memory_space<vmem_shared>>
        tpu.enqueue_indirect_dma source(%arg9 : memref<128x64xf32, #tpu.memory_space<vmem>>) target(%dma_start3A_427 : memref<10240x64xf32, #tpu.memory_space<vmem_shared>>) offsets(%dma_start3A_424 : memref<128xi32, #tpu.memory_space<vmem>>) semaphore(%run_scoped3A_421 : memref<!tpu.dma_semaphore, #tpu.memory_space<semaphore_mem>>) {add = true}
        %dma_wait3A_428 = arith.constant 0 : i32
        %dma_wait3A_429 = tpu.memref_slice %arg7[%add3A_369, %dma_wait3A_428] : memref<79x128xi32, #tpu.memory_space<vmem>> -> memref<1x128xi32, #tpu.memory_space<vmem>>
        %dma_wait3A_430 = tpu.memref_squeeze %dma_wait3A_429 : memref<1x128xi32, #tpu.memory_space<vmem>> -> memref<128xi32, #tpu.memory_space<vmem>>
        %dma_wait3A_431 = arith.constant 0 : i32
        %dma_wait3A_432 = arith.constant 0 : i32
        %dma_wait3A_433 = tpu.memref_slice %arg16[%dma_wait3A_431, %dma_wait3A_432] : memref<10240x64xf32, #tpu.memory_space<vmem_shared>> -> memref<10240x64xf32, #tpu.memory_space<vmem_shared>>
        tpu.wait_indirect_dma semaphore(%run_scoped3A_421 : memref<!tpu.dma_semaphore, #tpu.memory_space<semaphore_mem>>) src(%arg9 : memref<128x64xf32, #tpu.memory_space<vmem>>) dst(%dma_wait3A_433 : memref<10240x64xf32, #tpu.memory_space<vmem_shared>>)
        tpu.yield
      }) : () -> ()
      %add3A_376 = arith.constant 4 : i32
      %add3A_377 = arith.addi %add3A_369, %add3A_376 : i32
      %dma_start3A_378 = arith.constant 0 : i32
      %dma_start3A_379 = tpu.memref_slice %arg6[%add3A_377, %dma_start3A_378] : memref<79x128xi32, #tpu.memory_space<vmem>> -> memref<1x128xi32, #tpu.memory_space<vmem>>
      %dma_start3A_380 = tpu.memref_squeeze %dma_start3A_379 : memref<1x128xi32, #tpu.memory_space<vmem>> -> memref<128xi32, #tpu.memory_space<vmem>>
      %dma_start3A_381 = arith.constant 0 : i32
      %dma_start3A_382 = arith.constant 0 : i32
      %dma_start3A_383 = tpu.memref_slice %arg3[%dma_start3A_381, %dma_start3A_382] : memref<10240x64xf32, #tpu.memory_space<hbm>> -> memref<10240x64xf32, #tpu.memory_space<hbm>>
      tpu.enqueue_indirect_dma source(%dma_start3A_383 : memref<10240x64xf32, #tpu.memory_space<hbm>>) target(%arg9 : memref<128x64xf32, #tpu.memory_space<vmem>>) offsets(%dma_start3A_380 : memref<128xi32, #tpu.memory_space<vmem>>) semaphore(%arg13 : memref<!tpu.dma_semaphore, #tpu.memory_space<semaphore_mem>>)
      %mul3A_384 = arith.constant 4 : i32
      %mul3A_385 = arith.muli %scan3A_346, %mul3A_384 : i32
      %add3A_386 = arith.constant 2 : i32
      %add3A_387 = arith.addi %mul3A_385, %add3A_386 : i32
      %dma_wait3A_388 = arith.constant 0 : i32
      %dma_wait3A_389 = tpu.memref_slice %arg6[%add3A_387, %dma_wait3A_388] : memref<79x128xi32, #tpu.memory_space<vmem>> -> memref<1x128xi32, #tpu.memory_space<vmem>>
      %dma_wait3A_390 = tpu.memref_squeeze %dma_wait3A_389 : memref<1x128xi32, #tpu.memory_space<vmem>> -> memref<128xi32, #tpu.memory_space<vmem>>
      %dma_wait3A_391 = arith.constant 0 : i32
      %dma_wait3A_392 = arith.constant 0 : i32
      %dma_wait3A_393 = tpu.memref_slice %arg3[%dma_wait3A_391, %dma_wait3A_392] : memref<10240x64xf32, #tpu.memory_space<hbm>> -> memref<10240x64xf32, #tpu.memory_space<hbm>>
      tpu.wait_indirect_dma semaphore(%arg14 : memref<!tpu.dma_semaphore, #tpu.memory_space<semaphore_mem>>) src(%dma_wait3A_393 : memref<10240x64xf32, #tpu.memory_space<hbm>>) dst(%arg10 : memref<128x64xf32, #tpu.memory_space<vmem>>)
      "tpu.region"() ({
        %run_scoped3A_421 = tpu.sem_alloc : memref<!tpu.dma_semaphore, #tpu.memory_space<semaphore_mem>>
        %dma_start3A_422 = arith.constant 0 : i32
        %dma_start3A_423 = tpu.memref_slice %arg7[%add3A_387, %dma_start3A_422] : memref<79x128xi32, #tpu.memory_space<vmem>> -> memref<1x128xi32, #tpu.memory_space<vmem>>
        %dma_start3A_424 = tpu.memref_squeeze %dma_start3A_423 : memref<1x128xi32, #tpu.memory_space<vmem>> -> memref<128xi32, #tpu.memory_space<vmem>>
        %dma_start3A_425 = arith.constant 0 : i32
        %dma_start3A_426 = arith.constant 0 : i32
        %dma_start3A_427 = tpu.memref_slice %arg16[%dma_start3A_425, %dma_start3A_426] : memref<10240x64xf32, #tpu.memory_space<vmem_shared>> -> memref<10240x64xf32, #tpu.memory_space<vmem_shared>>
        tpu.enqueue_indirect_dma source(%arg10 : memref<128x64xf32, #tpu.memory_space<vmem>>) target(%dma_start3A_427 : memref<10240x64xf32, #tpu.memory_space<vmem_shared>>) offsets(%dma_start3A_424 : memref<128xi32, #tpu.memory_space<vmem>>) semaphore(%run_scoped3A_421 : memref<!tpu.dma_semaphore, #tpu.memory_space<semaphore_mem>>) {add = true}
        %dma_wait3A_428 = arith.constant 0 : i32
        %dma_wait3A_429 = tpu.memref_slice %arg7[%add3A_387, %dma_wait3A_428] : memref<79x128xi32, #tpu.memory_space<vmem>> -> memref<1x128xi32, #tpu.memory_space<vmem>>
        %dma_wait3A_430 = tpu.memref_squeeze %dma_wait3A_429 : memref<1x128xi32, #tpu.memory_space<vmem>> -> memref<128xi32, #tpu.memory_space<vmem>>
        %dma_wait3A_431 = arith.constant 0 : i32
        %dma_wait3A_432 = arith.constant 0 : i32
        %dma_wait3A_433 = tpu.memref_slice %arg16[%dma_wait3A_431, %dma_wait3A_432] : memref<10240x64xf32, #tpu.memory_space<vmem_shared>> -> memref<10240x64xf32, #tpu.memory_space<vmem_shared>>
        tpu.wait_indirect_dma semaphore(%run_scoped3A_421 : memref<!tpu.dma_semaphore, #tpu.memory_space<semaphore_mem>>) src(%arg10 : memref<128x64xf32, #tpu.memory_space<vmem>>) dst(%dma_wait3A_433 : memref<10240x64xf32, #tpu.memory_space<vmem_shared>>)
        tpu.yield
      }) : () -> ()
      %add3A_394 = arith.constant 4 : i32
      %add3A_395 = arith.addi %add3A_387, %add3A_394 : i32
      %dma_start3A_396 = arith.constant 0 : i32
      %dma_start3A_397 = tpu.memref_slice %arg6[%add3A_395, %dma_start3A_396] : memref<79x128xi32, #tpu.memory_space<vmem>> -> memref<1x128xi32, #tpu.memory_space<vmem>>
      %dma_start3A_398 = tpu.memref_squeeze %dma_start3A_397 : memref<1x128xi32, #tpu.memory_space<vmem>> -> memref<128xi32, #tpu.memory_space<vmem>>
      %dma_start3A_399 = arith.constant 0 : i32
      %dma_start3A_400 = arith.constant 0 : i32
      %dma_start3A_401 = tpu.memref_slice %arg3[%dma_start3A_399, %dma_start3A_400] : memref<10240x64xf32, #tpu.memory_space<hbm>> -> memref<10240x64xf32, #tpu.memory_space<hbm>>
      tpu.enqueue_indirect_dma source(%dma_start3A_401 : memref<10240x64xf32, #tpu.memory_space<hbm>>) target(%arg10 : memref<128x64xf32, #tpu.memory_space<vmem>>) offsets(%dma_start3A_398 : memref<128xi32, #tpu.memory_space<vmem>>) semaphore(%arg14 : memref<!tpu.dma_semaphore, #tpu.memory_space<semaphore_mem>>)
      %mul3A_402 = arith.constant 4 : i32
      %mul3A_403 = arith.muli %scan3A_346, %mul3A_402 : i32
      %add3A_404 = arith.constant 3 : i32
      %add3A_405 = arith.addi %mul3A_403, %add3A_404 : i32
      %dma_wait3A_406 = arith.constant 0 : i32
      %dma_wait3A_407 = tpu.memref_slice %arg6[%add3A_405, %dma_wait3A_406] : memref<79x128xi32, #tpu.memory_space<vmem>> -> memref<1x128xi32, #tpu.memory_space<vmem>>
      %dma_wait3A_408 = tpu.memref_squeeze %dma_wait3A_407 : memref<1x128xi32, #tpu.memory_space<vmem>> -> memref<128xi32, #tpu.memory_space<vmem>>
      %dma_wait3A_409 = arith.constant 0 : i32
      %dma_wait3A_410 = arith.constant 0 : i32
      %dma_wait3A_411 = tpu.memref_slice %arg3[%dma_wait3A_409, %dma_wait3A_410] : memref<10240x64xf32, #tpu.memory_space<hbm>> -> memref<10240x64xf32, #tpu.memory_space<hbm>>
      tpu.wait_indirect_dma semaphore(%arg15 : memref<!tpu.dma_semaphore, #tpu.memory_space<semaphore_mem>>) src(%dma_wait3A_411 : memref<10240x64xf32, #tpu.memory_space<hbm>>) dst(%arg11 : memref<128x64xf32, #tpu.memory_space<vmem>>)
      "tpu.region"() ({
        %run_scoped3A_421 = tpu.sem_alloc : memref<!tpu.dma_semaphore, #tpu.memory_space<semaphore_mem>>
        %dma_start3A_422 = arith.constant 0 : i32
        %dma_start3A_423 = tpu.memref_slice %arg7[%add3A_405, %dma_start3A_422] : memref<79x128xi32, #tpu.memory_space<vmem>> -> memref<1x128xi32, #tpu.memory_space<vmem>>
        %dma_start3A_424 = tpu.memref_squeeze %dma_start3A_423 : memref<1x128xi32, #tpu.memory_space<vmem>> -> memref<128xi32, #tpu.memory_space<vmem>>
        %dma_start3A_425 = arith.constant 0 : i32
        %dma_start3A_426 = arith.constant 0 : i32
        %dma_start3A_427 = tpu.memref_slice %arg16[%dma_start3A_425, %dma_start3A_426] : memref<10240x64xf32, #tpu.memory_space<vmem_shared>> -> memref<10240x64xf32, #tpu.memory_space<vmem_shared>>
        tpu.enqueue_indirect_dma source(%arg11 : memref<128x64xf32, #tpu.memory_space<vmem>>) target(%dma_start3A_427 : memref<10240x64xf32, #tpu.memory_space<vmem_shared>>) offsets(%dma_start3A_424 : memref<128xi32, #tpu.memory_space<vmem>>) semaphore(%run_scoped3A_421 : memref<!tpu.dma_semaphore, #tpu.memory_space<semaphore_mem>>) {add = true}
        %dma_wait3A_428 = arith.constant 0 : i32
        %dma_wait3A_429 = tpu.memref_slice %arg7[%add3A_405, %dma_wait3A_428] : memref<79x128xi32, #tpu.memory_space<vmem>> -> memref<1x128xi32, #tpu.memory_space<vmem>>
        %dma_wait3A_430 = tpu.memref_squeeze %dma_wait3A_429 : memref<1x128xi32, #tpu.memory_space<vmem>> -> memref<128xi32, #tpu.memory_space<vmem>>
        %dma_wait3A_431 = arith.constant 0 : i32
        %dma_wait3A_432 = arith.constant 0 : i32
        %dma_wait3A_433 = tpu.memref_slice %arg16[%dma_wait3A_431, %dma_wait3A_432] : memref<10240x64xf32, #tpu.memory_space<vmem_shared>> -> memref<10240x64xf32, #tpu.memory_space<vmem_shared>>
        tpu.wait_indirect_dma semaphore(%run_scoped3A_421 : memref<!tpu.dma_semaphore, #tpu.memory_space<semaphore_mem>>) src(%arg11 : memref<128x64xf32, #tpu.memory_space<vmem>>) dst(%dma_wait3A_433 : memref<10240x64xf32, #tpu.memory_space<vmem_shared>>)
        tpu.yield
      }) : () -> ()
      %add3A_412 = arith.constant 4 : i32
      %add3A_413 = arith.addi %add3A_405, %add3A_412 : i32
      %dma_start3A_414 = arith.constant 0 : i32
      %dma_start3A_415 = tpu.memref_slice %arg6[%add3A_413, %dma_start3A_414] : memref<79x128xi32, #tpu.memory_space<vmem>> -> memref<1x128xi32, #tpu.memory_space<vmem>>
      %dma_start3A_416 = tpu.memref_squeeze %dma_start3A_415 : memref<1x128xi32, #tpu.memory_space<vmem>> -> memref<128xi32, #tpu.memory_space<vmem>>
      %dma_start3A_417 = arith.constant 0 : i32
      %dma_start3A_418 = arith.constant 0 : i32
      %dma_start3A_419 = tpu.memref_slice %arg3[%dma_start3A_417, %dma_start3A_418] : memref<10240x64xf32, #tpu.memory_space<hbm>> -> memref<10240x64xf32, #tpu.memory_space<hbm>>
      tpu.enqueue_indirect_dma source(%dma_start3A_419 : memref<10240x64xf32, #tpu.memory_space<hbm>>) target(%arg11 : memref<128x64xf32, #tpu.memory_space<vmem>>) offsets(%dma_start3A_416 : memref<128xi32, #tpu.memory_space<vmem>>) semaphore(%arg15 : memref<!tpu.dma_semaphore, #tpu.memory_space<semaphore_mem>>)
      %scan3A_420 = arith.constant 0 : i32
      scf.yield %scan3A_420 : i32
    }
    %scan3A_237 = arith.constant 18 : i32
    %dma_wait3A_238 = arith.constant 72 : i32
    %dma_wait3A_239 = arith.constant 0 : i32
    %dma_wait3A_240 = tpu.memref_slice %arg6[%dma_wait3A_238, %dma_wait3A_239] : memref<79x128xi32, #tpu.memory_space<vmem>> -> memref<1x128xi32, #tpu.memory_space<vmem>>
    %dma_wait3A_241 = tpu.memref_squeeze %dma_wait3A_240 : memref<1x128xi32, #tpu.memory_space<vmem>> -> memref<128xi32, #tpu.memory_space<vmem>>
    %dma_wait3A_242 = arith.constant 0 : i32
    %dma_wait3A_243 = arith.constant 0 : i32
    %dma_wait3A_244 = tpu.memref_slice %arg3[%dma_wait3A_242, %dma_wait3A_243] : memref<10240x64xf32, #tpu.memory_space<hbm>> -> memref<10240x64xf32, #tpu.memory_space<hbm>>
    tpu.wait_indirect_dma semaphore(%arg12 : memref<!tpu.dma_semaphore, #tpu.memory_space<semaphore_mem>>) src(%dma_wait3A_244 : memref<10240x64xf32, #tpu.memory_space<hbm>>) dst(%arg8 : memref<128x64xf32, #tpu.memory_space<vmem>>)
    %run_scoped3A_245 = arith.constant 72 : i32
    "tpu.region"() ({
      %run_scoped3A_346 = tpu.sem_alloc : memref<!tpu.dma_semaphore, #tpu.memory_space<semaphore_mem>>
      %dma_start3A_347 = arith.constant 0 : i32
      %dma_start3A_348 = tpu.memref_slice %arg7[%run_scoped3A_245, %dma_start3A_347] : memref<79x128xi32, #tpu.memory_space<vmem>> -> memref<1x128xi32, #tpu.memory_space<vmem>>
      %dma_start3A_349 = tpu.memref_squeeze %dma_start3A_348 : memref<1x128xi32, #tpu.memory_space<vmem>> -> memref<128xi32, #tpu.memory_space<vmem>>
      %dma_start3A_350 = arith.constant 0 : i32
      %dma_start3A_351 = arith.constant 0 : i32
      %dma_start3A_352 = tpu.memref_slice %arg16[%dma_start3A_350, %dma_start3A_351] : memref<10240x64xf32, #tpu.memory_space<vmem_shared>> -> memref<10240x64xf32, #tpu.memory_space<vmem_shared>>
      tpu.enqueue_indirect_dma source(%arg8 : memref<128x64xf32, #tpu.memory_space<vmem>>) target(%dma_start3A_352 : memref<10240x64xf32, #tpu.memory_space<vmem_shared>>) offsets(%dma_start3A_349 : memref<128xi32, #tpu.memory_space<vmem>>) semaphore(%run_scoped3A_346 : memref<!tpu.dma_semaphore, #tpu.memory_space<semaphore_mem>>) {add = true}
      %dma_wait3A_353 = arith.constant 0 : i32
      %dma_wait3A_354 = tpu.memref_slice %arg7[%run_scoped3A_245, %dma_wait3A_353] : memref<79x128xi32, #tpu.memory_space<vmem>> -> memref<1x128xi32, #tpu.memory_space<vmem>>
      %dma_wait3A_355 = tpu.memref_squeeze %dma_wait3A_354 : memref<1x128xi32, #tpu.memory_space<vmem>> -> memref<128xi32, #tpu.memory_space<vmem>>
      %dma_wait3A_356 = arith.constant 0 : i32
      %dma_wait3A_357 = arith.constant 0 : i32
      %dma_wait3A_358 = tpu.memref_slice %arg16[%dma_wait3A_356, %dma_wait3A_357] : memref<10240x64xf32, #tpu.memory_space<vmem_shared>> -> memref<10240x64xf32, #tpu.memory_space<vmem_shared>>
      tpu.wait_indirect_dma semaphore(%run_scoped3A_346 : memref<!tpu.dma_semaphore, #tpu.memory_space<semaphore_mem>>) src(%arg8 : memref<128x64xf32, #tpu.memory_space<vmem>>) dst(%dma_wait3A_358 : memref<10240x64xf32, #tpu.memory_space<vmem_shared>>)
      tpu.yield
    }) : () -> ()
    %dma_start3A_246 = arith.constant 76 : i32
    %dma_start3A_247 = arith.constant 0 : i32
    %dma_start3A_248 = tpu.memref_slice %arg6[%dma_start3A_246, %dma_start3A_247] : memref<79x128xi32, #tpu.memory_space<vmem>> -> memref<1x128xi32, #tpu.memory_space<vmem>>
    %dma_start3A_249 = tpu.memref_squeeze %dma_start3A_248 : memref<1x128xi32, #tpu.memory_space<vmem>> -> memref<128xi32, #tpu.memory_space<vmem>>
    %dma_start3A_250 = arith.constant 0 : i32
    %dma_start3A_251 = arith.constant 0 : i32
    %dma_start3A_252 = tpu.memref_slice %arg3[%dma_start3A_250, %dma_start3A_251] : memref<10240x64xf32, #tpu.memory_space<hbm>> -> memref<10240x64xf32, #tpu.memory_space<hbm>>
    tpu.enqueue_indirect_dma source(%dma_start3A_252 : memref<10240x64xf32, #tpu.memory_space<hbm>>) target(%arg8 : memref<128x64xf32, #tpu.memory_space<vmem>>) offsets(%dma_start3A_249 : memref<128xi32, #tpu.memory_space<vmem>>) semaphore(%arg12 : memref<!tpu.dma_semaphore, #tpu.memory_space<semaphore_mem>>)
    %dma_wait3A_253 = arith.constant 73 : i32
    %dma_wait3A_254 = arith.constant 0 : i32
    %dma_wait3A_255 = tpu.memref_slice %arg6[%dma_wait3A_253, %dma_wait3A_254] : memref<79x128xi32, #tpu.memory_space<vmem>> -> memref<1x128xi32, #tpu.memory_space<vmem>>
    %dma_wait3A_256 = tpu.memref_squeeze %dma_wait3A_255 : memref<1x128xi32, #tpu.memory_space<vmem>> -> memref<128xi32, #tpu.memory_space<vmem>>
    %dma_wait3A_257 = arith.constant 0 : i32
    %dma_wait3A_258 = arith.constant 0 : i32
    %dma_wait3A_259 = tpu.memref_slice %arg3[%dma_wait3A_257, %dma_wait3A_258] : memref<10240x64xf32, #tpu.memory_space<hbm>> -> memref<10240x64xf32, #tpu.memory_space<hbm>>
    tpu.wait_indirect_dma semaphore(%arg13 : memref<!tpu.dma_semaphore, #tpu.memory_space<semaphore_mem>>) src(%dma_wait3A_259 : memref<10240x64xf32, #tpu.memory_space<hbm>>) dst(%arg9 : memref<128x64xf32, #tpu.memory_space<vmem>>)
    %run_scoped3A_260 = arith.constant 73 : i32
    "tpu.region"() ({
      %run_scoped3A_346 = tpu.sem_alloc : memref<!tpu.dma_semaphore, #tpu.memory_space<semaphore_mem>>
      %dma_start3A_347 = arith.constant 0 : i32
      %dma_start3A_348 = tpu.memref_slice %arg7[%run_scoped3A_260, %dma_start3A_347] : memref<79x128xi32, #tpu.memory_space<vmem>> -> memref<1x128xi32, #tpu.memory_space<vmem>>
      %dma_start3A_349 = tpu.memref_squeeze %dma_start3A_348 : memref<1x128xi32, #tpu.memory_space<vmem>> -> memref<128xi32, #tpu.memory_space<vmem>>
      %dma_start3A_350 = arith.constant 0 : i32
      %dma_start3A_351 = arith.constant 0 : i32
      %dma_start3A_352 = tpu.memref_slice %arg16[%dma_start3A_350, %dma_start3A_351] : memref<10240x64xf32, #tpu.memory_space<vmem_shared>> -> memref<10240x64xf32, #tpu.memory_space<vmem_shared>>
      tpu.enqueue_indirect_dma source(%arg9 : memref<128x64xf32, #tpu.memory_space<vmem>>) target(%dma_start3A_352 : memref<10240x64xf32, #tpu.memory_space<vmem_shared>>) offsets(%dma_start3A_349 : memref<128xi32, #tpu.memory_space<vmem>>) semaphore(%run_scoped3A_346 : memref<!tpu.dma_semaphore, #tpu.memory_space<semaphore_mem>>) {add = true}
      %dma_wait3A_353 = arith.constant 0 : i32
      %dma_wait3A_354 = tpu.memref_slice %arg7[%run_scoped3A_260, %dma_wait3A_353] : memref<79x128xi32, #tpu.memory_space<vmem>> -> memref<1x128xi32, #tpu.memory_space<vmem>>
      %dma_wait3A_355 = tpu.memref_squeeze %dma_wait3A_354 : memref<1x128xi32, #tpu.memory_space<vmem>> -> memref<128xi32, #tpu.memory_space<vmem>>
      %dma_wait3A_356 = arith.constant 0 : i32
      %dma_wait3A_357 = arith.constant 0 : i32
      %dma_wait3A_358 = tpu.memref_slice %arg16[%dma_wait3A_356, %dma_wait3A_357] : memref<10240x64xf32, #tpu.memory_space<vmem_shared>> -> memref<10240x64xf32, #tpu.memory_space<vmem_shared>>
      tpu.wait_indirect_dma semaphore(%run_scoped3A_346 : memref<!tpu.dma_semaphore, #tpu.memory_space<semaphore_mem>>) src(%arg9 : memref<128x64xf32, #tpu.memory_space<vmem>>) dst(%dma_wait3A_358 : memref<10240x64xf32, #tpu.memory_space<vmem_shared>>)
      tpu.yield
    }) : () -> ()
    %dma_start3A_261 = arith.constant 77 : i32
    %dma_start3A_262 = arith.constant 0 : i32
    %dma_start3A_263 = tpu.memref_slice %arg6[%dma_start3A_261, %dma_start3A_262] : memref<79x128xi32, #tpu.memory_space<vmem>> -> memref<1x128xi32, #tpu.memory_space<vmem>>
    %dma_start3A_264 = tpu.memref_squeeze %dma_start3A_263 : memref<1x128xi32, #tpu.memory_space<vmem>> -> memref<128xi32, #tpu.memory_space<vmem>>
    %dma_start3A_265 = arith.constant 0 : i32
    %dma_start3A_266 = arith.constant 0 : i32
    %dma_start3A_267 = tpu.memref_slice %arg3[%dma_start3A_265, %dma_start3A_266] : memref<10240x64xf32, #tpu.memory_space<hbm>> -> memref<10240x64xf32, #tpu.memory_space<hbm>>
    tpu.enqueue_indirect_dma source(%dma_start3A_267 : memref<10240x64xf32, #tpu.memory_space<hbm>>) target(%arg9 : memref<128x64xf32, #tpu.memory_space<vmem>>) offsets(%dma_start3A_264 : memref<128xi32, #tpu.memory_space<vmem>>) semaphore(%arg13 : memref<!tpu.dma_semaphore, #tpu.memory_space<semaphore_mem>>)
    %dma_wait3A_268 = arith.constant 74 : i32
    %dma_wait3A_269 = arith.constant 0 : i32
    %dma_wait3A_270 = tpu.memref_slice %arg6[%dma_wait3A_268, %dma_wait3A_269] : memref<79x128xi32, #tpu.memory_space<vmem>> -> memref<1x128xi32, #tpu.memory_space<vmem>>
    %dma_wait3A_271 = tpu.memref_squeeze %dma_wait3A_270 : memref<1x128xi32, #tpu.memory_space<vmem>> -> memref<128xi32, #tpu.memory_space<vmem>>
    %dma_wait3A_272 = arith.constant 0 : i32
    %dma_wait3A_273 = arith.constant 0 : i32
    %dma_wait3A_274 = tpu.memref_slice %arg3[%dma_wait3A_272, %dma_wait3A_273] : memref<10240x64xf32, #tpu.memory_space<hbm>> -> memref<10240x64xf32, #tpu.memory_space<hbm>>
    tpu.wait_indirect_dma semaphore(%arg14 : memref<!tpu.dma_semaphore, #tpu.memory_space<semaphore_mem>>) src(%dma_wait3A_274 : memref<10240x64xf32, #tpu.memory_space<hbm>>) dst(%arg10 : memref<128x64xf32, #tpu.memory_space<vmem>>)
    %run_scoped3A_275 = arith.constant 74 : i32
    "tpu.region"() ({
      %run_scoped3A_346 = tpu.sem_alloc : memref<!tpu.dma_semaphore, #tpu.memory_space<semaphore_mem>>
      %dma_start3A_347 = arith.constant 0 : i32
      %dma_start3A_348 = tpu.memref_slice %arg7[%run_scoped3A_275, %dma_start3A_347] : memref<79x128xi32, #tpu.memory_space<vmem>> -> memref<1x128xi32, #tpu.memory_space<vmem>>
      %dma_start3A_349 = tpu.memref_squeeze %dma_start3A_348 : memref<1x128xi32, #tpu.memory_space<vmem>> -> memref<128xi32, #tpu.memory_space<vmem>>
      %dma_start3A_350 = arith.constant 0 : i32
      %dma_start3A_351 = arith.constant 0 : i32
      %dma_start3A_352 = tpu.memref_slice %arg16[%dma_start3A_350, %dma_start3A_351] : memref<10240x64xf32, #tpu.memory_space<vmem_shared>> -> memref<10240x64xf32, #tpu.memory_space<vmem_shared>>
      tpu.enqueue_indirect_dma source(%arg10 : memref<128x64xf32, #tpu.memory_space<vmem>>) target(%dma_start3A_352 : memref<10240x64xf32, #tpu.memory_space<vmem_shared>>) offsets(%dma_start3A_349 : memref<128xi32, #tpu.memory_space<vmem>>) semaphore(%run_scoped3A_346 : memref<!tpu.dma_semaphore, #tpu.memory_space<semaphore_mem>>) {add = true}
      %dma_wait3A_353 = arith.constant 0 : i32
      %dma_wait3A_354 = tpu.memref_slice %arg7[%run_scoped3A_275, %dma_wait3A_353] : memref<79x128xi32, #tpu.memory_space<vmem>> -> memref<1x128xi32, #tpu.memory_space<vmem>>
      %dma_wait3A_355 = tpu.memref_squeeze %dma_wait3A_354 : memref<1x128xi32, #tpu.memory_space<vmem>> -> memref<128xi32, #tpu.memory_space<vmem>>
      %dma_wait3A_356 = arith.constant 0 : i32
      %dma_wait3A_357 = arith.constant 0 : i32
      %dma_wait3A_358 = tpu.memref_slice %arg16[%dma_wait3A_356, %dma_wait3A_357] : memref<10240x64xf32, #tpu.memory_space<vmem_shared>> -> memref<10240x64xf32, #tpu.memory_space<vmem_shared>>
      tpu.wait_indirect_dma semaphore(%run_scoped3A_346 : memref<!tpu.dma_semaphore, #tpu.memory_space<semaphore_mem>>) src(%arg10 : memref<128x64xf32, #tpu.memory_space<vmem>>) dst(%dma_wait3A_358 : memref<10240x64xf32, #tpu.memory_space<vmem_shared>>)
      tpu.yield
    }) : () -> ()
    %dma_wait3A_276 = arith.constant 75 : i32
    %dma_wait3A_277 = arith.constant 0 : i32
    %dma_wait3A_278 = tpu.memref_slice %arg6[%dma_wait3A_276, %dma_wait3A_277] : memref<79x128xi32, #tpu.memory_space<vmem>> -> memref<1x128xi32, #tpu.memory_space<vmem>>
    %dma_wait3A_279 = tpu.memref_squeeze %dma_wait3A_278 : memref<1x128xi32, #tpu.memory_space<vmem>> -> memref<128xi32, #tpu.memory_space<vmem>>
    %dma_wait3A_280 = arith.constant 0 : i32
    %dma_wait3A_281 = arith.constant 0 : i32
    %dma_wait3A_282 = tpu.memref_slice %arg3[%dma_wait3A_280, %dma_wait3A_281] : memref<10240x64xf32, #tpu.memory_space<hbm>> -> memref<10240x64xf32, #tpu.memory_space<hbm>>
    tpu.wait_indirect_dma semaphore(%arg15 : memref<!tpu.dma_semaphore, #tpu.memory_space<semaphore_mem>>) src(%dma_wait3A_282 : memref<10240x64xf32, #tpu.memory_space<hbm>>) dst(%arg11 : memref<128x64xf32, #tpu.memory_space<vmem>>)
    %run_scoped3A_283 = arith.constant 75 : i32
    "tpu.region"() ({
      %run_scoped3A_346 = tpu.sem_alloc : memref<!tpu.dma_semaphore, #tpu.memory_space<semaphore_mem>>
      %dma_start3A_347 = arith.constant 0 : i32
      %dma_start3A_348 = tpu.memref_slice %arg7[%run_scoped3A_283, %dma_start3A_347] : memref<79x128xi32, #tpu.memory_space<vmem>> -> memref<1x128xi32, #tpu.memory_space<vmem>>
      %dma_start3A_349 = tpu.memref_squeeze %dma_start3A_348 : memref<1x128xi32, #tpu.memory_space<vmem>> -> memref<128xi32, #tpu.memory_space<vmem>>
      %dma_start3A_350 = arith.constant 0 : i32
      %dma_start3A_351 = arith.constant 0 : i32
      %dma_start3A_352 = tpu.memref_slice %arg16[%dma_start3A_350, %dma_start3A_351] : memref<10240x64xf32, #tpu.memory_space<vmem_shared>> -> memref<10240x64xf32, #tpu.memory_space<vmem_shared>>
      tpu.enqueue_indirect_dma source(%arg11 : memref<128x64xf32, #tpu.memory_space<vmem>>) target(%dma_start3A_352 : memref<10240x64xf32, #tpu.memory_space<vmem_shared>>) offsets(%dma_start3A_349 : memref<128xi32, #tpu.memory_space<vmem>>) semaphore(%run_scoped3A_346 : memref<!tpu.dma_semaphore, #tpu.memory_space<semaphore_mem>>) {add = true}
      %dma_wait3A_353 = arith.constant 0 : i32
      %dma_wait3A_354 = tpu.memref_slice %arg7[%run_scoped3A_283, %dma_wait3A_353] : memref<79x128xi32, #tpu.memory_space<vmem>> -> memref<1x128xi32, #tpu.memory_space<vmem>>
      %dma_wait3A_355 = tpu.memref_squeeze %dma_wait3A_354 : memref<1x128xi32, #tpu.memory_space<vmem>> -> memref<128xi32, #tpu.memory_space<vmem>>
      %dma_wait3A_356 = arith.constant 0 : i32
      %dma_wait3A_357 = arith.constant 0 : i32
      %dma_wait3A_358 = tpu.memref_slice %arg16[%dma_wait3A_356, %dma_wait3A_357] : memref<10240x64xf32, #tpu.memory_space<vmem_shared>> -> memref<10240x64xf32, #tpu.memory_space<vmem_shared>>
      tpu.wait_indirect_dma semaphore(%run_scoped3A_346 : memref<!tpu.dma_semaphore, #tpu.memory_space<semaphore_mem>>) src(%arg11 : memref<128x64xf32, #tpu.memory_space<vmem>>) dst(%dma_wait3A_358 : memref<10240x64xf32, #tpu.memory_space<vmem_shared>>)
      tpu.yield
    }) : () -> ()
    %dma_wait3A_284 = arith.constant 76 : i32
    %dma_wait3A_285 = arith.constant 0 : i32
    %dma_wait3A_286 = tpu.memref_slice %arg6[%dma_wait3A_284, %dma_wait3A_285] : memref<79x128xi32, #tpu.memory_space<vmem>> -> memref<1x128xi32, #tpu.memory_space<vmem>>
    %dma_wait3A_287 = tpu.memref_squeeze %dma_wait3A_286 : memref<1x128xi32, #tpu.memory_space<vmem>> -> memref<128xi32, #tpu.memory_space<vmem>>
    %dma_wait3A_288 = arith.constant 0 : i32
    %dma_wait3A_289 = arith.constant 0 : i32
    %dma_wait3A_290 = tpu.memref_slice %arg3[%dma_wait3A_288, %dma_wait3A_289] : memref<10240x64xf32, #tpu.memory_space<hbm>> -> memref<10240x64xf32, #tpu.memory_space<hbm>>
    tpu.wait_indirect_dma semaphore(%arg12 : memref<!tpu.dma_semaphore, #tpu.memory_space<semaphore_mem>>) src(%dma_wait3A_290 : memref<10240x64xf32, #tpu.memory_space<hbm>>) dst(%arg8 : memref<128x64xf32, #tpu.memory_space<vmem>>)
    %run_scoped3A_291 = arith.constant 76 : i32
    "tpu.region"() ({
      %run_scoped3A_346 = tpu.sem_alloc : memref<!tpu.dma_semaphore, #tpu.memory_space<semaphore_mem>>
      %dma_start3A_347 = arith.constant 0 : i32
      %dma_start3A_348 = tpu.memref_slice %arg7[%run_scoped3A_291, %dma_start3A_347] : memref<79x128xi32, #tpu.memory_space<vmem>> -> memref<1x128xi32, #tpu.memory_space<vmem>>
      %dma_start3A_349 = tpu.memref_squeeze %dma_start3A_348 : memref<1x128xi32, #tpu.memory_space<vmem>> -> memref<128xi32, #tpu.memory_space<vmem>>
      %dma_start3A_350 = arith.constant 0 : i32
      %dma_start3A_351 = arith.constant 0 : i32
      %dma_start3A_352 = tpu.memref_slice %arg16[%dma_start3A_350, %dma_start3A_351] : memref<10240x64xf32, #tpu.memory_space<vmem_shared>> -> memref<10240x64xf32, #tpu.memory_space<vmem_shared>>
      tpu.enqueue_indirect_dma source(%arg8 : memref<128x64xf32, #tpu.memory_space<vmem>>) target(%dma_start3A_352 : memref<10240x64xf32, #tpu.memory_space<vmem_shared>>) offsets(%dma_start3A_349 : memref<128xi32, #tpu.memory_space<vmem>>) semaphore(%run_scoped3A_346 : memref<!tpu.dma_semaphore, #tpu.memory_space<semaphore_mem>>) {add = true}
      %dma_wait3A_353 = arith.constant 0 : i32
      %dma_wait3A_354 = tpu.memref_slice %arg7[%run_scoped3A_291, %dma_wait3A_353] : memref<79x128xi32, #tpu.memory_space<vmem>> -> memref<1x128xi32, #tpu.memory_space<vmem>>
      %dma_wait3A_355 = tpu.memref_squeeze %dma_wait3A_354 : memref<1x128xi32, #tpu.memory_space<vmem>> -> memref<128xi32, #tpu.memory_space<vmem>>
      %dma_wait3A_356 = arith.constant 0 : i32
      %dma_wait3A_357 = arith.constant 0 : i32
      %dma_wait3A_358 = tpu.memref_slice %arg16[%dma_wait3A_356, %dma_wait3A_357] : memref<10240x64xf32, #tpu.memory_space<vmem_shared>> -> memref<10240x64xf32, #tpu.memory_space<vmem_shared>>
      tpu.wait_indirect_dma semaphore(%run_scoped3A_346 : memref<!tpu.dma_semaphore, #tpu.memory_space<semaphore_mem>>) src(%arg8 : memref<128x64xf32, #tpu.memory_space<vmem>>) dst(%dma_wait3A_358 : memref<10240x64xf32, #tpu.memory_space<vmem_shared>>)
      tpu.yield
    }) : () -> ()
    %dma_wait3A_292 = arith.constant 77 : i32
    %dma_wait3A_293 = arith.constant 0 : i32
    %dma_wait3A_294 = tpu.memref_slice %arg6[%dma_wait3A_292, %dma_wait3A_293] : memref<79x128xi32, #tpu.memory_space<vmem>> -> memref<1x128xi32, #tpu.memory_space<vmem>>
    %dma_wait3A_295 = tpu.memref_squeeze %dma_wait3A_294 : memref<1x128xi32, #tpu.memory_space<vmem>> -> memref<128xi32, #tpu.memory_space<vmem>>
    %dma_wait3A_296 = arith.constant 0 : i32
    %dma_wait3A_297 = arith.constant 0 : i32
    %dma_wait3A_298 = tpu.memref_slice %arg3[%dma_wait3A_296, %dma_wait3A_297] : memref<10240x64xf32, #tpu.memory_space<hbm>> -> memref<10240x64xf32, #tpu.memory_space<hbm>>
    tpu.wait_indirect_dma semaphore(%arg13 : memref<!tpu.dma_semaphore, #tpu.memory_space<semaphore_mem>>) src(%dma_wait3A_298 : memref<10240x64xf32, #tpu.memory_space<hbm>>) dst(%arg9 : memref<128x64xf32, #tpu.memory_space<vmem>>)
    %run_scoped3A_299 = arith.constant 77 : i32
    "tpu.region"() ({
      %run_scoped3A_346 = tpu.sem_alloc : memref<!tpu.dma_semaphore, #tpu.memory_space<semaphore_mem>>
      %dma_start3A_347 = arith.constant 0 : i32
      %dma_start3A_348 = tpu.memref_slice %arg7[%run_scoped3A_299, %dma_start3A_347] : memref<79x128xi32, #tpu.memory_space<vmem>> -> memref<1x128xi32, #tpu.memory_space<vmem>>
      %dma_start3A_349 = tpu.memref_squeeze %dma_start3A_348 : memref<1x128xi32, #tpu.memory_space<vmem>> -> memref<128xi32, #tpu.memory_space<vmem>>
      %dma_start3A_350 = arith.constant 0 : i32
      %dma_start3A_351 = arith.constant 0 : i32
      %dma_start3A_352 = tpu.memref_slice %arg16[%dma_start3A_350, %dma_start3A_351] : memref<10240x64xf32, #tpu.memory_space<vmem_shared>> -> memref<10240x64xf32, #tpu.memory_space<vmem_shared>>
      tpu.enqueue_indirect_dma source(%arg9 : memref<128x64xf32, #tpu.memory_space<vmem>>) target(%dma_start3A_352 : memref<10240x64xf32, #tpu.memory_space<vmem_shared>>) offsets(%dma_start3A_349 : memref<128xi32, #tpu.memory_space<vmem>>) semaphore(%run_scoped3A_346 : memref<!tpu.dma_semaphore, #tpu.memory_space<semaphore_mem>>) {add = true}
      %dma_wait3A_353 = arith.constant 0 : i32
      %dma_wait3A_354 = tpu.memref_slice %arg7[%run_scoped3A_299, %dma_wait3A_353] : memref<79x128xi32, #tpu.memory_space<vmem>> -> memref<1x128xi32, #tpu.memory_space<vmem>>
      %dma_wait3A_355 = tpu.memref_squeeze %dma_wait3A_354 : memref<1x128xi32, #tpu.memory_space<vmem>> -> memref<128xi32, #tpu.memory_space<vmem>>
      %dma_wait3A_356 = arith.constant 0 : i32
      %dma_wait3A_357 = arith.constant 0 : i32
      %dma_wait3A_358 = tpu.memref_slice %arg16[%dma_wait3A_356, %dma_wait3A_357] : memref<10240x64xf32, #tpu.memory_space<vmem_shared>> -> memref<10240x64xf32, #tpu.memory_space<vmem_shared>>
      tpu.wait_indirect_dma semaphore(%run_scoped3A_346 : memref<!tpu.dma_semaphore, #tpu.memory_space<semaphore_mem>>) src(%arg9 : memref<128x64xf32, #tpu.memory_space<vmem>>) dst(%dma_wait3A_358 : memref<10240x64xf32, #tpu.memory_space<vmem_shared>>)
      tpu.yield
    }) : () -> ()
    %lt3A_300 = arith.constant 4 : i32
    %lt3A_301 = arith.cmpi slt, %add3A_26, %lt3A_300 : i32
    %convert_element_type3A_302 = arith.extui %lt3A_301 : i1 to i32
    %cond3A_303 = arith.constant 0 : i32
    %cond3A_304 = arith.cmpi ne, %convert_element_type3A_302, %cond3A_303 : i32
    scf.if %cond3A_304 {
      %dma_start3A_346 = arith.constant 78 : i32
      %dma_start3A_347 = arith.constant 0 : i32
      %dma_start3A_348 = tpu.memref_slice %arg6[%dma_start3A_346, %dma_start3A_347] : memref<79x128xi32, #tpu.memory_space<vmem>> -> memref<1x128xi32, #tpu.memory_space<vmem>>
      %dma_start3A_349 = tpu.memref_squeeze %dma_start3A_348 : memref<1x128xi32, #tpu.memory_space<vmem>> -> memref<128xi32, #tpu.memory_space<vmem>>
      %dma_start3A_350 = arith.constant 0 : i32
      %dma_start3A_351 = arith.constant 0 : i32
      %dma_start3A_352 = tpu.memref_slice %arg3[%dma_start3A_350, %dma_start3A_351] : memref<10240x64xf32, #tpu.memory_space<hbm>> -> memref<10240x64xf32, #tpu.memory_space<hbm>>
      tpu.enqueue_indirect_dma source(%dma_start3A_352 : memref<10240x64xf32, #tpu.memory_space<hbm>>) target(%arg8 : memref<128x64xf32, #tpu.memory_space<vmem>>) offsets(%dma_start3A_349 : memref<128xi32, #tpu.memory_space<vmem>>) semaphore(%arg12 : memref<!tpu.dma_semaphore, #tpu.memory_space<semaphore_mem>>)
      %dma_wait3A_353 = arith.constant 78 : i32
      %dma_wait3A_354 = arith.constant 0 : i32
      %dma_wait3A_355 = tpu.memref_slice %arg6[%dma_wait3A_353, %dma_wait3A_354] : memref<79x128xi32, #tpu.memory_space<vmem>> -> memref<1x128xi32, #tpu.memory_space<vmem>>
      %dma_wait3A_356 = tpu.memref_squeeze %dma_wait3A_355 : memref<1x128xi32, #tpu.memory_space<vmem>> -> memref<128xi32, #tpu.memory_space<vmem>>
      %dma_wait3A_357 = arith.constant 0 : i32
      %dma_wait3A_358 = arith.constant 0 : i32
      %dma_wait3A_359 = tpu.memref_slice %arg3[%dma_wait3A_357, %dma_wait3A_358] : memref<10240x64xf32, #tpu.memory_space<hbm>> -> memref<10240x64xf32, #tpu.memory_space<hbm>>
      tpu.wait_indirect_dma semaphore(%arg12 : memref<!tpu.dma_semaphore, #tpu.memory_space<semaphore_mem>>) src(%dma_wait3A_359 : memref<10240x64xf32, #tpu.memory_space<hbm>>) dst(%arg8 : memref<128x64xf32, #tpu.memory_space<vmem>>)
      %run_scoped3A_360 = arith.constant 78 : i32
      "tpu.region"() ({
        %run_scoped3A_361 = tpu.sem_alloc : memref<!tpu.dma_semaphore, #tpu.memory_space<semaphore_mem>>
        %dma_start3A_362 = arith.constant 0 : i32
        %dma_start3A_363 = tpu.memref_slice %arg7[%run_scoped3A_360, %dma_start3A_362] : memref<79x128xi32, #tpu.memory_space<vmem>> -> memref<1x128xi32, #tpu.memory_space<vmem>>
        %dma_start3A_364 = tpu.memref_squeeze %dma_start3A_363 : memref<1x128xi32, #tpu.memory_space<vmem>> -> memref<128xi32, #tpu.memory_space<vmem>>
        %dma_start3A_365 = arith.constant 0 : i32
        %dma_start3A_366 = arith.constant 0 : i32
        %dma_start3A_367 = tpu.memref_slice %arg16[%dma_start3A_365, %dma_start3A_366] : memref<10240x64xf32, #tpu.memory_space<vmem_shared>> -> memref<10240x64xf32, #tpu.memory_space<vmem_shared>>
        tpu.enqueue_indirect_dma source(%arg8 : memref<128x64xf32, #tpu.memory_space<vmem>>) target(%dma_start3A_367 : memref<10240x64xf32, #tpu.memory_space<vmem_shared>>) offsets(%dma_start3A_364 : memref<128xi32, #tpu.memory_space<vmem>>) semaphore(%run_scoped3A_361 : memref<!tpu.dma_semaphore, #tpu.memory_space<semaphore_mem>>) {add = true}
        %dma_wait3A_368 = arith.constant 0 : i32
        %dma_wait3A_369 = tpu.memref_slice %arg7[%run_scoped3A_360, %dma_wait3A_368] : memref<79x128xi32, #tpu.memory_space<vmem>> -> memref<1x128xi32, #tpu.memory_space<vmem>>
        %dma_wait3A_370 = tpu.memref_squeeze %dma_wait3A_369 : memref<1x128xi32, #tpu.memory_space<vmem>> -> memref<128xi32, #tpu.memory_space<vmem>>
        %dma_wait3A_371 = arith.constant 0 : i32
        %dma_wait3A_372 = arith.constant 0 : i32
        %dma_wait3A_373 = tpu.memref_slice %arg16[%dma_wait3A_371, %dma_wait3A_372] : memref<10240x64xf32, #tpu.memory_space<vmem_shared>> -> memref<10240x64xf32, #tpu.memory_space<vmem_shared>>
        tpu.wait_indirect_dma semaphore(%run_scoped3A_361 : memref<!tpu.dma_semaphore, #tpu.memory_space<semaphore_mem>>) src(%arg8 : memref<128x64xf32, #tpu.memory_space<vmem>>) dst(%dma_wait3A_373 : memref<10240x64xf32, #tpu.memory_space<vmem_shared>>)
        tpu.yield
      }) : () -> ()
    } else {
    }
    %barrier3A_305 = arith.constant 0 : index
    tpu.barrier barrier_id(%barrier3A_305)
    %mul3A_306 = arith.constant 640 : i32
    %mul3A_307 = arith.muli %arg1, %mul3A_306 : i32
    %add3A_308 = arith.constant 0 : i32
    %add3A_309 = arith.addi %mul3A_307, %add3A_308 : i32
    %mul3A_310 = arith.constant 640 : i32
    %mul3A_311 = arith.muli %arg1, %mul3A_310 : i32
    %add3A_312 = arith.constant 0 : i32
    %add3A_313 = arith.addi %mul3A_311, %add3A_312 : i32
    "tpu.region"() ({
      %run_scoped3A_346 = tpu.sem_alloc : memref<!tpu.dma_semaphore, #tpu.memory_space<semaphore_mem>>
      %dma_start3A_347 = arith.constant 64 : i32
      %dma_start3A_348 = tpu.memref_slice %arg5[%arg0, %add3A_313, %dma_start3A_347] : memref<2x10240x128xf32, #tpu.memory_space<hbm>> -> memref<1x128x64xf32, #tpu.memory_space<hbm>>
      %dma_start3A_349 = tpu.memref_squeeze %dma_start3A_348 : memref<1x128x64xf32, #tpu.memory_space<hbm>> -> memref<128x64xf32, #tpu.memory_space<hbm>>
      %dma_start3A_350 = arith.constant 0 : i32
      %dma_start3A_351 = tpu.memref_slice %arg16[%add3A_309, %dma_start3A_350] : memref<10240x64xf32, #tpu.memory_space<vmem_shared>> -> memref<128x64xf32, #tpu.memory_space<vmem_shared>>
      tpu.enqueue_dma source(%dma_start3A_351 : memref<128x64xf32, #tpu.memory_space<vmem_shared>>) target(%dma_start3A_349 : memref<128x64xf32, #tpu.memory_space<hbm>>) target_semaphore(%run_scoped3A_346 : memref<!tpu.dma_semaphore, #tpu.memory_space<semaphore_mem>>)
      %dma_wait3A_352 = arith.constant 64 : i32
      %dma_wait3A_353 = tpu.memref_slice %arg5[%arg0, %add3A_313, %dma_wait3A_352] : memref<2x10240x128xf32, #tpu.memory_space<hbm>> -> memref<1x128x64xf32, #tpu.memory_space<hbm>>
      %dma_wait3A_354 = tpu.memref_squeeze %dma_wait3A_353 : memref<1x128x64xf32, #tpu.memory_space<hbm>> -> memref<128x64xf32, #tpu.memory_space<hbm>>
      %dma_wait3A_355 = arith.constant 0 : i32
      %dma_wait3A_356 = tpu.memref_slice %arg16[%add3A_309, %dma_wait3A_355] : memref<10240x64xf32, #tpu.memory_space<vmem_shared>> -> memref<128x64xf32, #tpu.memory_space<vmem_shared>>
      tpu.wait_dma2 semaphore(%run_scoped3A_346 : memref<!tpu.dma_semaphore, #tpu.memory_space<semaphore_mem>>) src(%dma_wait3A_356 : memref<128x64xf32, #tpu.memory_space<vmem_shared>>) dst(%dma_wait3A_354 : memref<128x64xf32, #tpu.memory_space<hbm>>)
      tpu.yield
    }) : () -> ()
    %mul3A_314 = arith.constant 640 : i32
    %mul3A_315 = arith.muli %arg1, %mul3A_314 : i32
    %add3A_316 = arith.constant 128 : i32
    %add3A_317 = arith.addi %mul3A_315, %add3A_316 : i32
    %mul3A_318 = arith.constant 640 : i32
    %mul3A_319 = arith.muli %arg1, %mul3A_318 : i32
    %add3A_320 = arith.constant 128 : i32
    %add3A_321 = arith.addi %mul3A_319, %add3A_320 : i32
    "tpu.region"() ({
      %run_scoped3A_346 = tpu.sem_alloc : memref<!tpu.dma_semaphore, #tpu.memory_space<semaphore_mem>>
      %dma_start3A_347 = arith.constant 64 : i32
      %dma_start3A_348 = tpu.memref_slice %arg5[%arg0, %add3A_321, %dma_start3A_347] : memref<2x10240x128xf32, #tpu.memory_space<hbm>> -> memref<1x128x64xf32, #tpu.memory_space<hbm>>
      %dma_start3A_349 = tpu.memref_squeeze %dma_start3A_348 : memref<1x128x64xf32, #tpu.memory_space<hbm>> -> memref<128x64xf32, #tpu.memory_space<hbm>>
      %dma_start3A_350 = arith.constant 0 : i32
      %dma_start3A_351 = tpu.memref_slice %arg16[%add3A_317, %dma_start3A_350] : memref<10240x64xf32, #tpu.memory_space<vmem_shared>> -> memref<128x64xf32, #tpu.memory_space<vmem_shared>>
      tpu.enqueue_dma source(%dma_start3A_351 : memref<128x64xf32, #tpu.memory_space<vmem_shared>>) target(%dma_start3A_349 : memref<128x64xf32, #tpu.memory_space<hbm>>) target_semaphore(%run_scoped3A_346 : memref<!tpu.dma_semaphore, #tpu.memory_space<semaphore_mem>>)
      %dma_wait3A_352 = arith.constant 64 : i32
      %dma_wait3A_353 = tpu.memref_slice %arg5[%arg0, %add3A_321, %dma_wait3A_352] : memref<2x10240x128xf32, #tpu.memory_space<hbm>> -> memref<1x128x64xf32, #tpu.memory_space<hbm>>
      %dma_wait3A_354 = tpu.memref_squeeze %dma_wait3A_353 : memref<1x128x64xf32, #tpu.memory_space<hbm>> -> memref<128x64xf32, #tpu.memory_space<hbm>>
      %dma_wait3A_355 = arith.constant 0 : i32
      %dma_wait3A_356 = tpu.memref_slice %arg16[%add3A_317, %dma_wait3A_355] : memref<10240x64xf32, #tpu.memory_space<vmem_shared>> -> memref<128x64xf32, #tpu.memory_space<vmem_shared>>
      tpu.wait_dma2 semaphore(%run_scoped3A_346 : memref<!tpu.dma_semaphore, #tpu.memory_space<semaphore_mem>>) src(%dma_wait3A_356 : memref<128x64xf32, #tpu.memory_space<vmem_shared>>) dst(%dma_wait3A_354 : memref<128x64xf32, #tpu.memory_space<hbm>>)
      tpu.yield
    }) : () -> ()
    %mul3A_322 = arith.constant 640 : i32
    %mul3A_323 = arith.muli %arg1, %mul3A_322 : i32
    %add3A_324 = arith.constant 256 : i32
    %add3A_325 = arith.addi %mul3A_323, %add3A_324 : i32
    %mul3A_326 = arith.constant 640 : i32
    %mul3A_327 = arith.muli %arg1, %mul3A_326 : i32
    %add3A_328 = arith.constant 256 : i32
    %add3A_329 = arith.addi %mul3A_327, %add3A_328 : i32
    "tpu.region"() ({
      %run_scoped3A_346 = tpu.sem_alloc : memref<!tpu.dma_semaphore, #tpu.memory_space<semaphore_mem>>
      %dma_start3A_347 = arith.constant 64 : i32
      %dma_start3A_348 = tpu.memref_slice %arg5[%arg0, %add3A_329, %dma_start3A_347] : memref<2x10240x128xf32, #tpu.memory_space<hbm>> -> memref<1x128x64xf32, #tpu.memory_space<hbm>>
      %dma_start3A_349 = tpu.memref_squeeze %dma_start3A_348 : memref<1x128x64xf32, #tpu.memory_space<hbm>> -> memref<128x64xf32, #tpu.memory_space<hbm>>
      %dma_start3A_350 = arith.constant 0 : i32
      %dma_start3A_351 = tpu.memref_slice %arg16[%add3A_325, %dma_start3A_350] : memref<10240x64xf32, #tpu.memory_space<vmem_shared>> -> memref<128x64xf32, #tpu.memory_space<vmem_shared>>
      tpu.enqueue_dma source(%dma_start3A_351 : memref<128x64xf32, #tpu.memory_space<vmem_shared>>) target(%dma_start3A_349 : memref<128x64xf32, #tpu.memory_space<hbm>>) target_semaphore(%run_scoped3A_346 : memref<!tpu.dma_semaphore, #tpu.memory_space<semaphore_mem>>)
      %dma_wait3A_352 = arith.constant 64 : i32
      %dma_wait3A_353 = tpu.memref_slice %arg5[%arg0, %add3A_329, %dma_wait3A_352] : memref<2x10240x128xf32, #tpu.memory_space<hbm>> -> memref<1x128x64xf32, #tpu.memory_space<hbm>>
      %dma_wait3A_354 = tpu.memref_squeeze %dma_wait3A_353 : memref<1x128x64xf32, #tpu.memory_space<hbm>> -> memref<128x64xf32, #tpu.memory_space<hbm>>
      %dma_wait3A_355 = arith.constant 0 : i32
      %dma_wait3A_356 = tpu.memref_slice %arg16[%add3A_325, %dma_wait3A_355] : memref<10240x64xf32, #tpu.memory_space<vmem_shared>> -> memref<128x64xf32, #tpu.memory_space<vmem_shared>>
      tpu.wait_dma2 semaphore(%run_scoped3A_346 : memref<!tpu.dma_semaphore, #tpu.memory_space<semaphore_mem>>) src(%dma_wait3A_356 : memref<128x64xf32, #tpu.memory_space<vmem_shared>>) dst(%dma_wait3A_354 : memref<128x64xf32, #tpu.memory_space<hbm>>)
      tpu.yield
    }) : () -> ()
    %mul3A_330 = arith.constant 640 : i32
    %mul3A_331 = arith.muli %arg1, %mul3A_330 : i32
    %add3A_332 = arith.constant 384 : i32
    %add3A_333 = arith.addi %mul3A_331, %add3A_332 : i32
    %mul3A_334 = arith.constant 640 : i32
    %mul3A_335 = arith.muli %arg1, %mul3A_334 : i32
    %add3A_336 = arith.constant 384 : i32
    %add3A_337 = arith.addi %mul3A_335, %add3A_336 : i32
    "tpu.region"() ({
      %run_scoped3A_346 = tpu.sem_alloc : memref<!tpu.dma_semaphore, #tpu.memory_space<semaphore_mem>>
      %dma_start3A_347 = arith.constant 64 : i32
      %dma_start3A_348 = tpu.memref_slice %arg5[%arg0, %add3A_337, %dma_start3A_347] : memref<2x10240x128xf32, #tpu.memory_space<hbm>> -> memref<1x128x64xf32, #tpu.memory_space<hbm>>
      %dma_start3A_349 = tpu.memref_squeeze %dma_start3A_348 : memref<1x128x64xf32, #tpu.memory_space<hbm>> -> memref<128x64xf32, #tpu.memory_space<hbm>>
      %dma_start3A_350 = arith.constant 0 : i32
      %dma_start3A_351 = tpu.memref_slice %arg16[%add3A_333, %dma_start3A_350] : memref<10240x64xf32, #tpu.memory_space<vmem_shared>> -> memref<128x64xf32, #tpu.memory_space<vmem_shared>>
      tpu.enqueue_dma source(%dma_start3A_351 : memref<128x64xf32, #tpu.memory_space<vmem_shared>>) target(%dma_start3A_349 : memref<128x64xf32, #tpu.memory_space<hbm>>) target_semaphore(%run_scoped3A_346 : memref<!tpu.dma_semaphore, #tpu.memory_space<semaphore_mem>>)
      %dma_wait3A_352 = arith.constant 64 : i32
      %dma_wait3A_353 = tpu.memref_slice %arg5[%arg0, %add3A_337, %dma_wait3A_352] : memref<2x10240x128xf32, #tpu.memory_space<hbm>> -> memref<1x128x64xf32, #tpu.memory_space<hbm>>
      %dma_wait3A_354 = tpu.memref_squeeze %dma_wait3A_353 : memref<1x128x64xf32, #tpu.memory_space<hbm>> -> memref<128x64xf32, #tpu.memory_space<hbm>>
      %dma_wait3A_355 = arith.constant 0 : i32
      %dma_wait3A_356 = tpu.memref_slice %arg16[%add3A_333, %dma_wait3A_355] : memref<10240x64xf32, #tpu.memory_space<vmem_shared>> -> memref<128x64xf32, #tpu.memory_space<vmem_shared>>
      tpu.wait_dma2 semaphore(%run_scoped3A_346 : memref<!tpu.dma_semaphore, #tpu.memory_space<semaphore_mem>>) src(%dma_wait3A_356 : memref<128x64xf32, #tpu.memory_space<vmem_shared>>) dst(%dma_wait3A_354 : memref<128x64xf32, #tpu.memory_space<hbm>>)
      tpu.yield
    }) : () -> ()
    %mul3A_338 = arith.constant 640 : i32
    %mul3A_339 = arith.muli %arg1, %mul3A_338 : i32
    %add3A_340 = arith.constant 512 : i32
    %add3A_341 = arith.addi %mul3A_339, %add3A_340 : i32
    %mul3A_342 = arith.constant 640 : i32
    %mul3A_343 = arith.muli %arg1, %mul3A_342 : i32
    %add3A_344 = arith.constant 512 : i32
    %add3A_345 = arith.addi %mul3A_343, %add3A_344 : i32
    "tpu.region"() ({
      %run_scoped3A_346 = tpu.sem_alloc : memref<!tpu.dma_semaphore, #tpu.memory_space<semaphore_mem>>
      %dma_start3A_347 = arith.constant 64 : i32
      %dma_start3A_348 = tpu.memref_slice %arg5[%arg0, %add3A_345, %dma_start3A_347] : memref<2x10240x128xf32, #tpu.memory_space<hbm>> -> memref<1x128x64xf32, #tpu.memory_space<hbm>>
      %dma_start3A_349 = tpu.memref_squeeze %dma_start3A_348 : memref<1x128x64xf32, #tpu.memory_space<hbm>> -> memref<128x64xf32, #tpu.memory_space<hbm>>
      %dma_start3A_350 = arith.constant 0 : i32
      %dma_start3A_351 = tpu.memref_slice %arg16[%add3A_341, %dma_start3A_350] : memref<10240x64xf32, #tpu.memory_space<vmem_shared>> -> memref<128x64xf32, #tpu.memory_space<vmem_shared>>
      tpu.enqueue_dma source(%dma_start3A_351 : memref<128x64xf32, #tpu.memory_space<vmem_shared>>) target(%dma_start3A_349 : memref<128x64xf32, #tpu.memory_space<hbm>>) target_semaphore(%run_scoped3A_346 : memref<!tpu.dma_semaphore, #tpu.memory_space<semaphore_mem>>)
      %dma_wait3A_352 = arith.constant 64 : i32
      %dma_wait3A_353 = tpu.memref_slice %arg5[%arg0, %add3A_345, %dma_wait3A_352] : memref<2x10240x128xf32, #tpu.memory_space<hbm>> -> memref<1x128x64xf32, #tpu.memory_space<hbm>>
      %dma_wait3A_354 = tpu.memref_squeeze %dma_wait3A_353 : memref<1x128x64xf32, #tpu.memory_space<hbm>> -> memref<128x64xf32, #tpu.memory_space<hbm>>
      %dma_wait3A_355 = arith.constant 0 : i32
      %dma_wait3A_356 = tpu.memref_slice %arg16[%add3A_341, %dma_wait3A_355] : memref<10240x64xf32, #tpu.memory_space<vmem_shared>> -> memref<128x64xf32, #tpu.memory_space<vmem_shared>>
      tpu.wait_dma2 semaphore(%run_scoped3A_346 : memref<!tpu.dma_semaphore, #tpu.memory_space<semaphore_mem>>) src(%dma_wait3A_356 : memref<128x64xf32, #tpu.memory_space<vmem_shared>>) dst(%dma_wait3A_354 : memref<128x64xf32, #tpu.memory_space<hbm>>)
      tpu.yield
    }) : () -> ()
    return
  }
}

#map = affine_map<(d0, d1) -> (0)>
#map1 = affine_map<(d0, d1) -> (0, 0)>
module attributes {stable_mosaic.version = 14 : i64} {
  func.func @_deg_scale_body(%arg0: i32, %arg1: i32, %arg2: memref<320000xi32, #tpu.memory_space<hbm>>, %arg3: memref<10000x128xf32, #tpu.memory_space<hbm>>, %arg4: memref<10240x64xf32, #tpu.memory_space<hbm>>, %arg5: memref<10240x64xf32, #tpu.memory_space<hbm>>, %arg6: memref<10240xf32, #tpu.memory_space<hbm>>, %arg7: memref<20000xi32, #tpu.memory_space<vmem>>, %arg8: memref<10240xf32, #tpu.memory_space<vmem>>, %arg9: memref<640xf32, #tpu.memory_space<vmem>>, %arg10: memref<16x640xf32, #tpu.memory_space<vmem>>, %arg11: memref<320x64xf32, #tpu.memory_space<vmem>>, %arg12: memref<320x64xf32, #tpu.memory_space<vmem>>, %arg13: memref<16x10240xf32, #tpu.memory_space<vmem_shared>>) attributes {dimension_semantics = [#tpu.dimension_semantics<core_parallel>, #tpu.dimension_semantics<subcore_parallel>], iteration_bounds = array<i64: 2, 16>, scalar_prefetch = 0 : i64, scratch_operands = 7 : i64, tpu.core_type = #tpu.core_type<sc_vector_subcore>, window_params = [{transform_indices = #map}, {transform_indices = #map1}, {transform_indices = #map1}, {transform_indices = #map1}, {transform_indices = #map}]} {
    %scan3A = arith.constant 0 : i32
    %scan3A_0 = arith.constant 0 : i32
    %scan3A_1 = arith.constant 640 : i32
    %scan3A_2 = arith.addi %scan3A_0, %scan3A_1 : i32
    %scan3A_3 = arith.constant 1 : i32
    %scan3A_4 = scf.for %scan3A_68 = %scan3A_0 to %scan3A_2 step %scan3A_3 iter_args(%scan3A_69 = %scan3A) -> (i32)  : i32 {
      %broadcast_in_dim3A_70 = arith.constant 0.000000e+00 : f32
      %broadcast_in_dim3A_71 = vector.broadcast %broadcast_in_dim3A_70 : f32 to vector<16xf32>
      %mul3A_72 = arith.constant 16 : i32
      %mul3A_73 = arith.muli %scan3A_68, %mul3A_72 : i32
      %swap3A = arith.index_cast %mul3A_73 : i32 to index
      %swap3A_74 = tpu.vector_load %arg8[%swap3A] {strides = array<i32>} : memref<10240xf32, #tpu.memory_space<vmem>>, vector<16xf32>,
      tpu.vector_store %arg8[%swap3A], %broadcast_in_dim3A_71 {strides = array<i32>} : memref<10240xf32, #tpu.memory_space<vmem>>, vector<16xf32>,
      %scan3A_75 = arith.constant 0 : i32
      scf.yield %scan3A_75 : i32
    }
    %scan3A_5 = arith.constant 640 : i32
    %mul3A = arith.constant 20000 : i32
    %mul3A_6 = arith.muli %arg1, %mul3A : i32
    "tpu.region"() ({
      %run_scoped3A = tpu.sem_alloc : memref<!tpu.dma_semaphore, #tpu.memory_space<semaphore_mem>>
      %dma_start3A = tpu.memref_slice %arg2[%mul3A_6] : memref<320000xi32, #tpu.memory_space<hbm>> -> memref<20000xi32, #tpu.memory_space<hbm>>
      %dma_start3A_68 = tpu.memref_slice %arg2[%mul3A_6] : memref<320000xi32, #tpu.memory_space<hbm>> -> memref<20000xi32, #tpu.memory_space<hbm>>
      tpu.enqueue_dma source(%dma_start3A_68 : memref<20000xi32, #tpu.memory_space<hbm>>) target(%arg7 : memref<20000xi32, #tpu.memory_space<vmem>>) target_semaphore(%run_scoped3A : memref<!tpu.dma_semaphore, #tpu.memory_space<semaphore_mem>>)
      %dma_wait3A = tpu.memref_slice %arg2[%mul3A_6] : memref<320000xi32, #tpu.memory_space<hbm>> -> memref<20000xi32, #tpu.memory_space<hbm>>
      %dma_wait3A_69 = tpu.memref_slice %arg2[%mul3A_6] : memref<320000xi32, #tpu.memory_space<hbm>> -> memref<20000xi32, #tpu.memory_space<hbm>>
      tpu.wait_dma2 semaphore(%run_scoped3A : memref<!tpu.dma_semaphore, #tpu.memory_space<semaphore_mem>>) src(%dma_wait3A_69 : memref<20000xi32, #tpu.memory_space<hbm>>) dst(%arg7 : memref<20000xi32, #tpu.memory_space<vmem>>)
      tpu.yield
    }) : () -> ()
    %broadcast_in_dim3A = arith.constant 1.000000e+00 : f32
    %broadcast_in_dim3A_7 = vector.broadcast %broadcast_in_dim3A : f32 to vector<16xf32>
    %scan3A_8 = arith.constant 0 : i32
    %scan3A_9 = arith.constant 0 : i32
    %scan3A_10 = arith.constant 250 : i32
    %scan3A_11 = arith.addi %scan3A_9, %scan3A_10 : i32
    %scan3A_12 = arith.constant 1 : i32
    %scan3A_13 = scf.for %scan3A_68 = %scan3A_9 to %scan3A_11 step %scan3A_12 iter_args(%scan3A_69 = %scan3A_8) -> (i32)  : i32 {
      %mul3A_70 = arith.constant 5 : i32
      %mul3A_71 = arith.muli %scan3A_68, %mul3A_70 : i32
      %add3A_72 = arith.constant 0 : i32
      %add3A_73 = arith.addi %mul3A_71, %add3A_72 : i32
      %mul3A_74 = arith.constant 16 : i32
      %mul3A_75 = arith.muli %add3A_73, %mul3A_74 : i32
      %get3A = arith.index_cast %mul3A_75 : i32 to index
      %get3A_76 = tpu.vector_load %arg7[%get3A] {strides = array<i32>} : memref<20000xi32, #tpu.memory_space<vmem>>, vector<16xi32>,
      tpu.vector_store_idx %arg8[%get3A_76], %broadcast_in_dim3A_7 {add = true} : memref<10240xf32, #tpu.memory_space<vmem>>[vector<16xi32>], vector<16xf32>,
      %mul3A_77 = arith.constant 5 : i32
      %mul3A_78 = arith.muli %scan3A_68, %mul3A_77 : i32
      %add3A_79 = arith.constant 1 : i32
      %add3A_80 = arith.addi %mul3A_78, %add3A_79 : i32
      %mul3A_81 = arith.constant 16 : i32
      %mul3A_82 = arith.muli %add3A_80, %mul3A_81 : i32
      %get3A_83 = arith.index_cast %mul3A_82 : i32 to index
      %get3A_84 = tpu.vector_load %arg7[%get3A_83] {strides = array<i32>} : memref<20000xi32, #tpu.memory_space<vmem>>, vector<16xi32>,
      tpu.vector_store_idx %arg8[%get3A_84], %broadcast_in_dim3A_7 {add = true} : memref<10240xf32, #tpu.memory_space<vmem>>[vector<16xi32>], vector<16xf32>,
      %mul3A_85 = arith.constant 5 : i32
      %mul3A_86 = arith.muli %scan3A_68, %mul3A_85 : i32
      %add3A_87 = arith.constant 2 : i32
      %add3A_88 = arith.addi %mul3A_86, %add3A_87 : i32
      %mul3A_89 = arith.constant 16 : i32
      %mul3A_90 = arith.muli %add3A_88, %mul3A_89 : i32
      %get3A_91 = arith.index_cast %mul3A_90 : i32 to index
      %get3A_92 = tpu.vector_load %arg7[%get3A_91] {strides = array<i32>} : memref<20000xi32, #tpu.memory_space<vmem>>, vector<16xi32>,
      tpu.vector_store_idx %arg8[%get3A_92], %broadcast_in_dim3A_7 {add = true} : memref<10240xf32, #tpu.memory_space<vmem>>[vector<16xi32>], vector<16xf32>,
      %mul3A_93 = arith.constant 5 : i32
      %mul3A_94 = arith.muli %scan3A_68, %mul3A_93 : i32
      %add3A_95 = arith.constant 3 : i32
      %add3A_96 = arith.addi %mul3A_94, %add3A_95 : i32
      %mul3A_97 = arith.constant 16 : i32
      %mul3A_98 = arith.muli %add3A_96, %mul3A_97 : i32
      %get3A_99 = arith.index_cast %mul3A_98 : i32 to index
      %get3A_100 = tpu.vector_load %arg7[%get3A_99] {strides = array<i32>} : memref<20000xi32, #tpu.memory_space<vmem>>, vector<16xi32>,
      tpu.vector_store_idx %arg8[%get3A_100], %broadcast_in_dim3A_7 {add = true} : memref<10240xf32, #tpu.memory_space<vmem>>[vector<16xi32>], vector<16xf32>,
      %mul3A_101 = arith.constant 5 : i32
      %mul3A_102 = arith.muli %scan3A_68, %mul3A_101 : i32
      %add3A_103 = arith.constant 4 : i32
      %add3A_104 = arith.addi %mul3A_102, %add3A_103 : i32
      %mul3A_105 = arith.constant 16 : i32
      %mul3A_106 = arith.muli %add3A_104, %mul3A_105 : i32
      %get3A_107 = arith.index_cast %mul3A_106 : i32 to index
      %get3A_108 = tpu.vector_load %arg7[%get3A_107] {strides = array<i32>} : memref<20000xi32, #tpu.memory_space<vmem>>, vector<16xi32>,
      tpu.vector_store_idx %arg8[%get3A_108], %broadcast_in_dim3A_7 {add = true} : memref<10240xf32, #tpu.memory_space<vmem>>[vector<16xi32>], vector<16xf32>,
      %scan3A_109 = arith.constant 0 : i32
      scf.yield %scan3A_109 : i32
    }
    %scan3A_14 = arith.constant 250 : i32
    "tpu.region"() ({
      %run_scoped3A = tpu.sem_alloc : memref<!tpu.dma_semaphore, #tpu.memory_space<semaphore_mem>>
      %dma_start3A = arith.constant 0 : i32
      %dma_start3A_68 = tpu.memref_slice %arg13[%arg1, %dma_start3A] : memref<16x10240xf32, #tpu.memory_space<vmem_shared>> -> memref<1x10240xf32, #tpu.memory_space<vmem_shared>>
      %dma_start3A_69 = tpu.memref_squeeze %dma_start3A_68 : memref<1x10240xf32, #tpu.memory_space<vmem_shared>> -> memref<10240xf32, #tpu.memory_space<vmem_shared>>
      %dma_start3A_70 = arith.constant 0 : i32
      %dma_start3A_71 = tpu.memref_slice %arg13[%arg1, %dma_start3A_70] : memref<16x10240xf32, #tpu.memory_space<vmem_shared>> -> memref<1x10240xf32, #tpu.memory_space<vmem_shared>>
      %dma_start3A_72 = tpu.memref_squeeze %dma_start3A_71 : memref<1x10240xf32, #tpu.memory_space<vmem_shared>> -> memref<10240xf32, #tpu.memory_space<vmem_shared>>
      tpu.enqueue_dma source(%arg8 : memref<10240xf32, #tpu.memory_space<vmem>>) target(%dma_start3A_72 : memref<10240xf32, #tpu.memory_space<vmem_shared>>) target_semaphore(%run_scoped3A : memref<!tpu.dma_semaphore, #tpu.memory_space<semaphore_mem>>)
      %dma_wait3A = arith.constant 0 : i32
      %dma_wait3A_73 = tpu.memref_slice %arg13[%arg1, %dma_wait3A] : memref<16x10240xf32, #tpu.memory_space<vmem_shared>> -> memref<1x10240xf32, #tpu.memory_space<vmem_shared>>
      %dma_wait3A_74 = tpu.memref_squeeze %dma_wait3A_73 : memref<1x10240xf32, #tpu.memory_space<vmem_shared>> -> memref<10240xf32, #tpu.memory_space<vmem_shared>>
      %dma_wait3A_75 = arith.constant 0 : i32
      %dma_wait3A_76 = tpu.memref_slice %arg13[%arg1, %dma_wait3A_75] : memref<16x10240xf32, #tpu.memory_space<vmem_shared>> -> memref<1x10240xf32, #tpu.memory_space<vmem_shared>>
      %dma_wait3A_77 = tpu.memref_squeeze %dma_wait3A_76 : memref<1x10240xf32, #tpu.memory_space<vmem_shared>> -> memref<10240xf32, #tpu.memory_space<vmem_shared>>
      tpu.wait_dma2 semaphore(%run_scoped3A : memref<!tpu.dma_semaphore, #tpu.memory_space<semaphore_mem>>) src(%arg8 : memref<10240xf32, #tpu.memory_space<vmem>>) dst(%dma_wait3A_77 : memref<10240xf32, #tpu.memory_space<vmem_shared>>)
      tpu.yield
    }) : () -> ()
    %barrier3A = arith.constant 0 : index
    tpu.barrier barrier_id(%barrier3A)
    %mul3A_15 = arith.constant 640 : i32
    %mul3A_16 = arith.muli %arg1, %mul3A_15 : i32
    "tpu.region"() ({
      %run_scoped3A = tpu.sem_alloc : memref<!tpu.dma_semaphore, #tpu.memory_space<semaphore_mem>>
      %dma_start3A = arith.constant 0 : i32
      %dma_start3A_68 = tpu.memref_slice %arg13[%dma_start3A, %mul3A_16] : memref<16x10240xf32, #tpu.memory_space<vmem_shared>> -> memref<16x640xf32, #tpu.memory_space<vmem_shared>>
      %dma_start3A_69 = arith.constant 0 : i32
      %dma_start3A_70 = tpu.memref_slice %arg13[%dma_start3A_69, %mul3A_16] : memref<16x10240xf32, #tpu.memory_space<vmem_shared>> -> memref<16x640xf32, #tpu.memory_space<vmem_shared>>
      tpu.enqueue_dma source(%dma_start3A_70 : memref<16x640xf32, #tpu.memory_space<vmem_shared>>) target(%arg10 : memref<16x640xf32, #tpu.memory_space<vmem>>) target_semaphore(%run_scoped3A : memref<!tpu.dma_semaphore, #tpu.memory_space<semaphore_mem>>)
      %dma_wait3A = arith.constant 0 : i32
      %dma_wait3A_71 = tpu.memref_slice %arg13[%dma_wait3A, %mul3A_16] : memref<16x10240xf32, #tpu.memory_space<vmem_shared>> -> memref<16x640xf32, #tpu.memory_space<vmem_shared>>
      %dma_wait3A_72 = arith.constant 0 : i32
      %dma_wait3A_73 = tpu.memref_slice %arg13[%dma_wait3A_72, %mul3A_16] : memref<16x10240xf32, #tpu.memory_space<vmem_shared>> -> memref<16x640xf32, #tpu.memory_space<vmem_shared>>
      tpu.wait_dma2 semaphore(%run_scoped3A : memref<!tpu.dma_semaphore, #tpu.memory_space<semaphore_mem>>) src(%dma_wait3A_73 : memref<16x640xf32, #tpu.memory_space<vmem_shared>>) dst(%arg10 : memref<16x640xf32, #tpu.memory_space<vmem>>)
      tpu.yield
    }) : () -> ()
    %scan3A_17 = arith.constant 0 : i32
    %scan3A_18 = arith.constant 0 : i32
    %scan3A_19 = arith.constant 40 : i32
    %scan3A_20 = arith.addi %scan3A_18, %scan3A_19 : i32
    %scan3A_21 = arith.constant 1 : i32
    %scan3A_22 = scf.for %scan3A_68 = %scan3A_18 to %scan3A_20 step %scan3A_21 iter_args(%scan3A_69 = %scan3A_17) -> (i32)  : i32 {
      %mul3A_70 = arith.constant 16 : i32
      %mul3A_71 = arith.muli %scan3A_68, %mul3A_70 : i32
      %get3A = arith.constant 0 : i32
      %get3A_72 = arith.index_cast %get3A : i32 to index
      %get3A_73 = arith.index_cast %mul3A_71 : i32 to index
      %get3A_74 = tpu.vector_load %arg10[%get3A_72, %get3A_73] {strides = array<i32>} : memref<16x640xf32, #tpu.memory_space<vmem>>, vector<16xf32>,
      %get3A_75 = arith.constant 1 : i32
      %get3A_76 = arith.index_cast %get3A_75 : i32 to index
      %get3A_77 = arith.index_cast %mul3A_71 : i32 to index
      %get3A_78 = tpu.vector_load %arg10[%get3A_76, %get3A_77] {strides = array<i32>} : memref<16x640xf32, #tpu.memory_space<vmem>>, vector<16xf32>,
      %add3A_79 = arith.addf %get3A_74, %get3A_78 : vector<16xf32>
      %get3A_80 = arith.constant 2 : i32
      %get3A_81 = arith.index_cast %get3A_80 : i32 to index
      %get3A_82 = arith.index_cast %mul3A_71 : i32 to index
      %get3A_83 = tpu.vector_load %arg10[%get3A_81, %get3A_82] {strides = array<i32>} : memref<16x640xf32, #tpu.memory_space<vmem>>, vector<16xf32>,
      %add3A_84 = arith.addf %add3A_79, %get3A_83 : vector<16xf32>
      %get3A_85 = arith.constant 3 : i32
      %get3A_86 = arith.index_cast %get3A_85 : i32 to index
      %get3A_87 = arith.index_cast %mul3A_71 : i32 to index
      %get3A_88 = tpu.vector_load %arg10[%get3A_86, %get3A_87] {strides = array<i32>} : memref<16x640xf32, #tpu.memory_space<vmem>>, vector<16xf32>,
      %add3A_89 = arith.addf %add3A_84, %get3A_88 : vector<16xf32>
      %get3A_90 = arith.constant 4 : i32
      %get3A_91 = arith.index_cast %get3A_90 : i32 to index
      %get3A_92 = arith.index_cast %mul3A_71 : i32 to index
      %get3A_93 = tpu.vector_load %arg10[%get3A_91, %get3A_92] {strides = array<i32>} : memref<16x640xf32, #tpu.memory_space<vmem>>, vector<16xf32>,
      %add3A_94 = arith.addf %add3A_89, %get3A_93 : vector<16xf32>
      %get3A_95 = arith.constant 5 : i32
      %get3A_96 = arith.index_cast %get3A_95 : i32 to index
      %get3A_97 = arith.index_cast %mul3A_71 : i32 to index
      %get3A_98 = tpu.vector_load %arg10[%get3A_96, %get3A_97] {strides = array<i32>} : memref<16x640xf32, #tpu.memory_space<vmem>>, vector<16xf32>,
      %add3A_99 = arith.addf %add3A_94, %get3A_98 : vector<16xf32>
      %get3A_100 = arith.constant 6 : i32
      %get3A_101 = arith.index_cast %get3A_100 : i32 to index
      %get3A_102 = arith.index_cast %mul3A_71 : i32 to index
      %get3A_103 = tpu.vector_load %arg10[%get3A_101, %get3A_102] {strides = array<i32>} : memref<16x640xf32, #tpu.memory_space<vmem>>, vector<16xf32>,
      %add3A_104 = arith.addf %add3A_99, %get3A_103 : vector<16xf32>
      %get3A_105 = arith.constant 7 : i32
      %get3A_106 = arith.index_cast %get3A_105 : i32 to index
      %get3A_107 = arith.index_cast %mul3A_71 : i32 to index
      %get3A_108 = tpu.vector_load %arg10[%get3A_106, %get3A_107] {strides = array<i32>} : memref<16x640xf32, #tpu.memory_space<vmem>>, vector<16xf32>,
      %add3A_109 = arith.addf %add3A_104, %get3A_108 : vector<16xf32>
      %get3A_110 = arith.constant 8 : i32
      %get3A_111 = arith.index_cast %get3A_110 : i32 to index
      %get3A_112 = arith.index_cast %mul3A_71 : i32 to index
      %get3A_113 = tpu.vector_load %arg10[%get3A_111, %get3A_112] {strides = array<i32>} : memref<16x640xf32, #tpu.memory_space<vmem>>, vector<16xf32>,
      %add3A_114 = arith.addf %add3A_109, %get3A_113 : vector<16xf32>
      %get3A_115 = arith.constant 9 : i32
      %get3A_116 = arith.index_cast %get3A_115 : i32 to index
      %get3A_117 = arith.index_cast %mul3A_71 : i32 to index
      %get3A_118 = tpu.vector_load %arg10[%get3A_116, %get3A_117] {strides = array<i32>} : memref<16x640xf32, #tpu.memory_space<vmem>>, vector<16xf32>,
      %add3A_119 = arith.addf %add3A_114, %get3A_118 : vector<16xf32>
      %get3A_120 = arith.constant 10 : i32
      %get3A_121 = arith.index_cast %get3A_120 : i32 to index
      %get3A_122 = arith.index_cast %mul3A_71 : i32 to index
      %get3A_123 = tpu.vector_load %arg10[%get3A_121, %get3A_122] {strides = array<i32>} : memref<16x640xf32, #tpu.memory_space<vmem>>, vector<16xf32>,
      %add3A_124 = arith.addf %add3A_119, %get3A_123 : vector<16xf32>
      %get3A_125 = arith.constant 11 : i32
      %get3A_126 = arith.index_cast %get3A_125 : i32 to index
      %get3A_127 = arith.index_cast %mul3A_71 : i32 to index
      %get3A_128 = tpu.vector_load %arg10[%get3A_126, %get3A_127] {strides = array<i32>} : memref<16x640xf32, #tpu.memory_space<vmem>>, vector<16xf32>,
      %add3A_129 = arith.addf %add3A_124, %get3A_128 : vector<16xf32>
      %get3A_130 = arith.constant 12 : i32
      %get3A_131 = arith.index_cast %get3A_130 : i32 to index
      %get3A_132 = arith.index_cast %mul3A_71 : i32 to index
      %get3A_133 = tpu.vector_load %arg10[%get3A_131, %get3A_132] {strides = array<i32>} : memref<16x640xf32, #tpu.memory_space<vmem>>, vector<16xf32>,
      %add3A_134 = arith.addf %add3A_129, %get3A_133 : vector<16xf32>
      %get3A_135 = arith.constant 13 : i32
      %get3A_136 = arith.index_cast %get3A_135 : i32 to index
      %get3A_137 = arith.index_cast %mul3A_71 : i32 to index
      %get3A_138 = tpu.vector_load %arg10[%get3A_136, %get3A_137] {strides = array<i32>} : memref<16x640xf32, #tpu.memory_space<vmem>>, vector<16xf32>,
      %add3A_139 = arith.addf %add3A_134, %get3A_138 : vector<16xf32>
      %get3A_140 = arith.constant 14 : i32
      %get3A_141 = arith.index_cast %get3A_140 : i32 to index
      %get3A_142 = arith.index_cast %mul3A_71 : i32 to index
      %get3A_143 = tpu.vector_load %arg10[%get3A_141, %get3A_142] {strides = array<i32>} : memref<16x640xf32, #tpu.memory_space<vmem>>, vector<16xf32>,
      %add3A_144 = arith.addf %add3A_139, %get3A_143 : vector<16xf32>
      %get3A_145 = arith.constant 15 : i32
      %get3A_146 = arith.index_cast %get3A_145 : i32 to index
      %get3A_147 = arith.index_cast %mul3A_71 : i32 to index
      %get3A_148 = tpu.vector_load %arg10[%get3A_146, %get3A_147] {strides = array<i32>} : memref<16x640xf32, #tpu.memory_space<vmem>>, vector<16xf32>,
      %add3A_149 = arith.addf %add3A_144, %get3A_148 : vector<16xf32>
      %swap3A = arith.index_cast %mul3A_71 : i32 to index
      %swap3A_150 = tpu.vector_load %arg9[%swap3A] {strides = array<i32>} : memref<640xf32, #tpu.memory_space<vmem>>, vector<16xf32>,
      tpu.vector_store %arg9[%swap3A], %add3A_149 {strides = array<i32>} : memref<640xf32, #tpu.memory_space<vmem>>, vector<16xf32>,
      %scan3A_151 = arith.constant 0 : i32
      scf.yield %scan3A_151 : i32
    }
    %scan3A_23 = arith.constant 40 : i32
    %scan3A_24 = arith.constant 0 : i32
    %scan3A_25 = arith.constant 0 : i32
    %scan3A_26 = arith.constant 40 : i32
    %scan3A_27 = arith.addi %scan3A_25, %scan3A_26 : i32
    %scan3A_28 = arith.constant 1 : i32
    %scan3A_29 = scf.for %scan3A_68 = %scan3A_25 to %scan3A_27 step %scan3A_28 iter_args(%scan3A_69 = %scan3A_24) -> (i32)  : i32 {
      %mul3A_70 = arith.constant 16 : i32
      %mul3A_71 = arith.muli %scan3A_68, %mul3A_70 : i32
      %get3A = arith.index_cast %mul3A_71 : i32 to index
      %get3A_72 = tpu.vector_load %arg9[%get3A] {strides = array<i32>} : memref<640xf32, #tpu.memory_space<vmem>>, vector<16xf32>,
      %bitcast3A = vector.bitcast %get3A_72 : vector<16xf32> to vector<16xi32>
      %broadcast_in_dim3A_73 = arith.constant 1597463007 : i32
      %broadcast_in_dim3A_74 = vector.broadcast %broadcast_in_dim3A_73 : i32 to vector<16xi32>
      %shift_right_logical3A = arith.constant 1 : i32
      %shift_right_logical3A_75 = vector.broadcast %shift_right_logical3A : i32 to vector<16xi32>
      %shift_right_logical3A_76 = arith.shrui %bitcast3A, %shift_right_logical3A_75 : vector<16xi32>
      %sub3A = arith.subi %broadcast_in_dim3A_74, %shift_right_logical3A_76 : vector<16xi32>
      %bitcast3A_77 = vector.bitcast %sub3A : vector<16xi32> to vector<16xf32>
      %mul3A_78 = arith.constant 5.000000e-01 : f32
      %mul3A_79 = vector.broadcast %mul3A_78 : f32 to vector<16xf32>
      %mul3A_80 = arith.mulf %get3A_72, %mul3A_79 : vector<16xf32>
      %mul3A_81 = arith.mulf %mul3A_80, %bitcast3A_77 : vector<16xf32>
      %mul3A_82 = arith.mulf %mul3A_81, %bitcast3A_77 : vector<16xf32>
      %sub3A_83 = arith.constant 1.500000e+00 : f32
      %sub3A_84 = vector.broadcast %sub3A_83 : f32 to vector<16xf32>
      %sub3A_85 = arith.subf %sub3A_84, %mul3A_82 : vector<16xf32>
      %mul3A_86 = arith.mulf %bitcast3A_77, %sub3A_85 : vector<16xf32>
      %mul3A_87 = arith.mulf %mul3A_80, %mul3A_86 : vector<16xf32>
      %mul3A_88 = arith.mulf %mul3A_87, %mul3A_86 : vector<16xf32>
      %sub3A_89 = arith.constant 1.500000e+00 : f32
      %sub3A_90 = vector.broadcast %sub3A_89 : f32 to vector<16xf32>
      %sub3A_91 = arith.subf %sub3A_90, %mul3A_88 : vector<16xf32>
      %mul3A_92 = arith.mulf %mul3A_86, %sub3A_91 : vector<16xf32>
      %mul3A_93 = arith.mulf %mul3A_80, %mul3A_92 : vector<16xf32>
      %mul3A_94 = arith.mulf %mul3A_93, %mul3A_92 : vector<16xf32>
      %sub3A_95 = arith.constant 1.500000e+00 : f32
      %sub3A_96 = vector.broadcast %sub3A_95 : f32 to vector<16xf32>
      %sub3A_97 = arith.subf %sub3A_96, %mul3A_94 : vector<16xf32>
      %mul3A_98 = arith.mulf %mul3A_92, %sub3A_97 : vector<16xf32>
      %gt3A = arith.constant 5.000000e-01 : f32
      %gt3A_99 = vector.broadcast %gt3A : f32 to vector<16xf32>
      %gt3A_100 = arith.cmpf ogt, %get3A_72, %gt3A_99 : vector<16xf32>
      %broadcast_in_dim3A_101 = arith.constant 0.000000e+00 : f32
      %broadcast_in_dim3A_102 = vector.broadcast %broadcast_in_dim3A_101 : f32 to vector<16xf32>
      %select_n3A = arith.select %gt3A_100, %mul3A_98, %broadcast_in_dim3A_102 : vector<16xi1>, vector<16xf32>
      %mul3A_103 = arith.constant 16 : i32
      %mul3A_104 = arith.muli %scan3A_68, %mul3A_103 : i32
      %swap3A = arith.index_cast %mul3A_104 : i32 to index
      %swap3A_105 = tpu.vector_load %arg9[%swap3A] {strides = array<i32>} : memref<640xf32, #tpu.memory_space<vmem>>, vector<16xf32>,
      tpu.vector_store %arg9[%swap3A], %select_n3A {strides = array<i32>} : memref<640xf32, #tpu.memory_space<vmem>>, vector<16xf32>,
      %scan3A_106 = arith.constant 0 : i32
      scf.yield %scan3A_106 : i32
    }
    %scan3A_30 = arith.constant 40 : i32
    %mul3A_31 = arith.constant 320 : i32
    %mul3A_32 = arith.muli %arg0, %mul3A_31 : i32
    %mul3A_33 = arith.constant 640 : i32
    %mul3A_34 = arith.muli %arg1, %mul3A_33 : i32
    %mul3A_35 = arith.constant 320 : i32
    %mul3A_36 = arith.muli %arg0, %mul3A_35 : i32
    %add3A = arith.addi %mul3A_34, %mul3A_36 : i32
    "tpu.region"() ({
      %run_scoped3A = tpu.sem_alloc : memref<!tpu.dma_semaphore, #tpu.memory_space<semaphore_mem>>
      %dma_start3A = tpu.memref_slice %arg9[%mul3A_32] : memref<640xf32, #tpu.memory_space<vmem>> -> memref<320xf32, #tpu.memory_space<vmem>>
      %dma_start3A_68 = tpu.memref_slice %arg6[%add3A] : memref<10240xf32, #tpu.memory_space<hbm>> -> memref<320xf32, #tpu.memory_space<hbm>>
      %dma_start3A_69 = tpu.memref_slice %arg6[%add3A] : memref<10240xf32, #tpu.memory_space<hbm>> -> memref<320xf32, #tpu.memory_space<hbm>>
      %dma_start3A_70 = tpu.memref_slice %arg9[%mul3A_32] : memref<640xf32, #tpu.memory_space<vmem>> -> memref<320xf32, #tpu.memory_space<vmem>>
      tpu.enqueue_dma source(%dma_start3A_70 : memref<320xf32, #tpu.memory_space<vmem>>) target(%dma_start3A_69 : memref<320xf32, #tpu.memory_space<hbm>>) target_semaphore(%run_scoped3A : memref<!tpu.dma_semaphore, #tpu.memory_space<semaphore_mem>>)
      %dma_wait3A = tpu.memref_slice %arg9[%mul3A_32] : memref<640xf32, #tpu.memory_space<vmem>> -> memref<320xf32, #tpu.memory_space<vmem>>
      %dma_wait3A_71 = tpu.memref_slice %arg6[%add3A] : memref<10240xf32, #tpu.memory_space<hbm>> -> memref<320xf32, #tpu.memory_space<hbm>>
      %dma_wait3A_72 = tpu.memref_slice %arg6[%add3A] : memref<10240xf32, #tpu.memory_space<hbm>> -> memref<320xf32, #tpu.memory_space<hbm>>
      %dma_wait3A_73 = tpu.memref_slice %arg9[%mul3A_32] : memref<640xf32, #tpu.memory_space<vmem>> -> memref<320xf32, #tpu.memory_space<vmem>>
      tpu.wait_dma2 semaphore(%run_scoped3A : memref<!tpu.dma_semaphore, #tpu.memory_space<semaphore_mem>>) src(%dma_wait3A_73 : memref<320xf32, #tpu.memory_space<vmem>>) dst(%dma_wait3A_72 : memref<320xf32, #tpu.memory_space<hbm>>)
      tpu.yield
    }) : () -> ()
    %mul3A_37 = arith.constant 640 : i32
    %mul3A_38 = arith.muli %arg1, %mul3A_37 : i32
    %mul3A_39 = arith.constant 320 : i32
    %mul3A_40 = arith.muli %arg0, %mul3A_39 : i32
    %add3A_41 = arith.addi %mul3A_38, %mul3A_40 : i32
    %mul3A_42 = arith.constant 2 : i32
    %mul3A_43 = arith.muli %arg1, %mul3A_42 : i32
    %add3A_44 = arith.addi %mul3A_43, %arg0 : i32
    %lt3A = arith.constant 31 : i32
    %lt3A_45 = arith.cmpi slt, %add3A_44, %lt3A : i32
    %convert_element_type3A = arith.extui %lt3A_45 : i1 to i32
    %cond3A = arith.constant 0 : i32
    %cond3A_46 = arith.cmpi ne, %convert_element_type3A, %cond3A : i32
    scf.if %cond3A_46 {
      "tpu.region"() ({
        %run_scoped3A = tpu.sem_alloc : memref<!tpu.dma_semaphore, #tpu.memory_space<semaphore_mem>>
        %dma_start3A = arith.constant 0 : i32
        %dma_start3A_68 = tpu.memref_slice %arg3[%add3A_41, %dma_start3A] : memref<10000x128xf32, #tpu.memory_space<hbm>> -> memref<320x64xf32, #tpu.memory_space<hbm>>
        %dma_start3A_69 = arith.constant 0 : i32
        %dma_start3A_70 = tpu.memref_slice %arg3[%add3A_41, %dma_start3A_69] : memref<10000x128xf32, #tpu.memory_space<hbm>> -> memref<320x64xf32, #tpu.memory_space<hbm>>
        tpu.enqueue_dma source(%dma_start3A_70 : memref<320x64xf32, #tpu.memory_space<hbm>>) target(%arg11 : memref<320x64xf32, #tpu.memory_space<vmem>>) target_semaphore(%run_scoped3A : memref<!tpu.dma_semaphore, #tpu.memory_space<semaphore_mem>>)
        %dma_wait3A = arith.constant 0 : i32
        %dma_wait3A_71 = tpu.memref_slice %arg3[%add3A_41, %dma_wait3A] : memref<10000x128xf32, #tpu.memory_space<hbm>> -> memref<320x64xf32, #tpu.memory_space<hbm>>
        %dma_wait3A_72 = arith.constant 0 : i32
        %dma_wait3A_73 = tpu.memref_slice %arg3[%add3A_41, %dma_wait3A_72] : memref<10000x128xf32, #tpu.memory_space<hbm>> -> memref<320x64xf32, #tpu.memory_space<hbm>>
        tpu.wait_dma2 semaphore(%run_scoped3A : memref<!tpu.dma_semaphore, #tpu.memory_space<semaphore_mem>>) src(%dma_wait3A_73 : memref<320x64xf32, #tpu.memory_space<hbm>>) dst(%arg11 : memref<320x64xf32, #tpu.memory_space<vmem>>)
        tpu.yield
      }) : () -> ()
      "tpu.region"() ({
        %run_scoped3A = tpu.sem_alloc : memref<!tpu.dma_semaphore, #tpu.memory_space<semaphore_mem>>
        %dma_start3A = arith.constant 64 : i32
        %dma_start3A_68 = tpu.memref_slice %arg3[%add3A_41, %dma_start3A] : memref<10000x128xf32, #tpu.memory_space<hbm>> -> memref<320x64xf32, #tpu.memory_space<hbm>>
        %dma_start3A_69 = arith.constant 64 : i32
        %dma_start3A_70 = tpu.memref_slice %arg3[%add3A_41, %dma_start3A_69] : memref<10000x128xf32, #tpu.memory_space<hbm>> -> memref<320x64xf32, #tpu.memory_space<hbm>>
        tpu.enqueue_dma source(%dma_start3A_70 : memref<320x64xf32, #tpu.memory_space<hbm>>) target(%arg12 : memref<320x64xf32, #tpu.memory_space<vmem>>) target_semaphore(%run_scoped3A : memref<!tpu.dma_semaphore, #tpu.memory_space<semaphore_mem>>)
        %dma_wait3A = arith.constant 64 : i32
        %dma_wait3A_71 = tpu.memref_slice %arg3[%add3A_41, %dma_wait3A] : memref<10000x128xf32, #tpu.memory_space<hbm>> -> memref<320x64xf32, #tpu.memory_space<hbm>>
        %dma_wait3A_72 = arith.constant 64 : i32
        %dma_wait3A_73 = tpu.memref_slice %arg3[%add3A_41, %dma_wait3A_72] : memref<10000x128xf32, #tpu.memory_space<hbm>> -> memref<320x64xf32, #tpu.memory_space<hbm>>
        tpu.wait_dma2 semaphore(%run_scoped3A : memref<!tpu.dma_semaphore, #tpu.memory_space<semaphore_mem>>) src(%dma_wait3A_73 : memref<320x64xf32, #tpu.memory_space<hbm>>) dst(%arg12 : memref<320x64xf32, #tpu.memory_space<vmem>>)
        tpu.yield
      }) : () -> ()
    } else {
    }
    %eq3A = arith.constant 31 : i32
    %eq3A_47 = arith.cmpi eq, %add3A_44, %eq3A : i32
    %convert_element_type3A_48 = arith.extui %eq3A_47 : i1 to i32
    %cond3A_49 = arith.constant 0 : i32
    %cond3A_50 = arith.cmpi ne, %convert_element_type3A_48, %cond3A_49 : i32
    scf.if %cond3A_50 {
      "tpu.region"() ({
        %run_scoped3A = tpu.sem_alloc : memref<!tpu.dma_semaphore, #tpu.memory_space<semaphore_mem>>
        %dma_start3A = arith.constant 0 : i32
        %dma_start3A_68 = arith.constant 0 : i32
        %dma_start3A_69 = tpu.memref_slice %arg11[%dma_start3A, %dma_start3A_68] : memref<320x64xf32, #tpu.memory_space<vmem>> -> memref<80x64xf32, #tpu.memory_space<vmem>>
        %dma_start3A_70 = arith.constant 0 : i32
        %dma_start3A_71 = tpu.memref_slice %arg3[%add3A_41, %dma_start3A_70] : memref<10000x128xf32, #tpu.memory_space<hbm>> -> memref<80x64xf32, #tpu.memory_space<hbm>>
        %dma_start3A_72 = arith.constant 0 : i32
        %dma_start3A_73 = arith.constant 0 : i32
        %dma_start3A_74 = tpu.memref_slice %arg11[%dma_start3A_72, %dma_start3A_73] : memref<320x64xf32, #tpu.memory_space<vmem>> -> memref<80x64xf32, #tpu.memory_space<vmem>>
        %dma_start3A_75 = arith.constant 0 : i32
        %dma_start3A_76 = tpu.memref_slice %arg3[%add3A_41, %dma_start3A_75] : memref<10000x128xf32, #tpu.memory_space<hbm>> -> memref<80x64xf32, #tpu.memory_space<hbm>>
        tpu.enqueue_dma source(%dma_start3A_76 : memref<80x64xf32, #tpu.memory_space<hbm>>) target(%dma_start3A_74 : memref<80x64xf32, #tpu.memory_space<vmem>>) target_semaphore(%run_scoped3A : memref<!tpu.dma_semaphore, #tpu.memory_space<semaphore_mem>>)
        %dma_wait3A = arith.constant 0 : i32
        %dma_wait3A_77 = arith.constant 0 : i32
        %dma_wait3A_78 = tpu.memref_slice %arg11[%dma_wait3A, %dma_wait3A_77] : memref<320x64xf32, #tpu.memory_space<vmem>> -> memref<80x64xf32, #tpu.memory_space<vmem>>
        %dma_wait3A_79 = arith.constant 0 : i32
        %dma_wait3A_80 = tpu.memref_slice %arg3[%add3A_41, %dma_wait3A_79] : memref<10000x128xf32, #tpu.memory_space<hbm>> -> memref<80x64xf32, #tpu.memory_space<hbm>>
        %dma_wait3A_81 = arith.constant 0 : i32
        %dma_wait3A_82 = arith.constant 0 : i32
        %dma_wait3A_83 = tpu.memref_slice %arg11[%dma_wait3A_81, %dma_wait3A_82] : memref<320x64xf32, #tpu.memory_space<vmem>> -> memref<80x64xf32, #tpu.memory_space<vmem>>
        %dma_wait3A_84 = arith.constant 0 : i32
        %dma_wait3A_85 = tpu.memref_slice %arg3[%add3A_41, %dma_wait3A_84] : memref<10000x128xf32, #tpu.memory_space<hbm>> -> memref<80x64xf32, #tpu.memory_space<hbm>>
        tpu.wait_dma2 semaphore(%run_scoped3A : memref<!tpu.dma_semaphore, #tpu.memory_space<semaphore_mem>>) src(%dma_wait3A_85 : memref<80x64xf32, #tpu.memory_space<hbm>>) dst(%dma_wait3A_83 : memref<80x64xf32, #tpu.memory_space<vmem>>)
        tpu.yield
      }) : () -> ()
      "tpu.region"() ({
        %run_scoped3A = tpu.sem_alloc : memref<!tpu.dma_semaphore, #tpu.memory_space<semaphore_mem>>
        %dma_start3A = arith.constant 0 : i32
        %dma_start3A_68 = arith.constant 0 : i32
        %dma_start3A_69 = tpu.memref_slice %arg12[%dma_start3A, %dma_start3A_68] : memref<320x64xf32, #tpu.memory_space<vmem>> -> memref<80x64xf32, #tpu.memory_space<vmem>>
        %dma_start3A_70 = arith.constant 64 : i32
        %dma_start3A_71 = tpu.memref_slice %arg3[%add3A_41, %dma_start3A_70] : memref<10000x128xf32, #tpu.memory_space<hbm>> -> memref<80x64xf32, #tpu.memory_space<hbm>>
        %dma_start3A_72 = arith.constant 0 : i32
        %dma_start3A_73 = arith.constant 0 : i32
        %dma_start3A_74 = tpu.memref_slice %arg12[%dma_start3A_72, %dma_start3A_73] : memref<320x64xf32, #tpu.memory_space<vmem>> -> memref<80x64xf32, #tpu.memory_space<vmem>>
        %dma_start3A_75 = arith.constant 64 : i32
        %dma_start3A_76 = tpu.memref_slice %arg3[%add3A_41, %dma_start3A_75] : memref<10000x128xf32, #tpu.memory_space<hbm>> -> memref<80x64xf32, #tpu.memory_space<hbm>>
        tpu.enqueue_dma source(%dma_start3A_76 : memref<80x64xf32, #tpu.memory_space<hbm>>) target(%dma_start3A_74 : memref<80x64xf32, #tpu.memory_space<vmem>>) target_semaphore(%run_scoped3A : memref<!tpu.dma_semaphore, #tpu.memory_space<semaphore_mem>>)
        %dma_wait3A = arith.constant 0 : i32
        %dma_wait3A_77 = arith.constant 0 : i32
        %dma_wait3A_78 = tpu.memref_slice %arg12[%dma_wait3A, %dma_wait3A_77] : memref<320x64xf32, #tpu.memory_space<vmem>> -> memref<80x64xf32, #tpu.memory_space<vmem>>
        %dma_wait3A_79 = arith.constant 64 : i32
        %dma_wait3A_80 = tpu.memref_slice %arg3[%add3A_41, %dma_wait3A_79] : memref<10000x128xf32, #tpu.memory_space<hbm>> -> memref<80x64xf32, #tpu.memory_space<hbm>>
        %dma_wait3A_81 = arith.constant 0 : i32
        %dma_wait3A_82 = arith.constant 0 : i32
        %dma_wait3A_83 = tpu.memref_slice %arg12[%dma_wait3A_81, %dma_wait3A_82] : memref<320x64xf32, #tpu.memory_space<vmem>> -> memref<80x64xf32, #tpu.memory_space<vmem>>
        %dma_wait3A_84 = arith.constant 64 : i32
        %dma_wait3A_85 = tpu.memref_slice %arg3[%add3A_41, %dma_wait3A_84] : memref<10000x128xf32, #tpu.memory_space<hbm>> -> memref<80x64xf32, #tpu.memory_space<hbm>>
        tpu.wait_dma2 semaphore(%run_scoped3A : memref<!tpu.dma_semaphore, #tpu.memory_space<semaphore_mem>>) src(%dma_wait3A_85 : memref<80x64xf32, #tpu.memory_space<hbm>>) dst(%dma_wait3A_83 : memref<80x64xf32, #tpu.memory_space<vmem>>)
        tpu.yield
      }) : () -> ()
    } else {
    }
    %scan3A_51 = arith.constant 0 : i32
    %scan3A_52 = arith.constant 0 : i32
    %scan3A_53 = arith.constant 160 : i32
    %scan3A_54 = arith.addi %scan3A_52, %scan3A_53 : i32
    %scan3A_55 = arith.constant 1 : i32
    %scan3A_56 = scf.for %scan3A_68 = %scan3A_52 to %scan3A_54 step %scan3A_55 iter_args(%scan3A_69 = %scan3A_51) -> (i32)  : i32 {
      %mul3A_70 = arith.constant 2 : i32
      %mul3A_71 = arith.muli %scan3A_68, %mul3A_70 : i32
      %add3A_72 = arith.constant 0 : i32
      %add3A_73 = arith.addi %mul3A_71, %add3A_72 : i32
      %broadcast_in_dim3A_74 = arith.constant 0 : i32
      %broadcast_in_dim3A_75 = vector.broadcast %broadcast_in_dim3A_74 : i32 to vector<16xi32>
      %mul3A_76 = arith.constant 320 : i32
      %mul3A_77 = arith.muli %arg0, %mul3A_76 : i32
      %add3A_78 = arith.addi %add3A_73, %mul3A_77 : i32
      %add3A_79 = vector.broadcast %add3A_78 : i32 to vector<16xi32>
      %add3A_80 = arith.addi %broadcast_in_dim3A_75, %add3A_79 : vector<16xi32>
      %gather3A = tpu.vector_load_idx %arg9[%add3A_80] : memref<640xf32, #tpu.memory_space<vmem>>[vector<16xi32>], vector<16xf32>,
      %get3A = arith.index_cast %add3A_73 : i32 to index
      %get3A_81 = arith.constant 0 : index
      %get3A_82 = tpu.vector_load %arg11[%get3A, %get3A_81] {strides = array<i32>} : memref<320x64xf32, #tpu.memory_space<vmem>>, vector<16xf32>,
      %mul3A_83 = arith.mulf %get3A_82, %gather3A : vector<16xf32>
      %swap3A = arith.index_cast %add3A_73 : i32 to index
      %swap3A_84 = arith.constant 0 : index
      %swap3A_85 = tpu.vector_load %arg11[%swap3A, %swap3A_84] {strides = array<i32>} : memref<320x64xf32, #tpu.memory_space<vmem>>, vector<16xf32>,
      tpu.vector_store %arg11[%swap3A, %swap3A_84], %mul3A_83 {strides = array<i32>} : memref<320x64xf32, #tpu.memory_space<vmem>>, vector<16xf32>,
      %get3A_86 = arith.index_cast %add3A_73 : i32 to index
      %get3A_87 = arith.constant 0 : index
      %get3A_88 = tpu.vector_load %arg12[%get3A_86, %get3A_87] {strides = array<i32>} : memref<320x64xf32, #tpu.memory_space<vmem>>, vector<16xf32>,
      %mul3A_89 = arith.mulf %get3A_88, %gather3A : vector<16xf32>
      %swap3A_90 = arith.index_cast %add3A_73 : i32 to index
      %swap3A_91 = arith.constant 0 : index
      %swap3A_92 = tpu.vector_load %arg12[%swap3A_90, %swap3A_91] {strides = array<i32>} : memref<320x64xf32, #tpu.memory_space<vmem>>, vector<16xf32>,
      tpu.vector_store %arg12[%swap3A_90, %swap3A_91], %mul3A_89 {strides = array<i32>} : memref<320x64xf32, #tpu.memory_space<vmem>>, vector<16xf32>,
      %get3A_93 = arith.index_cast %add3A_73 : i32 to index
      %get3A_94 = arith.constant 16 : index
      %get3A_95 = tpu.vector_load %arg11[%get3A_93, %get3A_94] {strides = array<i32>} : memref<320x64xf32, #tpu.memory_space<vmem>>, vector<16xf32>,
      %mul3A_96 = arith.mulf %get3A_95, %gather3A : vector<16xf32>
      %swap3A_97 = arith.index_cast %add3A_73 : i32 to index
      %swap3A_98 = arith.constant 16 : index
      %swap3A_99 = tpu.vector_load %arg11[%swap3A_97, %swap3A_98] {strides = array<i32>} : memref<320x64xf32, #tpu.memory_space<vmem>>, vector<16xf32>,
      tpu.vector_store %arg11[%swap3A_97, %swap3A_98], %mul3A_96 {strides = array<i32>} : memref<320x64xf32, #tpu.memory_space<vmem>>, vector<16xf32>,
      %get3A_100 = arith.index_cast %add3A_73 : i32 to index
      %get3A_101 = arith.constant 16 : index
      %get3A_102 = tpu.vector_load %arg12[%get3A_100, %get3A_101] {strides = array<i32>} : memref<320x64xf32, #tpu.memory_space<vmem>>, vector<16xf32>,
      %mul3A_103 = arith.mulf %get3A_102, %gather3A : vector<16xf32>
      %swap3A_104 = arith.index_cast %add3A_73 : i32 to index
      %swap3A_105 = arith.constant 16 : index
      %swap3A_106 = tpu.vector_load %arg12[%swap3A_104, %swap3A_105] {strides = array<i32>} : memref<320x64xf32, #tpu.memory_space<vmem>>, vector<16xf32>,
      tpu.vector_store %arg12[%swap3A_104, %swap3A_105], %mul3A_103 {strides = array<i32>} : memref<320x64xf32, #tpu.memory_space<vmem>>, vector<16xf32>,
      %get3A_107 = arith.index_cast %add3A_73 : i32 to index
      %get3A_108 = arith.constant 32 : index
      %get3A_109 = tpu.vector_load %arg11[%get3A_107, %get3A_108] {strides = array<i32>} : memref<320x64xf32, #tpu.memory_space<vmem>>, vector<16xf32>,
      %mul3A_110 = arith.mulf %get3A_109, %gather3A : vector<16xf32>
      %swap3A_111 = arith.index_cast %add3A_73 : i32 to index
      %swap3A_112 = arith.constant 32 : index
      %swap3A_113 = tpu.vector_load %arg11[%swap3A_111, %swap3A_112] {strides = array<i32>} : memref<320x64xf32, #tpu.memory_space<vmem>>, vector<16xf32>,
      tpu.vector_store %arg11[%swap3A_111, %swap3A_112], %mul3A_110 {strides = array<i32>} : memref<320x64xf32, #tpu.memory_space<vmem>>, vector<16xf32>,
      %get3A_114 = arith.index_cast %add3A_73 : i32 to index
      %get3A_115 = arith.constant 32 : index
      %get3A_116 = tpu.vector_load %arg12[%get3A_114, %get3A_115] {strides = array<i32>} : memref<320x64xf32, #tpu.memory_space<vmem>>, vector<16xf32>,
      %mul3A_117 = arith.mulf %get3A_116, %gather3A : vector<16xf32>
      %swap3A_118 = arith.index_cast %add3A_73 : i32 to index
      %swap3A_119 = arith.constant 32 : index
      %swap3A_120 = tpu.vector_load %arg12[%swap3A_118, %swap3A_119] {strides = array<i32>} : memref<320x64xf32, #tpu.memory_space<vmem>>, vector<16xf32>,
      tpu.vector_store %arg12[%swap3A_118, %swap3A_119], %mul3A_117 {strides = array<i32>} : memref<320x64xf32, #tpu.memory_space<vmem>>, vector<16xf32>,
      %get3A_121 = arith.index_cast %add3A_73 : i32 to index
      %get3A_122 = arith.constant 48 : index
      %get3A_123 = tpu.vector_load %arg11[%get3A_121, %get3A_122] {strides = array<i32>} : memref<320x64xf32, #tpu.memory_space<vmem>>, vector<16xf32>,
      %mul3A_124 = arith.mulf %get3A_123, %gather3A : vector<16xf32>
      %swap3A_125 = arith.index_cast %add3A_73 : i32 to index
      %swap3A_126 = arith.constant 48 : index
      %swap3A_127 = tpu.vector_load %arg11[%swap3A_125, %swap3A_126] {strides = array<i32>} : memref<320x64xf32, #tpu.memory_space<vmem>>, vector<16xf32>,
      tpu.vector_store %arg11[%swap3A_125, %swap3A_126], %mul3A_124 {strides = array<i32>} : memref<320x64xf32, #tpu.memory_space<vmem>>, vector<16xf32>,
      %get3A_128 = arith.index_cast %add3A_73 : i32 to index
      %get3A_129 = arith.constant 48 : index
      %get3A_130 = tpu.vector_load %arg12[%get3A_128, %get3A_129] {strides = array<i32>} : memref<320x64xf32, #tpu.memory_space<vmem>>, vector<16xf32>,
      %mul3A_131 = arith.mulf %get3A_130, %gather3A : vector<16xf32>
      %swap3A_132 = arith.index_cast %add3A_73 : i32 to index
      %swap3A_133 = arith.constant 48 : index
      %swap3A_134 = tpu.vector_load %arg12[%swap3A_132, %swap3A_133] {strides = array<i32>} : memref<320x64xf32, #tpu.memory_space<vmem>>, vector<16xf32>,
      tpu.vector_store %arg12[%swap3A_132, %swap3A_133], %mul3A_131 {strides = array<i32>} : memref<320x64xf32, #tpu.memory_space<vmem>>, vector<16xf32>,
      %mul3A_135 = arith.constant 2 : i32
      %mul3A_136 = arith.muli %scan3A_68, %mul3A_135 : i32
      %add3A_137 = arith.constant 1 : i32
      %add3A_138 = arith.addi %mul3A_136, %add3A_137 : i32
      %broadcast_in_dim3A_139 = arith.constant 0 : i32
      %broadcast_in_dim3A_140 = vector.broadcast %broadcast_in_dim3A_139 : i32 to vector<16xi32>
      %mul3A_141 = arith.constant 320 : i32
      %mul3A_142 = arith.muli %arg0, %mul3A_141 : i32
      %add3A_143 = arith.addi %add3A_138, %mul3A_142 : i32
      %add3A_144 = vector.broadcast %add3A_143 : i32 to vector<16xi32>
      %add3A_145 = arith.addi %broadcast_in_dim3A_140, %add3A_144 : vector<16xi32>
      %gather3A_146 = tpu.vector_load_idx %arg9[%add3A_145] : memref<640xf32, #tpu.memory_space<vmem>>[vector<16xi32>], vector<16xf32>,
      %get3A_147 = arith.index_cast %add3A_138 : i32 to index
      %get3A_148 = arith.constant 0 : index
      %get3A_149 = tpu.vector_load %arg11[%get3A_147, %get3A_148] {strides = array<i32>} : memref<320x64xf32, #tpu.memory_space<vmem>>, vector<16xf32>,
      %mul3A_150 = arith.mulf %get3A_149, %gather3A_146 : vector<16xf32>
      %swap3A_151 = arith.index_cast %add3A_138 : i32 to index
      %swap3A_152 = arith.constant 0 : index
      %swap3A_153 = tpu.vector_load %arg11[%swap3A_151, %swap3A_152] {strides = array<i32>} : memref<320x64xf32, #tpu.memory_space<vmem>>, vector<16xf32>,
      tpu.vector_store %arg11[%swap3A_151, %swap3A_152], %mul3A_150 {strides = array<i32>} : memref<320x64xf32, #tpu.memory_space<vmem>>, vector<16xf32>,
      %get3A_154 = arith.index_cast %add3A_138 : i32 to index
      %get3A_155 = arith.constant 0 : index
      %get3A_156 = tpu.vector_load %arg12[%get3A_154, %get3A_155] {strides = array<i32>} : memref<320x64xf32, #tpu.memory_space<vmem>>, vector<16xf32>,
      %mul3A_157 = arith.mulf %get3A_156, %gather3A_146 : vector<16xf32>
      %swap3A_158 = arith.index_cast %add3A_138 : i32 to index
      %swap3A_159 = arith.constant 0 : index
      %swap3A_160 = tpu.vector_load %arg12[%swap3A_158, %swap3A_159] {strides = array<i32>} : memref<320x64xf32, #tpu.memory_space<vmem>>, vector<16xf32>,
      tpu.vector_store %arg12[%swap3A_158, %swap3A_159], %mul3A_157 {strides = array<i32>} : memref<320x64xf32, #tpu.memory_space<vmem>>, vector<16xf32>,
      %get3A_161 = arith.index_cast %add3A_138 : i32 to index
      %get3A_162 = arith.constant 16 : index
      %get3A_163 = tpu.vector_load %arg11[%get3A_161, %get3A_162] {strides = array<i32>} : memref<320x64xf32, #tpu.memory_space<vmem>>, vector<16xf32>,
      %mul3A_164 = arith.mulf %get3A_163, %gather3A_146 : vector<16xf32>
      %swap3A_165 = arith.index_cast %add3A_138 : i32 to index
      %swap3A_166 = arith.constant 16 : index
      %swap3A_167 = tpu.vector_load %arg11[%swap3A_165, %swap3A_166] {strides = array<i32>} : memref<320x64xf32, #tpu.memory_space<vmem>>, vector<16xf32>,
      tpu.vector_store %arg11[%swap3A_165, %swap3A_166], %mul3A_164 {strides = array<i32>} : memref<320x64xf32, #tpu.memory_space<vmem>>, vector<16xf32>,
      %get3A_168 = arith.index_cast %add3A_138 : i32 to index
      %get3A_169 = arith.constant 16 : index
      %get3A_170 = tpu.vector_load %arg12[%get3A_168, %get3A_169] {strides = array<i32>} : memref<320x64xf32, #tpu.memory_space<vmem>>, vector<16xf32>,
      %mul3A_171 = arith.mulf %get3A_170, %gather3A_146 : vector<16xf32>
      %swap3A_172 = arith.index_cast %add3A_138 : i32 to index
      %swap3A_173 = arith.constant 16 : index
      %swap3A_174 = tpu.vector_load %arg12[%swap3A_172, %swap3A_173] {strides = array<i32>} : memref<320x64xf32, #tpu.memory_space<vmem>>, vector<16xf32>,
      tpu.vector_store %arg12[%swap3A_172, %swap3A_173], %mul3A_171 {strides = array<i32>} : memref<320x64xf32, #tpu.memory_space<vmem>>, vector<16xf32>,
      %get3A_175 = arith.index_cast %add3A_138 : i32 to index
      %get3A_176 = arith.constant 32 : index
      %get3A_177 = tpu.vector_load %arg11[%get3A_175, %get3A_176] {strides = array<i32>} : memref<320x64xf32, #tpu.memory_space<vmem>>, vector<16xf32>,
      %mul3A_178 = arith.mulf %get3A_177, %gather3A_146 : vector<16xf32>
      %swap3A_179 = arith.index_cast %add3A_138 : i32 to index
      %swap3A_180 = arith.constant 32 : index
      %swap3A_181 = tpu.vector_load %arg11[%swap3A_179, %swap3A_180] {strides = array<i32>} : memref<320x64xf32, #tpu.memory_space<vmem>>, vector<16xf32>,
      tpu.vector_store %arg11[%swap3A_179, %swap3A_180], %mul3A_178 {strides = array<i32>} : memref<320x64xf32, #tpu.memory_space<vmem>>, vector<16xf32>,
      %get3A_182 = arith.index_cast %add3A_138 : i32 to index
      %get3A_183 = arith.constant 32 : index
      %get3A_184 = tpu.vector_load %arg12[%get3A_182, %get3A_183] {strides = array<i32>} : memref<320x64xf32, #tpu.memory_space<vmem>>, vector<16xf32>,
      %mul3A_185 = arith.mulf %get3A_184, %gather3A_146 : vector<16xf32>
      %swap3A_186 = arith.index_cast %add3A_138 : i32 to index
      %swap3A_187 = arith.constant 32 : index
      %swap3A_188 = tpu.vector_load %arg12[%swap3A_186, %swap3A_187] {strides = array<i32>} : memref<320x64xf32, #tpu.memory_space<vmem>>, vector<16xf32>,
      tpu.vector_store %arg12[%swap3A_186, %swap3A_187], %mul3A_185 {strides = array<i32>} : memref<320x64xf32, #tpu.memory_space<vmem>>, vector<16xf32>,
      %get3A_189 = arith.index_cast %add3A_138 : i32 to index
      %get3A_190 = arith.constant 48 : index
      %get3A_191 = tpu.vector_load %arg11[%get3A_189, %get3A_190] {strides = array<i32>} : memref<320x64xf32, #tpu.memory_space<vmem>>, vector<16xf32>,
      %mul3A_192 = arith.mulf %get3A_191, %gather3A_146 : vector<16xf32>
      %swap3A_193 = arith.index_cast %add3A_138 : i32 to index
      %swap3A_194 = arith.constant 48 : index
      %swap3A_195 = tpu.vector_load %arg11[%swap3A_193, %swap3A_194] {strides = array<i32>} : memref<320x64xf32, #tpu.memory_space<vmem>>, vector<16xf32>,
      tpu.vector_store %arg11[%swap3A_193, %swap3A_194], %mul3A_192 {strides = array<i32>} : memref<320x64xf32, #tpu.memory_space<vmem>>, vector<16xf32>,
      %get3A_196 = arith.index_cast %add3A_138 : i32 to index
      %get3A_197 = arith.constant 48 : index
      %get3A_198 = tpu.vector_load %arg12[%get3A_196, %get3A_197] {strides = array<i32>} : memref<320x64xf32, #tpu.memory_space<vmem>>, vector<16xf32>,
      %mul3A_199 = arith.mulf %get3A_198, %gather3A_146 : vector<16xf32>
      %swap3A_200 = arith.index_cast %add3A_138 : i32 to index
      %swap3A_201 = arith.constant 48 : index
      %swap3A_202 = tpu.vector_load %arg12[%swap3A_200, %swap3A_201] {strides = array<i32>} : memref<320x64xf32, #tpu.memory_space<vmem>>, vector<16xf32>,
      tpu.vector_store %arg12[%swap3A_200, %swap3A_201], %mul3A_199 {strides = array<i32>} : memref<320x64xf32, #tpu.memory_space<vmem>>, vector<16xf32>,
      %scan3A_203 = arith.constant 0 : i32
      scf.yield %scan3A_203 : i32
    }
    %scan3A_57 = arith.constant 160 : i32
    %lt3A_58 = arith.constant 31 : i32
    %lt3A_59 = arith.cmpi slt, %add3A_44, %lt3A_58 : i32
    %convert_element_type3A_60 = arith.extui %lt3A_59 : i1 to i32
    %cond3A_61 = arith.constant 0 : i32
    %cond3A_62 = arith.cmpi ne, %convert_element_type3A_60, %cond3A_61 : i32
    scf.if %cond3A_62 {
      "tpu.region"() ({
        %run_scoped3A = tpu.sem_alloc : memref<!tpu.dma_semaphore, #tpu.memory_space<semaphore_mem>>
        %dma_start3A = arith.constant 0 : i32
        %dma_start3A_68 = tpu.memref_slice %arg4[%add3A_41, %dma_start3A] : memref<10240x64xf32, #tpu.memory_space<hbm>> -> memref<320x64xf32, #tpu.memory_space<hbm>>
        %dma_start3A_69 = arith.constant 0 : i32
        %dma_start3A_70 = tpu.memref_slice %arg4[%add3A_41, %dma_start3A_69] : memref<10240x64xf32, #tpu.memory_space<hbm>> -> memref<320x64xf32, #tpu.memory_space<hbm>>
        tpu.enqueue_dma source(%arg11 : memref<320x64xf32, #tpu.memory_space<vmem>>) target(%dma_start3A_70 : memref<320x64xf32, #tpu.memory_space<hbm>>) target_semaphore(%run_scoped3A : memref<!tpu.dma_semaphore, #tpu.memory_space<semaphore_mem>>)
        %dma_wait3A = arith.constant 0 : i32
        %dma_wait3A_71 = tpu.memref_slice %arg4[%add3A_41, %dma_wait3A] : memref<10240x64xf32, #tpu.memory_space<hbm>> -> memref<320x64xf32, #tpu.memory_space<hbm>>
        %dma_wait3A_72 = arith.constant 0 : i32
        %dma_wait3A_73 = tpu.memref_slice %arg4[%add3A_41, %dma_wait3A_72] : memref<10240x64xf32, #tpu.memory_space<hbm>> -> memref<320x64xf32, #tpu.memory_space<hbm>>
        tpu.wait_dma2 semaphore(%run_scoped3A : memref<!tpu.dma_semaphore, #tpu.memory_space<semaphore_mem>>) src(%arg11 : memref<320x64xf32, #tpu.memory_space<vmem>>) dst(%dma_wait3A_73 : memref<320x64xf32, #tpu.memory_space<hbm>>)
        tpu.yield
      }) : () -> ()
      "tpu.region"() ({
        %run_scoped3A = tpu.sem_alloc : memref<!tpu.dma_semaphore, #tpu.memory_space<semaphore_mem>>
        %dma_start3A = arith.constant 0 : i32
        %dma_start3A_68 = tpu.memref_slice %arg5[%add3A_41, %dma_start3A] : memref<10240x64xf32, #tpu.memory_space<hbm>> -> memref<320x64xf32, #tpu.memory_space<hbm>>
        %dma_start3A_69 = arith.constant 0 : i32
        %dma_start3A_70 = tpu.memref_slice %arg5[%add3A_41, %dma_start3A_69] : memref<10240x64xf32, #tpu.memory_space<hbm>> -> memref<320x64xf32, #tpu.memory_space<hbm>>
        tpu.enqueue_dma source(%arg12 : memref<320x64xf32, #tpu.memory_space<vmem>>) target(%dma_start3A_70 : memref<320x64xf32, #tpu.memory_space<hbm>>) target_semaphore(%run_scoped3A : memref<!tpu.dma_semaphore, #tpu.memory_space<semaphore_mem>>)
        %dma_wait3A = arith.constant 0 : i32
        %dma_wait3A_71 = tpu.memref_slice %arg5[%add3A_41, %dma_wait3A] : memref<10240x64xf32, #tpu.memory_space<hbm>> -> memref<320x64xf32, #tpu.memory_space<hbm>>
        %dma_wait3A_72 = arith.constant 0 : i32
        %dma_wait3A_73 = tpu.memref_slice %arg5[%add3A_41, %dma_wait3A_72] : memref<10240x64xf32, #tpu.memory_space<hbm>> -> memref<320x64xf32, #tpu.memory_space<hbm>>
        tpu.wait_dma2 semaphore(%run_scoped3A : memref<!tpu.dma_semaphore, #tpu.memory_space<semaphore_mem>>) src(%arg12 : memref<320x64xf32, #tpu.memory_space<vmem>>) dst(%dma_wait3A_73 : memref<320x64xf32, #tpu.memory_space<hbm>>)
        tpu.yield
      }) : () -> ()
    } else {
    }
    %eq3A_63 = arith.constant 31 : i32
    %eq3A_64 = arith.cmpi eq, %add3A_44, %eq3A_63 : i32
    %convert_element_type3A_65 = arith.extui %eq3A_64 : i1 to i32
    %cond3A_66 = arith.constant 0 : i32
    %cond3A_67 = arith.cmpi ne, %convert_element_type3A_65, %cond3A_66 : i32
    scf.if %cond3A_67 {
      "tpu.region"() ({
        %run_scoped3A = tpu.sem_alloc : memref<!tpu.dma_semaphore, #tpu.memory_space<semaphore_mem>>
        %dma_start3A = arith.constant 0 : i32
        %dma_start3A_68 = arith.constant 0 : i32
        %dma_start3A_69 = tpu.memref_slice %arg11[%dma_start3A, %dma_start3A_68] : memref<320x64xf32, #tpu.memory_space<vmem>> -> memref<80x64xf32, #tpu.memory_space<vmem>>
        %dma_start3A_70 = arith.constant 0 : i32
        %dma_start3A_71 = tpu.memref_slice %arg4[%add3A_41, %dma_start3A_70] : memref<10240x64xf32, #tpu.memory_space<hbm>> -> memref<80x64xf32, #tpu.memory_space<hbm>>
        %dma_start3A_72 = arith.constant 0 : i32
        %dma_start3A_73 = tpu.memref_slice %arg4[%add3A_41, %dma_start3A_72] : memref<10240x64xf32, #tpu.memory_space<hbm>> -> memref<80x64xf32, #tpu.memory_space<hbm>>
        %dma_start3A_74 = arith.constant 0 : i32
        %dma_start3A_75 = arith.constant 0 : i32
        %dma_start3A_76 = tpu.memref_slice %arg11[%dma_start3A_74, %dma_start3A_75] : memref<320x64xf32, #tpu.memory_space<vmem>> -> memref<80x64xf32, #tpu.memory_space<vmem>>
        tpu.enqueue_dma source(%dma_start3A_76 : memref<80x64xf32, #tpu.memory_space<vmem>>) target(%dma_start3A_73 : memref<80x64xf32, #tpu.memory_space<hbm>>) target_semaphore(%run_scoped3A : memref<!tpu.dma_semaphore, #tpu.memory_space<semaphore_mem>>)
        %dma_wait3A = arith.constant 0 : i32
        %dma_wait3A_77 = arith.constant 0 : i32
        %dma_wait3A_78 = tpu.memref_slice %arg11[%dma_wait3A, %dma_wait3A_77] : memref<320x64xf32, #tpu.memory_space<vmem>> -> memref<80x64xf32, #tpu.memory_space<vmem>>
        %dma_wait3A_79 = arith.constant 0 : i32
        %dma_wait3A_80 = tpu.memref_slice %arg4[%add3A_41, %dma_wait3A_79] : memref<10240x64xf32, #tpu.memory_space<hbm>> -> memref<80x64xf32, #tpu.memory_space<hbm>>
        %dma_wait3A_81 = arith.constant 0 : i32
        %dma_wait3A_82 = tpu.memref_slice %arg4[%add3A_41, %dma_wait3A_81] : memref<10240x64xf32, #tpu.memory_space<hbm>> -> memref<80x64xf32, #tpu.memory_space<hbm>>
        %dma_wait3A_83 = arith.constant 0 : i32
        %dma_wait3A_84 = arith.constant 0 : i32
        %dma_wait3A_85 = tpu.memref_slice %arg11[%dma_wait3A_83, %dma_wait3A_84] : memref<320x64xf32, #tpu.memory_space<vmem>> -> memref<80x64xf32, #tpu.memory_space<vmem>>
        tpu.wait_dma2 semaphore(%run_scoped3A : memref<!tpu.dma_semaphore, #tpu.memory_space<semaphore_mem>>) src(%dma_wait3A_85 : memref<80x64xf32, #tpu.memory_space<vmem>>) dst(%dma_wait3A_82 : memref<80x64xf32, #tpu.memory_space<hbm>>)
        tpu.yield
      }) : () -> ()
      "tpu.region"() ({
        %run_scoped3A = tpu.sem_alloc : memref<!tpu.dma_semaphore, #tpu.memory_space<semaphore_mem>>
        %dma_start3A = arith.constant 0 : i32
        %dma_start3A_68 = arith.constant 0 : i32
        %dma_start3A_69 = tpu.memref_slice %arg12[%dma_start3A, %dma_start3A_68] : memref<320x64xf32, #tpu.memory_space<vmem>> -> memref<80x64xf32, #tpu.memory_space<vmem>>
        %dma_start3A_70 = arith.constant 0 : i32
        %dma_start3A_71 = tpu.memref_slice %arg5[%add3A_41, %dma_start3A_70] : memref<10240x64xf32, #tpu.memory_space<hbm>> -> memref<80x64xf32, #tpu.memory_space<hbm>>
        %dma_start3A_72 = arith.constant 0 : i32
        %dma_start3A_73 = tpu.memref_slice %arg5[%add3A_41, %dma_start3A_72] : memref<10240x64xf32, #tpu.memory_space<hbm>> -> memref<80x64xf32, #tpu.memory_space<hbm>>
        %dma_start3A_74 = arith.constant 0 : i32
        %dma_start3A_75 = arith.constant 0 : i32
        %dma_start3A_76 = tpu.memref_slice %arg12[%dma_start3A_74, %dma_start3A_75] : memref<320x64xf32, #tpu.memory_space<vmem>> -> memref<80x64xf32, #tpu.memory_space<vmem>>
        tpu.enqueue_dma source(%dma_start3A_76 : memref<80x64xf32, #tpu.memory_space<vmem>>) target(%dma_start3A_73 : memref<80x64xf32, #tpu.memory_space<hbm>>) target_semaphore(%run_scoped3A : memref<!tpu.dma_semaphore, #tpu.memory_space<semaphore_mem>>)
        %dma_wait3A = arith.constant 0 : i32
        %dma_wait3A_77 = arith.constant 0 : i32
        %dma_wait3A_78 = tpu.memref_slice %arg12[%dma_wait3A, %dma_wait3A_77] : memref<320x64xf32, #tpu.memory_space<vmem>> -> memref<80x64xf32, #tpu.memory_space<vmem>>
        %dma_wait3A_79 = arith.constant 0 : i32
        %dma_wait3A_80 = tpu.memref_slice %arg5[%add3A_41, %dma_wait3A_79] : memref<10240x64xf32, #tpu.memory_space<hbm>> -> memref<80x64xf32, #tpu.memory_space<hbm>>
        %dma_wait3A_81 = arith.constant 0 : i32
        %dma_wait3A_82 = tpu.memref_slice %arg5[%add3A_41, %dma_wait3A_81] : memref<10240x64xf32, #tpu.memory_space<hbm>> -> memref<80x64xf32, #tpu.memory_space<hbm>>
        %dma_wait3A_83 = arith.constant 0 : i32
        %dma_wait3A_84 = arith.constant 0 : i32
        %dma_wait3A_85 = tpu.memref_slice %arg12[%dma_wait3A_83, %dma_wait3A_84] : memref<320x64xf32, #tpu.memory_space<vmem>> -> memref<80x64xf32, #tpu.memory_space<vmem>>
        tpu.wait_dma2 semaphore(%run_scoped3A : memref<!tpu.dma_semaphore, #tpu.memory_space<semaphore_mem>>) src(%dma_wait3A_85 : memref<80x64xf32, #tpu.memory_space<vmem>>) dst(%dma_wait3A_82 : memref<80x64xf32, #tpu.memory_space<hbm>>)
        tpu.yield
      }) : () -> ()
    } else {
    }
    return
  }
}

module attributes {stable_mosaic.version = 14 : i64} {
  func.func @_project_body(%arg0: i32, %arg1: memref<2x2000x128xf32, #tpu.memory_space<vmem>>, %arg2: memref<2000x1xf32, #tpu.memory_space<vmem>>, %arg3: memref<128x128xf32, #tpu.memory_space<vmem>>, %arg4: memref<1x128xf32, #tpu.memory_space<vmem>>, %arg5: memref<2000x128xf32, #tpu.memory_space<vmem>>) attributes {dimension_semantics = [#tpu.dimension_semantics<arbitrary>], iteration_bounds = array<i64: 5>, scalar_prefetch = 0 : i64, scratch_operands = 0 : i64, tpu.core_type = #tpu.core_type<tc>, window_params = [{transform_indices = @transform_0, window_bounds = array<i64: 2, 2000, 128>}, {transform_indices = @transform_1, window_bounds = array<i64: 2000, 1>}, {pipeline_mode = #tpu.pipeline_mode<synchronous>, transform_indices = @transform_2, window_bounds = array<i64: 128, 128>}, {pipeline_mode = #tpu.pipeline_mode<synchronous>, transform_indices = @transform_3, window_bounds = array<i64: 1, 128>}, {transform_indices = @transform_4, window_bounds = array<i64: 2000, 128>}]} {
    %get3A = arith.constant 0 : index
    %get3A_0 = arith.constant 0 : index
    %get3A_1 = arith.constant 0 : index
    %get3A_2 = vector.load %arg1[%get3A, %get3A_0, %get3A_1] : memref<2x2000x128xf32, #tpu.memory_space<vmem>>, vector<1x2000x128xf32>
    %get3A_3 = vector.shape_cast %get3A_2 : vector<1x2000x128xf32> to vector<2000x128xf32>
    %get3A_4 = arith.constant 1 : index
    %get3A_5 = arith.constant 0 : index
    %get3A_6 = arith.constant 0 : index
    %get3A_7 = vector.load %arg1[%get3A_4, %get3A_5, %get3A_6] : memref<2x2000x128xf32, #tpu.memory_space<vmem>>, vector<1x2000x128xf32>
    %get3A_8 = vector.shape_cast %get3A_7 : vector<1x2000x128xf32> to vector<2000x128xf32>
    %add3A = arith.addf %get3A_3, %get3A_8 : vector<2000x128xf32>
    %get3A_9 = arith.constant 0 : index
    %get3A_10 = arith.constant 0 : index
    %get3A_11 = vector.load %arg2[%get3A_9, %get3A_10] : memref<2000x1xf32, #tpu.memory_space<vmem>>, vector<2000x1xf32>
    %mul3A = vector.broadcast %get3A_11 : vector<2000x1xf32> to vector<2000x128xf32>
    %mul3A_12 = arith.mulf %add3A, %mul3A : vector<2000x128xf32>
    %get3A_13 = arith.constant 0 : index
    %get3A_14 = arith.constant 0 : index
    %get3A_15 = vector.load %arg3[%get3A_13, %get3A_14] : memref<128x128xf32, #tpu.memory_space<vmem>>, vector<128x128xf32>
    %dot_general3A = arith.constant dense<0.000000e+00> : vector<2000x128xf32>
    %dot_general3A_16 = tpu.matmul %mul3A_12, %get3A_15, %dot_general3A {dimension_numbers = #tpu.dot_dimension_numbers<[1], [1], [0], [0], [0, 0, 1, 0], [], []>, transpose_lhs_hint = false} : vector<2000x128xf32>, vector<128x128xf32>, vector<2000x128xf32> -> vector<2000x128xf32>
    %get3A_17 = arith.constant 0 : index
    %get3A_18 = arith.constant 0 : index
    %get3A_19 = vector.load %arg4[%get3A_17, %get3A_18] : memref<1x128xf32, #tpu.memory_space<vmem>>, vector<1x128xf32>
    %add3A_20 = vector.broadcast %get3A_19 : vector<1x128xf32> to vector<2000x128xf32>
    %add3A_21 = arith.addf %dot_general3A_16, %add3A_20 : vector<2000x128xf32>
    %max3A = arith.constant 0.000000e+00 : f32
    %max3A_22 = vector.broadcast %max3A : f32 to vector<2000x128xf32>
    %max3A_23 = arith.maximumf %add3A_21, %max3A_22 : vector<2000x128xf32>
    %swap3A = arith.constant 0 : index
    %swap3A_24 = arith.constant 0 : index
    %swap3A_25 = vector.load %arg5[%swap3A, %swap3A_24] : memref<2000x128xf32, #tpu.memory_space<vmem>>, vector<2000x128xf32>
    tpu.vector_store %arg5[%swap3A, %swap3A_24], %max3A_23 {strides = array<i32>} : memref<2000x128xf32, #tpu.memory_space<vmem>>, vector<2000x128xf32>,
    return
  }
  func.func @transform_0(%arg0: i32) -> (i32, i32, i32) {
    %c0_i32 = arith.constant 0 : i32
    %c0_i32_0 = arith.constant 0 : i32
    %c0_i32_1 = arith.constant 0 : i32
    return %c0_i32, %arg0, %c0_i32_0 : i32, i32, i32
  }
  func.func @transform_1(%arg0: i32) -> (i32, i32) {
    %c0_i32 = arith.constant 0 : i32
    %c0_i32_0 = arith.constant 0 : i32
    return %arg0, %c0_i32 : i32, i32
  }
  func.func @transform_2(%arg0: i32) -> (i32, i32) {
    %c0_i32 = arith.constant 0 : i32
    %c0_i32_0 = arith.constant 0 : i32
    %c0_i32_1 = arith.constant 0 : i32
    return %c0_i32, %c0_i32_0 : i32, i32
  }
  func.func @transform_3(%arg0: i32) -> (i32, i32) {
    %c0_i32 = arith.constant 0 : i32
    %c0_i32_0 = arith.constant 0 : i32
    %c0_i32_1 = arith.constant 0 : i32
    return %c0_i32, %c0_i32_0 : i32, i32
  }
  func.func @transform_4(%arg0: i32) -> (i32, i32) {
    %c0_i32 = arith.constant 0 : i32
    %c0_i32_0 = arith.constant 0 : i32
    return %arg0, %c0_i32 : i32, i32
  }
}

</mosaic_0001>

<sc_bundles>
// kernel: kernel.5.cloned.1.call-start
scs
__scs_entry_jumppad:
0x0: {  	(pc) =	sbr.rel $0x88, $3  }
0x1: {  	(tag) =	ssettag $0x0;
	lr =	simm.s32 $0x1  }
0x2: {  	[smem:$0x3F9D] =	sst lr;
	_ =	strace $0xD0000000  }
0x3: {  	_ = 	snop  }
0x4: {  	_ = 	snop  }
0x5: {  	_ = 	snop  }
0x6: {  	_ = 	snop  }
0x7: {  	_ = 	snop  }
__scs_overlays_trampoline_lowered:
0x8: {  	[smem:$0x3FAC] =	sst s0  }
0x9: {  	[smem:$0x3FAD] =	sst s1  }
0xa: {  	[smem:$0x3FAE] =	sst s2  }
0xb: {  	[smem:$0x3FAF] =	sst s3  }
0xc: {  	[smem:$0x3FB0] =	sst s4  }
0xd: {  	[smem:$0x3FB1] =	sst s5  }
0xe: {  	[smem:$0x3FB2] =	sst s6  }
0xf: {  	[smem:$0x3FB3] =	sst s7  }
0x10: {  	[smem:$0x3FB4] =	sst s8  }
0x11: {  	[smem:$0x3FB5] =	sst s9;
	s0 =	simm.s32 @!p0 $0x0  }
0x12: {  	s1 =	sld [smem:$0x3F9B];
	s0 =	simm.s32 @p0 $0x1  }
0x13: {  	[smem:$0x3FB6] =	sst s0;
	s0 =	simm.s32 @!p1 $0x0  }
0x14: {  	s2 =	sld [smem:$0x3F9A];
	s0 =	simm.s32 @p1 $0x1  }
0x15: {  	[smem:$0x3FB7] =	sst s0;
	s0 =	simm.s32 @!p2 $0x0  }
0x16: {  	s3 =	sld [smem:$0x3FDB];
	s0 =	simm.s32 @p2 $0x1  }
0x17: {  	s4 =	simm.s32 $0x1BF5;
	[smem:$0x3FB9] =	sst s0  }
0x18: {  	s0 =	sld [smem:$0x3F9C];
	_ =	swait.ge [sflag:s4], $0x0  }
0x19: {  	s7 =	sld [smem:$0x3F9D]  }
0x1a: {  	s8 =	sadd.s32 $0xFFFFE003, lr  }
0x1b: {  	s9 =	sadd.s32 $0xFFFFFEF7, lr;
	s5 =	simm.s32 $0xFFFFFFFF;
	p2 =	slt.u32 s8, $0xFFFFF086  }
0x1c: {  	p1 =	slt.u32 s9, $0xF7A;
	s5 =	simm.s32 @!p2 $0x0  }
0x1d: {  	s5 =	simm.s32 @p1 $0x1;
	p0 =	seq.s32 s7, s2  }
0x1e: {  	s7 =	smul.u32 @!p0 $0xF7A, s2;
	p2 =	seq.s32 @!p0 s5, $0x0  }
0x1f: {  	s9 =	smul.u32 $0xF7A, s1;
	s8 =	simm.s32 @!p0 $0x1BF5;
	p2 =	por !p2, p0  }
0x20: {  	[sflag:s8] =	ssyncset.s32 @!p0 $0xFFFFF086;
	s6 =	sadd.s32 @!p0 s3, s7;
	s7 =	simm.s32 @!p0 $0x108  }
0x21: {  	s3 =	sadd.s32 s3, s9;
	s6 =	sadd.s32 @!p0 $0x88, s6;
	s7 =	simm.s32 @p2 $0x1082  }
0x22: {  	[simem:s7], [sflag:s8] =	dma.local @!p0 [hbm:s6], $0xF7A  }
0x23: {  	s9 =	sor.u32 $0xD0000000, s2;
	s6 =	simm.s32 $0x108;
	_ =	swait.ge @!p0 [sflag:s8], $0x0  }
0x24: {  	s3 =	sadd.s32 $0x88, s3;
	s6 =	simm.s32 @!p1 $0x1082;
	[sflag:s4] =	ssyncset.s32 $0xFFFFF086  }
0x25: {  	[simem:s6], [sflag:s4] =	dma.local [hbm:s3], $0xF7A  }
0x26: {  	[smem:$0x3F9D] =	sst s1;
	(tag) =	ssettag s2;
	_ =	strace s9  }
0x27: {  	s1 =	sld [smem:$0x3FAD]  }
0x28: {  	s2 =	sld [smem:$0x3FAE]  }
0x29: {  	s4 =	sld [smem:$0x3FB0]  }
0x2a: {  	p0 =	seq.s32 s5, $0x0;
	s5 =	sld [smem:$0x3FB1]  }
0x2b: {  	s6 =	sld [smem:$0x3FB2]  }
0x2c: {  	s7 =	sld [smem:$0x3FB3]  }
0x2d: {  	s3 =	simm.s32 $0x108;
	s8 =	sld [smem:$0x3FB4]  }
0x2e: {  	s3 =	simm.s32 @!p0 $0x1082;
	s9 =	sld [smem:$0x3FB5]  }
0x2f: {  	lr =	sadd.s32 s0, s3;
	s0 =	sld [smem:$0x3FAC]  }
0x30: {  	s3 =	sld [smem:$0x3FAF]  }
0x31: {  	[smem:$0x3FB8] =	sst s10  }
0x32: {  	s10 =	sld [smem:$0x3FB6];
	_ =	sdelay $0x3  }
0x33: {  	p0 =	seq.s32 s10, $0x1;
	s10 =	sld [smem:$0x3FB8];
	_ =	sdelay $0x3  }
0x34: {  	[smem:$0x3FB8] =	sst s10  }
0x35: {  	s10 =	sld [smem:$0x3FB7];
	_ =	sdelay $0x3  }
0x36: {  	p1 =	seq.s32 s10, $0x1;
	s10 =	sld [smem:$0x3FB8];
	_ =	sdelay $0x3  }
0x37: {  	[smem:$0x3FB8] =	sst s10  }
0x38: {  	s10 =	sld [smem:$0x3FB9]  }
0x39: {  	_ = 	snop;
	(pc) =	sbr.ind lr, $3  }
0x3a: {  	_ = 	snop  }
0x3b: {  	_ = 	snop  }
0x3c: {  	p2 =	seq.s32 s10, $0x1;
	s10 =	sld [smem:$0x3FB8]  }
0x3d: {  	_ =	shalt  }
0x3e: {  	_ =	shalt  }
0x3f: {  	_ =	shalt  }
0x40: {  	_ =	shalt  }
0x41: {  	_ =	shalt  }
0x42: {  	_ =	shalt  }
0x43: {  	_ =	shalt  }
0x44: {  	_ =	shalt  }
0x45: {  	_ =	shalt  }
0x46: {  	_ =	shalt  }
0x47: {  	_ =	shalt  }
0x48: {  	_ =	shalt  }
0x49: {  	_ =	shalt  }
0x4a: {  	_ =	shalt  }
0x4b: {  	_ =	shalt  }
0x4c: {  	_ =	shalt  }
0x4d: {  	_ =	shalt  }
0x4e: {  	_ =	shalt  }
0x4f: {  	_ =	shalt  }
0x50: {  	_ =	shalt  }
0x51: {  	_ =	shalt  }
0x52: {  	_ =	shalt  }
0x53: {  	_ =	shalt  }
0x54: {  	_ =	shalt  }
0x55: {  	_ =	shalt  }
0x56: {  	_ =	shalt  }
0x57: {  	_ =	shalt  }
0x58: {  	_ =	shalt  }
0x59: {  	_ =	shalt  }
0x5a: {  	_ =	shalt  }
0x5b: {  	_ =	shalt  }
0x5c: {  	_ =	shalt  }
0x5d: {  	_ =	shalt  }
0x5e: {  	_ =	shalt  }
0x5f: {  	_ =	shalt  }
0x60: {  	_ =	shalt  }
0x61: {  	_ =	shalt  }
0x62: {  	_ =	shalt  }
0x63: {  	_ =	shalt  }
0x64: {  	_ =	shalt  }
0x65: {  	_ =	shalt  }
0x66: {  	_ =	shalt  }
0x67: {  	_ =	shalt  }
0x68: {  	_ =	shalt  }
0x69: {  	_ =	shalt  }
0x6a: {  	_ =	shalt  }
0x6b: {  	_ =	shalt  }
0x6c: {  	_ =	shalt  }
0x6d: {  	_ =	shalt  }
0x6e: {  	_ =	shalt  }
0x6f: {  	_ =	shalt  }
0x70: {  	_ =	shalt  }
0x71: {  	_ =	shalt  }
0x72: {  	_ =	shalt  }
0x73: {  	_ =	shalt  }
0x74: {  	_ =	shalt  }
0x75: {  	_ =	shalt  }
0x76: {  	_ =	shalt  }
0x77: {  	_ =	shalt  }
0x78: {  	_ =	shalt  }
0x79: {  	_ =	shalt  }
0x7a: {  	_ =	shalt  }
0x7b: {  	_ =	shalt  }
0x7c: {  	_ =	shalt  }
0x7d: {  	_ =	shalt  }
0x7e: {  	_ =	shalt  }
0x7f: {  	_ =	shalt  }
0x80: {  	_ =	shalt  }
0x81: {  	_ =	shalt  }
0x82: {  	_ =	shalt  }
0x83: {  	_ =	shalt  }
0x84: {  	_ =	shalt  }
0x85: {  	_ =	shalt  }
0x86: {  	_ =	shalt  }
0x87: {  	_ =	shalt  }
.Lfunc_end0:
.L_simem_size_0:
called_computation_lowered:
.L_overlay_start_0:
0x88: {  	s2 =	sld [smem:$0x3FD9]  }
0x89: {  	s3 =	sld [smem:$0x3FFE];
	_ =	sdelay $0x1  }
0x8a: {  	s1 =	srdreg.scid  }
0x8b: {  	s0 =	sand.u32 $0x1, s1  }
0x8c: {  	s17 =	sshll.u32 s0, $0xA;
	s2 =	sadd.s32 s3, s2  }
0x8d: {  	s2 =	sadd.s32 s2, s17  }
0x8e: {  	[smem:$0x3FC4] =	sst s2  }
0x8f: {  	_ = 	snop  }
0x90: {  	s2 =	sld [smem:$0x3FC9]  }
0x91: {  	s18 =	sld [smem:$0x3FD0];
	(tm) =	ssettm $0x1  }
0x92: {  	s4 =	sld [smem:$0x3FFB];
	_ =	sdelay $0x3  }
0x93: {  	_ =	strace s4  }
0x94: {  	s4 =	sld [smem:$0x3FFC];
	_ =	sdelay $0x3  }
0x95: {  	_ =	strace s4  }
0x96: {  	s4 =	sld [smem:$0x3FFD];
	_ =	sdelay $0x3  }
0x97: {  	_ =	strace s4  }
0x98: {  	_ =	strace $0x8FFFFFFF  }
0x99: {  	s19 =	sld [smem:$0x3FDB];
	_ =	sdelay $0x1  }
0x9a: {  	s5 =	simm.s32 $_scs_section_size  }
0x9b: {  	s6 =	simm.s32 $_size__tile_overlayer_lowered;
	s7 =	simm.s32 $_tile_overlayer_lowered  }
0x9c: {  	s22 =	simm.s32 $0x1BFF;
	s21 =	sshll.u32 s7, $0x1;
	s4 =	sadd.s32 s5, s19  }
0x9d: {  	s8 =	simm.s32 $0x0;
	s20 =	sshll.u32 s6, $0x1;
	s6 =	sadd.s32 s21, s4  }
0x9e: {  	[timem:s8], [sflag:s22] =	dma.local [hbm:s6], s20  }
0x9f: {  	_ =	swait.ge [sflag:s22], s20  }
0xa0: {  	s5 =	ssub.s32 $0x0, s20;
	[sflag:s22] =	ssyncset.done $0x0  }
0xa1: {  	[sflag:s22] =	ssyncadd.s32 s5;
	_ =	sdelay $0x1  }
0xa2: {  	s23 =	simm.s32 $0x1B8B  }
0xa3: {  	_ =	swait.ge [sflag:s23], $0x1  }
0xa4: {  	[sflag:s23] =	ssyncset.done $0x0  }
0xa5: {  	s25 =	simm.s32 $0x1B8E;
	s24 =	sld [smem:$0x3FFE];
	[sflag:s23] =	ssyncadd.s32 $0xFFFFFFFF  }
0xa6: {  	s26 =	simm.s32 $execute0_lowered;
	[smem:$0x3FD2] =	sst s25  }
0xa7: {  	s6 =	sshll.u32 s26, $0x1;
	_ =	strace $0x80000046;
	[dreg:$0x1] =	wrdreg $0xFFFFFFFF  }
0xa8: {  	s28 =	simm.s32 $_size_execute0_lowered;
	s4 =	sadd.s32 s4, s6;
	[dreg:$0x0] =	wrdreg $0x0  }
0xa9: {  	s6 =	sshll.u32 s28, $0x1;
	[dreg:$0x2] =	wrdreg s4  }
0xaa: {  	[dreg:$0x3] =	wrdreg s6  }
0xab: {  	[dreg:$0x4] =	wrdreg $0xC0  }
0xac: {  	_ =	task [dreg:s8], $0x5FFFF  }
0xad: {  	[dreg:$0x1] =	wrdreg $0xFFFFFFFF  }
0xae: {  	[dreg:$0x0] =	wrdreg $0x60  }
0xaf: {  	[dreg:$0x2] =	wrdreg s24  }
0xb0: {  	[dreg:$0x3] =	wrdreg s2  }
0xb1: {  	[dreg:$0x4] =	wrdreg s18  }
0xb2: {  	[dreg:$0x5] =	wrdreg $0x140A00  }
0xb3: {  	[dreg:$0x6] =	wrdreg $0x9  }
0xb4: {  	_ =	task.clear_ibuf [dreg:s8], $0x7FFFF;
	_ =	strace $0x90000046  }
0xb5: {  	s29 =	simm.s32 $0x9;
	_ =	strace $0x80000048  }
0xb6: {  	_ =	swait.ge [sflag:s29], $0x1  }
0xb7: {  	[sflag:s29] =	ssyncadd.s32 $0xFFFFFFFF  }
0xb8: {  	_ =	strace $0x90000048  }
0xb9: {  	_ =	sfence  }
0xba: {  	s30 =	sld [smem:$0x0];
	_ =	sdelay $0x2  }
0xbb: {  	s31 =	sshll.u32 s1, $0xD;
	s1 =	sshrl.u32 s1, $0x2  }
0xbc: {  	s3 =	sand.u32 $0x4000, s31;
	s1 =	sadd.s32 s1, s30  }
0xbd: {  	s0 =	sor.u32 s3, s0;
	s1 =	sshll.u32 s1, $0x11  }
0xbe: {  	s0 =	sor.u32 s1, s0  }
0xbf: {  	s0 =	sadd.s32 $0x8F2B, s0  }
0xc0: {  	[sflag:s0] =	ssyncadd.remote.s32 $0x1  }
0xc1: {  	_ =	sfence.sel $0xFFFF  }
0xc2: {  	[dreg:$0x0] =	wrdreg $0xFFFFFFFF;
	(pc) =	sbr.abs _section_cstart, $3  }
0xc3: {  	[dreg:$0x1] =	wrdreg $0xFFFFFFFF  }
0xc4: {  	_ =	task.clear_ibuf [dreg:s8], $0x2FFFF;
	_ =	strace $0x9FFFFFFF  }
0xc5: {  	(tm) =	ssettm $0x7FFFFFFF  }
tec
execute0_lowered:
.L_overlay_start_1:
0x0: {  	(tag) =	ssettag $0x1  }
0x1: {  	s4 =	rddreg [dreg:$0x0]  }
0x2: {  	s9 =	rddreg [dreg:$0x1]  }
0x3: {  	s11 =	rddreg [dreg:$0x2];
	s0 =	stileid.u32  }
0x4: {  	s1 =	srdreg.scid;
	s6 =	rddreg [dreg:$0x3];
	s2 =	simm.s32 $0x0  }
0x5: {  	s18 =	simm.s32 $0x78A0;
	s20 =	simm.s32 $0x0;
	s5 =	smul.u32 $0x9C4, s0  }
0x6: {  	s10 =	sand.u32 $0x1, s1;
	s7 =	smul.u32 $0x280, s0;
	s1 =	rddreg [dreg:$0x4]  }
0x7: {  	[smem:$0x7FF] =	sst s2;
	s14 =	smul.u32 $0xA000, s0;
	s30 =	sshll.u32 s0, $0x1  }
0x8: {  	s3 =	smul.u32 $0x140, s10;
	_ =	strace $0x80000047;
	s13 =	ssub.s32 $0x2, s10  }
0x9: {  	s19 =	sor.u32 s30, s10;
	s5 =	sadd.s32 s5, s4;
	s17 =	sshrl.u32 s13, $0x1  }
0xa: {  	s14 =	sshrl.u32 s14, $0x2;
	p0 =	seq.s32 s19, $0x1F;
	s19 =	simm.s32 $0x7620  }
0xb: {  	s8 =	sadd.s32 s3, s7;
	s13 =	ssub.s32 s13, s17;
	s17 =	simm.s32 $0x2800  }
0xc: {  	s12 =	sshll.u32 s8, $0x3;
	s16 =	sshrl.u32 s8, $0x3;
	s31 =	sshll.u32 s8, $0x4  }
0xd: {  	s8 =	sor.u32 $0x7620, s3;
	s13 =	smax.u32 s13, $0x1;
	s15 =	sadd.s32 s12, s4  }
0xe: {  	s16 =	sadd.s32 s16, s4;
	s4 =	sadd.s32 $0x1200, s5;
	s5 =	sadd.s32 s14, s6  }
0xf: {  	s6 =	sadd.s32 s7, s6;
	s9 =	sadd.s32 s9, s31;
	s11 =	sadd.s32 s11, s12  }
0x10: {  	s14 =	simm.s32 $0x1;
	s7 =	sadd.s32 $0xB000, s16;
	s10 =	sadd.s32 $0x8, s9  }
0x11: {  	v0 =	vimm.f32 $0.0e+00;
	v1 =	vimm.f32 $1.000000000e+00;
	s12 =	sadd.s32 $0xB600, s15;
	s15 =	simm.s32 $0x4E20;
	s16 =	simm.s32 $0x280  }
.LBB2_1:
0x12: {  	s21 =	simm.s32 $0x40;
	s22 =	simm.s32 $0x0  }
.LBB2_2:
0x13: {  	p1 =	sne.s32 s21, $0x9FC0;
	[tilespmem:s22+$0x4E20] =	vst v0;
	s22 =	smov.u32 s21;
	s21 =	sadd.s32 $0x40, s21  }
.Ltmp0:
0x14: {  	(pc) =	sbr.rel @p1 .LBB2_2-.Ltmp0, $2  }
0x15: {  	_ =	sdelay $0x2  }
0x16: {  	s22 =	sshra.s32 s22, $0x2  }
0x17: {  	[tilespmem:s22+$0x4E20] =	vst v0;
	s21 =	simm.s32 $0x0  }
0x18: {  	[tilespmem:s21], [sflag:$0x1] =	stream.linear.gather [hbm4b:s4+s21], $0x4E20, $0x38;
	[tilespmem:$0x168A0] =	vst v63  }
0x19: {  	_ =	swait.ge [sflag:s14], $0x4E20  }
0x1a: {  	[sflag:s14] =	ssyncset.done $0x0  }
0x1b: {  	[sflag:s14] =	ssyncadd.s32 $0xFFFFB1E0  }
.LBB2_4:
0x1c: {  	s22 =	sshra.s32 s21, $0x2  }
0x1d: {  	v2 =	vld [tilespmem:s22+$0x0];
	_ =	sdelay $0x7  }
0x1e: {  	[tilespmem:v2+s15+$0x0] =	vst.idx.add.f32.msk $0xffff, v1  }
0x1f: {  	v2 =	vld [tilespmem:s22+$0x10];
	_ =	sdelay $0x7  }
0x20: {  	[tilespmem:v2+s15+$0x0] =	vst.idx.add.f32.msk $0xffff, v1  }
0x21: {  	v2 =	vld [tilespmem:s22+$0x20];
	_ =	sdelay $0x7  }
0x22: {  	[tilespmem:v2+s15+$0x0] =	vst.idx.add.f32.msk $0xffff, v1  }
0x23: {  	v2 =	vld [tilespmem:s22+$0x30];
	_ =	sdelay $0x7  }
0x24: {  	[tilespmem:v2+s15+$0x0] =	vst.idx.add.f32.msk $0xffff, v1  }
0x25: {  	v2 =	vld [tilespmem:s22+$0x40];
	_ =	sdelay $0x2  }
0x26: {  	p1 =	sne.s32 s21, $0x13740  }
.Ltmp1:
0x27: {  	_ = 	snop;
	(pc) =	sbr.rel @p1 .LBB2_4-.Ltmp1, $2  }
0x28: {  	_ =	sdelay $0x2  }
0x29: {  	s21 =	sadd.s32 $0x140, s21;
	[tilespmem:v2+s15+$0x0] =	vst.idx.add.f32.msk $0xffff, v1  }
0x2a: {  	[spmem:s5] =	stream.linear.scatter [tilespmem:s15], [sflag:$0x1], $0x2800, $0x38;
	[tilespmem:$0x168A0] =	vst v63  }
0x2b: {  	_ =	swait.ge [sflag:s14], $0x2800  }
0x2c: {  	[sflag:s14] =	ssyncset.done $0x0  }
0x2d: {  	[sflag:s14] =	ssyncadd.s32 $0xFFFFD800  }
0x2e: {  	[bflag:$0x0] =	sbarrier.arrive $0xFFFF  }
0x2f: {  	[tilespmem:s18], [sflag:$0x1] =	stream.strided.gather [spmem:s6], $0x2800, s17, s16, $0x38;
	[tilespmem:$0x168A0] =	vst v63  }
0x30: {  	_ =	swait.ge [sflag:s14], $0x2800  }
0x31: {  	[sflag:s14] =	ssyncset.done $0x0  }
0x32: {  	s21 =	simm.s32 $0x0;
	[sflag:s14] =	ssyncadd.s32 $0xFFFFD800  }
0x33: {  	v2 =	vld [tilespmem:s21+$0x78A0]  }
0x34: {  	v3 =	vld [tilespmem:s21+$0x7B20];
	_ =	sdelay $0x1  }
0x35: {  	v4 =	vld [tilespmem:s21+$0x7DA0];
	_ =	sdelay $0x1  }
0x36: {  	v5 =	vld [tilespmem:s21+$0x8020]  }
0x37: {  	v2 =	vadd.f32 v3, v2  }
0x38: {  	v3 =	vld [tilespmem:s21+$0x82A0]  }
0x39: {  	v2 =	vadd.f32 v4, v2  }
0x3a: {  	v4 =	vld [tilespmem:s21+$0x8520]  }
0x3b: {  	v2 =	vadd.f32 v5, v2  }
0x3c: {  	v5 =	vld [tilespmem:s21+$0x87A0]  }
0x3d: {  	v2 =	vadd.f32 v3, v2  }
0x3e: {  	v3 =	vld [tilespmem:s21+$0x8A20]  }
0x3f: {  	s23 =	simm.s32 $0x10;
	v6 =	vld [tilespmem:s21+$0x8CA0];
	v2 =	vadd.f32 v4, v2  }
0x40: {  	v7 =	vld [tilespmem:s23+$0x78A0]  }
0x41: {  	v4 =	vld [tilespmem:s21+$0x8F20];
	v2 =	vadd.f32 v5, v2  }
0x42: {  	v5 =	vld [tilespmem:s23+$0x7B20]  }
0x43: {  	v8 =	vld [tilespmem:s23+$0x7DA0];
	v2 =	vadd.f32 v3, v2  }
0x44: {  	v3 =	vld [tilespmem:s21+$0x91A0]  }
0x45: {  	v9 =	vld [tilespmem:s23+$0x8020];
	v2 =	vadd.f32 v6, v2  }
0x46: {  	v6 =	vld [tilespmem:s21+$0x9420]  }
0x47: {  	v5 =	vadd.f32 v5, v7;
	v7 =	vld [tilespmem:s23+$0x82A0];
	v2 =	vadd.f32 v4, v2  }
0x48: {  	v4 =	vld [tilespmem:s21+$0x96A0]  }
0x49: {  	v10 =	vld [tilespmem:s23+$0x8520];
	v5 =	vadd.f32 v8, v5;
	v2 =	vadd.f32 v3, v2  }
0x4a: {  	v8 =	vld [tilespmem:s21+$0x9920]  }
0x4b: {  	v11 =	vld [tilespmem:s23+$0x87A0];
	v3 =	vadd.f32 v9, v5;
	v2 =	vadd.f32 v6, v2  }
0x4c: {  	v9 =	vld [tilespmem:s21+$0x9BA0]  }
0x4d: {  	v5 =	vld [tilespmem:s23+$0x8A20];
	v6 =	vadd.f32 v7, v3;
	v4 =	vadd.f32 v4, v2  }
0x4e: {  	v3 =	vld [tilespmem:s21+$0x9E20]  }
0x4f: {  	v2 =	vld [tilespmem:s23+$0x8F20];
	v7 =	vadd.f32 v10, v6;
	v8 =	vadd.f32 v8, v4  }
0x50: {  	s24 =	simm.s32 $0x20;
	v6 =	vld [tilespmem:s23+$0x8CA0]  }
0x51: {  	s22 =	simm.s32 $0x40;
	s26 =	simm.s32 $0xC0;
	s25 =	simm.s32 $0x0;
	v4 =	vld [tilespmem:s24+$0x78A0];
	v7 =	vadd.f32 v11, v7;
	v8 =	vadd.f32 v9, v8  }
.LBB2_6:
0x52: {  	p1 =	sne.s32 s26, $0x9C0;
	v9 =	vld [tilespmem:s24+$0x7B20]  }
0x53: {  	v5 =	vadd.f32 v5, v7;
	v7 =	vld [tilespmem:s23+$0x91A0];
	v3 =	vadd.f32 v3, v8  }
0x54: {  	v8 =	vld [tilespmem:s24+$0x7DA0]  }
0x55: {  	v5 =	vadd.f32 v6, v5;
	v6 =	vld [tilespmem:s23+$0x9420];
	[tilespmem:s25+$0x7620] =	vst v3;
	s25 =	smov.u32 s23;
	s23 =	smov.u32 s24  }
0x56: {  	v3 =	vld [tilespmem:s23+$0x8020]  }
0x57: {  	v4 =	vadd.f32 v9, v4;
	v2 =	vadd.f32 v2, v5;
	v5 =	vld [tilespmem:s25+$0x96A0]  }
0x58: {  	v9 =	vld [tilespmem:s23+$0x82A0]  }
0x59: {  	v4 =	vadd.f32 v8, v4;
	v2 =	vadd.f32 v7, v2;
	v7 =	vld [tilespmem:s25+$0x9920]  }
0x5a: {  	v8 =	vld [tilespmem:s23+$0x8520]  }
0x5b: {  	v3 =	vadd.f32 v3, v4;
	v2 =	vadd.f32 v6, v2;
	v10 =	vld [tilespmem:s25+$0x9BA0]  }
0x5c: {  	v11 =	vld [tilespmem:s23+$0x87A0]  }
.Ltmp2:
0x5d: {  	v4 =	vadd.f32 v9, v3;
	v6 =	vadd.f32 v5, v2;
	v3 =	vld [tilespmem:s25+$0x9E20];
	(pc) =	sbr.rel @p1 .LBB2_6-.Ltmp2, $4  }
0x5e: {  	v5 =	vld [tilespmem:s23+$0x8A20]  }
0x5f: {  	v8 =	vadd.f32 v8, v4;
	v2 =	vld [tilespmem:s23+$0x8F20];
	v9 =	vadd.f32 v7, v6  }
0x60: {  	s24 =	sshra.s32 s26, $0x2;
	v6 =	vld [tilespmem:s23+$0x8CA0]  }
0x61: {  	s26 =	sadd.s32 $0x40, s26;
	v4 =	vld [tilespmem:s24+$0x78A0];
	v7 =	vadd.f32 v11, v8;
	v8 =	vadd.f32 v10, v9  }
0x62: {  	v9 =	vld [tilespmem:s24+$0x7B20]  }
0x63: {  	v10 =	vld [tilespmem:s23+$0x91A0];
	v3 =	vadd.f32 v3, v8  }
0x64: {  	v49 =	vld [tilespmem:s24+$0x7DA0]  }
0x65: {  	v11 =	vld [tilespmem:s23+$0x9420];
	v5 =	vadd.f32 v5, v7;
	[tilespmem:s25+$0x7620] =	vst v3  }
0x66: {  	v3 =	vld [tilespmem:s24+$0x8020]  }
0x67: {  	v5 =	vadd.f32 v6, v5;
	v4 =	vadd.f32 v9, v4  }
0x68: {  	v50 =	vld [tilespmem:s24+$0x82A0]  }
0x69: {  	v51 =	vld [tilespmem:s23+$0x96A0];
	v2 =	vadd.f32 v2, v5;
	v4 =	vadd.f32 v49, v4  }
0x6a: {  	v52 =	vld [tilespmem:s24+$0x8520]  }
0x6b: {  	v53 =	vld [tilespmem:s23+$0x9920];
	v2 =	vadd.f32 v10, v2;
	v3 =	vadd.f32 v3, v4  }
0x6c: {  	v54 =	vld [tilespmem:s24+$0x87A0]  }
0x6d: {  	v55 =	vld [tilespmem:s23+$0x9BA0];
	v2 =	vadd.f32 v11, v2;
	v3 =	vadd.f32 v50, v3  }
0x6e: {  	v56 =	vld [tilespmem:s24+$0x8A20]  }
0x6f: {  	v57 =	vld [tilespmem:s23+$0x9E20];
	v2 =	vadd.f32 v51, v2;
	v3 =	vadd.f32 v52, v3  }
0x70: {  	v58 =	vld [tilespmem:s24+$0x8CA0]  }
0x71: {  	v2 =	vadd.f32 v53, v2;
	v3 =	vadd.f32 v54, v3  }
0x72: {  	v59 =	vld [tilespmem:s24+$0x8F20]  }
0x73: {  	v2 =	vadd.f32 v55, v2;
	v3 =	vadd.f32 v56, v3  }
0x74: {  	v60 =	vld [tilespmem:s24+$0x91A0]  }
0x75: {  	v2 =	vadd.f32 v57, v2;
	v3 =	vadd.f32 v58, v3  }
0x76: {  	v61 =	vld [tilespmem:s24+$0x9420]  }
0x77: {  	[tilespmem:s23+$0x7620] =	vst v2;
	v2 =	vadd.f32 v59, v3  }
0x78: {  	v3 =	vld [tilespmem:s24+$0x96A0]  }
0x79: {  	v2 =	vadd.f32 v60, v2  }
0x7a: {  	v62 =	vld [tilespmem:s24+$0x9920]  }
0x7b: {  	v2 =	vadd.f32 v61, v2  }
0x7c: {  	v63 =	vld [tilespmem:s24+$0x9BA0]  }
0x7d: {  	v2 =	vadd.f32 v3, v2  }
0x7e: {  	v3 =	vld [tilespmem:s24+$0x9E20]  }
0x7f: {  	v2 =	vadd.f32 v62, v2;
	_ =	sdelay $0x1  }
0x80: {  	v2 =	vadd.f32 v63, v2;
	_ =	sdelay $0x1  }
0x81: {  	v2 =	vadd.f32 v3, v2;
	_ =	sdelay $0x1  }
0x82: {  	[tilespmem:s24+$0x7620] =	vst v2  }
.LBB2_8:
0x83: {  	p1 =	sne.s32 s22, $0x9C0;
	v2 =	vld [tilespmem:s21+$0x7620];
	_ =	sdelay $0x4  }
0x84: {  	v3 =	vshrl.u32 v2, $0x1;
	v4 =	vmul.f32 $5.000000000e-01, v2  }
0x85: {  	v3 =	vsub.s32 $0x5F3759DF, v3  }
0x86: {  	v5 =	vmul.f32 v3, v4;
	_ =	sdelay $0x1  }
0x87: {  	v5 =	vmul.f32 v3, v5;
	_ =	sdelay $0x1  }
0x88: {  	v5 =	vsub.f32 $1.500000000e+00, v5;
	_ =	sdelay $0x1  }
0x89: {  	v3 =	vmul.f32 v3, v5;
	_ =	sdelay $0x1  }
0x8a: {  	v5 =	vmul.f32 v3, v4;
	_ =	sdelay $0x1  }
0x8b: {  	v5 =	vmul.f32 v5, v3;
	_ =	sdelay $0x1  }
0x8c: {  	v5 =	vsub.f32 $1.500000000e+00, v5;
	_ =	sdelay $0x1  }
0x8d: {  	v3 =	vmul.f32 v5, v3;
	_ =	sdelay $0x1  }
0x8e: {  	v4 =	vmul.f32 v3, v4;
	_ =	sdelay $0x1  }
0x8f: {  	v4 =	vmul.f32 v4, v3;
	_ =	sdelay $0x1  }
0x90: {  	v4 =	vsub.f32 $1.500000000e+00, v4  }
.Ltmp3:
0x91: {  	(pc) =	sbr.rel @p1 .LBB2_8-.Ltmp3, $4  }
0x92: {  	v3 =	vmul.f32 v4, v3  }
0x93: {  	vm0 =	vgt.f32 v2, $5.000000000e-01  }
0x94: {  	v2 =	vnsel vm0, $0x0, v3  }
0x95: {  	[tilespmem:s21+$0x7620] =	vst v2;
	s21 =	sshra.s32 s22, $0x2;
	s22 =	sadd.s32 $0x40, s22  }
0x96: {  	v2 =	vld [tilespmem:s21+$0x7620];
	_ =	sdelay $0x4  }
0x97: {  	v3 =	vshrl.u32 v2, $0x1;
	v4 =	vmul.f32 $5.000000000e-01, v2  }
0x98: {  	v3 =	vsub.s32 $0x5F3759DF, v3  }
0x99: {  	v5 =	vmul.f32 v3, v4;
	_ =	sdelay $0x1  }
0x9a: {  	v5 =	vmul.f32 v3, v5;
	_ =	sdelay $0x1  }
0x9b: {  	v5 =	vsub.f32 $1.500000000e+00, v5;
	_ =	sdelay $0x1  }
0x9c: {  	v3 =	vmul.f32 v3, v5;
	_ =	sdelay $0x1  }
0x9d: {  	v5 =	vmul.f32 v3, v4;
	_ =	sdelay $0x1  }
0x9e: {  	v5 =	vmul.f32 v5, v3;
	_ =	sdelay $0x1  }
0x9f: {  	v5 =	vsub.f32 $1.500000000e+00, v5;
	_ =	sdelay $0x1  }
0xa0: {  	v3 =	vmul.f32 v5, v3;
	_ =	sdelay $0x1  }
0xa1: {  	v4 =	vmul.f32 v3, v4;
	_ =	sdelay $0x1  }
0xa2: {  	v4 =	vmul.f32 v4, v3;
	_ =	sdelay $0x1  }
0xa3: {  	v4 =	vsub.f32 $1.500000000e+00, v4;
	_ =	sdelay $0x1  }
0xa4: {  	v3 =	vmul.f32 v4, v3  }
0xa5: {  	vm0 =	vgt.f32 v2, $5.000000000e-01  }
0xa6: {  	v2 =	vnsel vm0, $0x0, v3  }
0xa7: {  	[tilespmem:s21+$0x7620] =	vst v2  }
0xa8: {  	[hbm4b:s7+s2] =	stream.linear.scatter [tilespmem:s8], [sflag:$0x1], $0x140, $0x38;
	[tilespmem:$0x168A0] =	vst v63  }
0xa9: {  	_ =	swait.ge [sflag:s14], $0x140  }
0xaa: {  	s22 =	simm.s32 @p0 $0x80;
	[sflag:s14] =	ssyncset.done $0x0  }
0xab: {  	s23 =	simm.s32 @p0 $0xA0A0;
	s21 =	simm.s32 @p0 $0x40;
	[sflag:s14] =	ssyncadd.s32 $0xFFFFFEC0  }
0xac: {  	[tilespmem:s23], [sflag:$0x1] =	stream.strided.gather @p0 [hbm4b:s9+s21], $0x1400, s22, s21, $0x38;
	[tilespmem:$0x168A0] =	vst v63  }
0xad: {  	s23 =	simm.s32 @p0 $0x1  }
0xae: {  	_ =	swait.ge @p0 [sflag:s23], $0x1400  }
0xaf: {  	[sflag:s23] =	ssyncset.done @p0 $0x0  }
0xb0: {  	s24 =	simm.s32 @p0 $0xF0A0;
	[sflag:s23] =	ssyncadd.s32 @p0 $0xFFFFEC00  }
0xb1: {  	[tilespmem:s24], [sflag:$0x1] =	stream.strided.gather @p0 [hbm4b:s10+s21], $0x1400, s22, s21, $0x38;
	[tilespmem:$0x168A0] =	vst v63  }
0xb2: {  	_ =	swait.ge @p0 [sflag:s23], $0x1400  }
0xb3: {  	s21 =	simm.s32 @!p0 $0x40;
	[sflag:s23] =	ssyncset.done @p0 $0x0  }
0xb4: {  	s22 =	simm.s32 @!p0 $0x80;
	[sflag:s23] =	ssyncadd.s32 @p0 $0xFFFFEC00;
	s23 =	simm.s32 @!p0 $0xA0A0  }
0xb5: {  	[tilespmem:s23], [sflag:$0x1] =	stream.strided.gather @!p0 [hbm4b:s9+s21], $0x5000, s22, s21, $0x38;
	[tilespmem:$0x168A0] =	vst v63  }
0xb6: {  	s23 =	simm.s32 @!p0 $0x1  }
0xb7: {  	_ =	swait.ge @!p0 [sflag:s23], $0x5000  }
0xb8: {  	[sflag:s23] =	ssyncset.done @!p0 $0x0  }
0xb9: {  	s24 =	simm.s32 @!p0 $0xF0A0;
	[sflag:s23] =	ssyncadd.s32 @!p0 $0xFFFFB000  }
0xba: {  	v2 =	vmov s3;
	[tilespmem:s24], [sflag:$0x1] =	stream.strided.gather @!p0 [hbm4b:s10+s21], $0x5000, s22, s21, $0x38;
	[tilespmem:$0x168A0] =	vst v63  }
0xbb: {  	v2 =	vand.u32 $0xFFFFFFFE, v2;
	_ =	swait.ge @!p0 [sflag:s23], $0x5000  }
0xbc: {  	v2 =	vbroadcast v2, $0x0;
	[sflag:s23] =	ssyncset.done @!p0 $0x0  }
0xbd: {  	s21 =	simm.s32 $0x0;
	[sflag:s23] =	ssyncadd.s32 @!p0 $0xFFFFB000  }
0xbe: {  	v3 =	vld [tilespmem:s21+$0xA0C0]  }
0xbf: {  	v6 =	vld [tilespmem:s21+$0xF0D0]  }
0xc0: {  	v4 =	vld [tilespmem:s21+$0xA0B0]  }
0xc1: {  	v5 =	vld [tilespmem:s21+$0xA0A0]  }
0xc2: {  	v8 =	vld.idx.msk [tilespmem:v2+s19+$0x0], $0xffff  }
0xc3: {  	v7 =	vld [tilespmem:s21+$0xF0B0]  }
0xc4: {  	v9 =	vld [tilespmem:s21+$0xF0A0]  }
0xc5: {  	v10 =	vld [tilespmem:s21+$0xF0C0]  }
0xc6: {  	v11 =	vld [tilespmem:s21+$0xA0D0];
	_ =	sdelay $0x1  }
0xc7: {  	v2 =	vmul.f32 v5, v8;
	v7 =	vmul.f32 v7, v8  }
0xc8: {  	v9 =	vmul.f32 v9, v8;
	v5 =	vmul.f32 v4, v8  }
0xc9: {  	v4 =	vmul.f32 v3, v8;
	v3 =	vmul.f32 v10, v8;
	[tilespmem:s21+$0xF0B0] =	vst v7  }
0xca: {  	s22 =	smov.u32 s3;
	s23 =	simm.s32 $0x200;
	v6 =	vmul.f32 v6, v8;
	[tilespmem:s21+$0xF0A0] =	vst v9;
	v7 =	vmul.f32 v11, v8  }
.LBB2_10:
0xcb: {  	p1 =	sne.s32 s23, $0x13E00;
	[tilespmem:s21+$0xA0B0] =	vst v5;
	s24 =	sadd.s32 $0x1, s22;
	s22 =	sadd.s32 $0x2, s22  }
0xcc: {  	[tilespmem:s21+$0xA0D0] =	vst v7;
	v5 =	vmov s24;
	s24 =	smov.u32 s23;
	s23 =	sadd.s32 $0x200, s23  }
0xcd: {  	[tilespmem:s21+$0xF0D0] =	vst v6;
	v6 =	vld [tilespmem:s21+$0xF0F0]  }
0xce: {  	[tilespmem:s21+$0xA0A0] =	vst v2;
	v2 =	vld [tilespmem:s21+$0xF100]  }
0xcf: {  	[tilespmem:s21+$0xA0C0] =	vst v4;
	v4 =	vld [tilespmem:s21+$0xF110]  }
0xd0: {  	[tilespmem:s21+$0xF0C0] =	vst v3;
	v3 =	vld [tilespmem:s21+$0xA0E0]  }
0xd1: {  	v5 =	vld.idx.msk [tilespmem:v5+s19+$0x0], $0xffff  }
0xd2: {  	v7 =	vmov s22;
	v8 =	vld [tilespmem:s21+$0xA0F0]  }
0xd3: {  	v7 =	vand.u32 $0xFFFFFFFE, v7;
	v9 =	vld [tilespmem:s21+$0xA110]  }
0xd4: {  	v7 =	vbroadcast v7, $0x0;
	v10 =	vld [tilespmem:s21+$0xF0E0]  }
0xd5: {  	v11 =	vld [tilespmem:s21+$0xA100];
	_ =	sdelay $0x1  }
0xd6: {  	v3 =	vmul.f32 v3, v5;
	v4 =	vmul.f32 v4, v5  }
0xd7: {  	v2 =	vmul.f32 v2, v5;
	v8 =	vmul.f32 v8, v5  }
0xd8: {  	v9 =	vmul.f32 v9, v5;
	v10 =	vmul.f32 v10, v5;
	[tilespmem:s21+$0xF110] =	vst v4  }
0xd9: {  	s24 =	sshra.s32 s24, $0x2;
	[tilespmem:s21+$0xA0E0] =	vst v3;
	v3 =	vmul.f32 v6, v5;
	v4 =	vmul.f32 v11, v5  }
0xda: {  	v6 =	vld [tilespmem:s24+$0xA0C0];
	[tilespmem:s21+$0xF100] =	vst v2  }
0xdb: {  	[tilespmem:s21+$0xA0F0] =	vst v8  }
0xdc: {  	[tilespmem:s21+$0xF0F0] =	vst v3  }
0xdd: {  	v8 =	vld [tilespmem:s24+$0xF0D0];
	[tilespmem:s21+$0xA100] =	vst v4  }
0xde: {  	v3 =	vld [tilespmem:s24+$0xA0B0];
	[tilespmem:s21+$0xA110] =	vst v9  }
0xdf: {  	v2 =	vld [tilespmem:s24+$0xA0A0];
	[tilespmem:s21+$0xF0E0] =	vst v10;
	s21 =	smov.u32 s24  }
0xe0: {  	v9 =	vld.idx.msk [tilespmem:v7+s19+$0x0], $0xffff  }
0xe1: {  	v4 =	vld [tilespmem:s21+$0xF0B0]  }
0xe2: {  	v5 =	vld [tilespmem:s21+$0xF0A0]  }
0xe3: {  	v7 =	vld [tilespmem:s21+$0xF0C0]  }
0xe4: {  	v10 =	vld [tilespmem:s21+$0xA0D0]  }
.Ltmp4:
0xe5: {  	(pc) =	sbr.rel @p1 .LBB2_10-.Ltmp4, $4  }
0xe6: {  	v2 =	vmul.f32 v2, v9;
	v4 =	vmul.f32 v4, v9  }
0xe7: {  	v11 =	vmul.f32 v5, v9;
	v5 =	vmul.f32 v3, v9  }
0xe8: {  	[tilespmem:s21+$0xF0B0] =	vst v4;
	v4 =	vmul.f32 v6, v9;
	v3 =	vmul.f32 v7, v9  }
0xe9: {  	v6 =	vmul.f32 v8, v9;
	[tilespmem:s21+$0xF0A0] =	vst v11;
	v7 =	vmul.f32 v10, v9  }
0xea: {  	[tilespmem:s21+$0xA0B0] =	vst v5;
	s22 =	sadd.s32 $0x1, s22  }
0xeb: {  	[tilespmem:s21+$0xA0A0] =	vst v2;
	v58 =	vmov s22  }
0xec: {  	[tilespmem:s21+$0xA0C0] =	vst v4  }
0xed: {  	[tilespmem:s21+$0xF0C0] =	vst v3  }
0xee: {  	[tilespmem:s21+$0xA0D0] =	vst v7  }
0xef: {  	v59 =	vld [tilespmem:s21+$0xF110];
	[tilespmem:s21+$0xF0D0] =	vst v6  }
0xf0: {  	v3 =	vld.idx.msk [tilespmem:v58+s19+$0x0], $0xffff  }
0xf1: {  	v60 =	vld [tilespmem:s21+$0xA0E0]  }
0xf2: {  	v2 =	vld [tilespmem:s21+$0xF100]  }
0xf3: {  	v61 =	vld [tilespmem:s21+$0xA0F0]  }
0xf4: {  	v57 =	vld [tilespmem:s21+$0xF0F0]  }
0xf5: {  	v8 =	vld [tilespmem:s21+$0xA110];
	v4 =	vmul.f32 v59, v3  }
0xf6: {  	v9 =	vld [tilespmem:s21+$0xA100];
	v6 =	vmul.f32 v60, v3  }
0xf7: {  	v10 =	vld [tilespmem:s21+$0xF0E0];
	v2 =	vmul.f32 v2, v3;
	[tilespmem:s21+$0xF110] =	vst v4  }
0xf8: {  	v62 =	vmul.f32 v61, v3;
	[tilespmem:s21+$0xA0E0] =	vst v6  }
0xf9: {  	v5 =	vmul.f32 v57, v3;
	[tilespmem:s21+$0xF100] =	vst v2  }
0xfa: {  	v63 =	vmul.f32 v8, v3;
	[tilespmem:s21+$0xA0F0] =	vst v62  }
0xfb: {  	v2 =	vmul.f32 v9, v3;
	[tilespmem:s21+$0xF0F0] =	vst v5  }
0xfc: {  	v3 =	vmul.f32 v10, v3;
	[tilespmem:s21+$0xA110] =	vst v63  }
0xfd: {  	[tilespmem:s21+$0xA100] =	vst v2  }
0xfe: {  	s22 =	simm.s32 @p0 $0xA0A0;
	[tilespmem:s21+$0xF0E0] =	vst v3;
	s21 =	simm.s32 @p0 $0x0  }
0xff: {  	[hbm4b:s11+s21] =	stream.linear.scatter @p0 [tilespmem:s22], [sflag:$0x1], $0x1400, $0x38;
	[tilespmem:$0x168A0] =	vst v63  }
0x100: {  	s22 =	simm.s32 @p0 $0x1  }
0x101: {  	_ =	swait.ge @p0 [sflag:s22], $0x1400  }
0x102: {  	[sflag:s22] =	ssyncset.done @p0 $0x0  }
0x103: {  	s23 =	simm.s32 @p0 $0xF0A0;
	[sflag:s22] =	ssyncadd.s32 @p0 $0xFFFFEC00  }
0x104: {  	[hbm4b:s12+s21] =	stream.linear.scatter @p0 [tilespmem:s23], [sflag:$0x1], $0x1400, $0x38;
	[tilespmem:$0x168A0] =	vst v63  }
0x105: {  	_ =	swait.ge @p0 [sflag:s22], $0x1400  }
0x106: {  	[sflag:s22] =	ssyncset.done @p0 $0x0  }
0x107: {  	s21 =	simm.s32 @!p0 $0x0;
	[sflag:s22] =	ssyncadd.s32 @p0 $0xFFFFEC00;
	s22 =	simm.s32 @!p0 $0xA0A0  }
0x108: {  	[hbm4b:s11+s21] =	stream.linear.scatter @!p0 [tilespmem:s22], [sflag:$0x1], $0x5000, $0x38;
	[tilespmem:$0x168A0] =	vst v63  }
0x109: {  	s22 =	simm.s32 @!p0 $0x1  }
0x10a: {  	s20 =	sadd.s32 $0x1, s20;
	_ =	swait.ge @!p0 [sflag:s22], $0x5000  }
0x10b: {  	p1 =	sne.s32 s20, s13;
	[sflag:s22] =	ssyncset.done @!p0 $0x0  }
.Ltmp5:
0x10c: {  	s23 =	simm.s32 @!p0 $0xF0A0;
	[sflag:s22] =	ssyncadd.s32 @!p0 $0xFFFFB000;
	(pc) =	sbr.rel @p1 .LBB2_1-.Ltmp5, $4  }
0x10d: {  	[hbm4b:s12+s21] =	stream.linear.scatter @!p0 [tilespmem:s23], [sflag:$0x1], $0x5000, $0x38;
	[tilespmem:$0x168A0] =	vst v63  }
0x10e: {  	_ =	swait.ge @!p0 [sflag:s22], $0x5000  }
0x10f: {  	[sflag:s22] =	ssyncset.done @!p0 $0x0  }
0x110: {  	[sflag:s22] =	ssyncadd.s32 @!p0 $0xFFFFB000  }
0x111: {  	_ =	sfence.sel $0x180000  }
0x112: {  	[bflag:$0x0] =	sbarrier.arrive $0xFFFF  }
0x113: {  	p0 =	sne.s32 s0, $0x0;
	_ =	strace $0x90000047  }
0x114: {  	s0 =	sadd.s32 @!p0 $0x100000, s1;
	[bflag:$0x2] =	sbarrier.arrive $0xFFFF  }
0x115: {  	[sflag:s0] =	ssyncadd.tile.s32 @!p0 $0x1;
	_ =	shalt  }
.Lfunc_end2:
_tile_overlayer_lowered:
.L_overlay_start_2:
0x116: {  	(tag) =	ssettag $0x2  }
0x117: {  	s0 =	rddreg [dreg:$0x0];
	s2 =	stileid.u32  }
0x118: {  	s1 =	rddreg [dreg:$0x1];
	p0 =	sne.s32 s2, $0x0  }
0x119: {  	s3 =	rddreg [dreg:$0x2];
	[bflag:$0x3] =	sbarrier.arrive $0xFFFF;
	s2 =	simm.s32 @!p0 $0x1C01  }
0x11a: {  	[timem:s3], [sflag:s2] =	dma.local @!p0 [hbm:s0], s1  }
0x11b: {  	s0 =	simm.s32 @!p0 $0x1  }
0x11c: {  	_ =	swait.ge @!p0 [sflag:s0], s1  }
0x11d: {  	s1 =	ssub.s32 @!p0 $0x0, s1;
	[sflag:s0] =	ssyncset.done @!p0 $0x0  }
0x11e: {  	[sflag:s0] =	ssyncadd.s32 @!p0 s1  }
0x11f: {  	[bflag:$0x3] =	sbarrier.arrive $0xFFFF  }
0x120: {  	_ =	shalt  }

// kernel: kernel.8.cloned.1.call-start
scs
__scs_entry_jumppad:
0x0: {  	(pc) =	sbr.rel $0x88, $3  }
0x1: {  	(tag) =	ssettag $0x0;
	lr =	simm.s32 $0x1  }
0x2: {  	[smem:$0x3F9D] =	sst lr;
	_ =	strace $0xD0000000  }
0x3: {  	_ = 	snop  }
0x4: {  	_ = 	snop  }
0x5: {  	_ = 	snop  }
0x6: {  	_ = 	snop  }
0x7: {  	_ = 	snop  }
__scs_overlays_trampoline_lowered:
0x8: {  	[smem:$0x3FAC] =	sst s0  }
0x9: {  	[smem:$0x3FAD] =	sst s1  }
0xa: {  	[smem:$0x3FAE] =	sst s2  }
0xb: {  	[smem:$0x3FAF] =	sst s3  }
0xc: {  	[smem:$0x3FB0] =	sst s4  }
0xd: {  	[smem:$0x3FB1] =	sst s5  }
0xe: {  	[smem:$0x3FB2] =	sst s6  }
0xf: {  	[smem:$0x3FB3] =	sst s7  }
0x10: {  	[smem:$0x3FB4] =	sst s8  }
0x11: {  	[smem:$0x3FB5] =	sst s9;
	s0 =	simm.s32 @!p0 $0x0  }
0x12: {  	s1 =	sld [smem:$0x3F9B];
	s0 =	simm.s32 @p0 $0x1  }
0x13: {  	[smem:$0x3FB6] =	sst s0;
	s0 =	simm.s32 @!p1 $0x0  }
0x14: {  	s2 =	sld [smem:$0x3F9A];
	s0 =	simm.s32 @p1 $0x1  }
0x15: {  	[smem:$0x3FB7] =	sst s0;
	s0 =	simm.s32 @!p2 $0x0  }
0x16: {  	s3 =	sld [smem:$0x3FDB];
	s0 =	simm.s32 @p2 $0x1  }
0x17: {  	s4 =	simm.s32 $0x1BF5;
	[smem:$0x3FB9] =	sst s0  }
0x18: {  	s0 =	sld [smem:$0x3F9C];
	_ =	swait.ge [sflag:s4], $0x0  }
0x19: {  	s7 =	sld [smem:$0x3F9D]  }
0x1a: {  	s8 =	sadd.s32 $0xFFFFE003, lr  }
0x1b: {  	s9 =	sadd.s32 $0xFFFFFEF7, lr;
	s5 =	simm.s32 $0xFFFFFFFF;
	p2 =	slt.u32 s8, $0xFFFFF086  }
0x1c: {  	p1 =	slt.u32 s9, $0xF7A;
	s5 =	simm.s32 @!p2 $0x0  }
0x1d: {  	s5 =	simm.s32 @p1 $0x1;
	p0 =	seq.s32 s7, s2  }
0x1e: {  	s7 =	smul.u32 @!p0 $0xF7A, s2;
	p2 =	seq.s32 @!p0 s5, $0x0  }
0x1f: {  	s9 =	smul.u32 $0xF7A, s1;
	s8 =	simm.s32 @!p0 $0x1BF5;
	p2 =	por !p2, p0  }
0x20: {  	[sflag:s8] =	ssyncset.s32 @!p0 $0xFFFFF086;
	s6 =	sadd.s32 @!p0 s3, s7;
	s7 =	simm.s32 @!p0 $0x108  }
0x21: {  	s3 =	sadd.s32 s3, s9;
	s6 =	sadd.s32 @!p0 $0x88, s6;
	s7 =	simm.s32 @p2 $0x1082  }
0x22: {  	[simem:s7], [sflag:s8] =	dma.local @!p0 [hbm:s6], $0xF7A  }
0x23: {  	s9 =	sor.u32 $0xD0000000, s2;
	s6 =	simm.s32 $0x108;
	_ =	swait.ge @!p0 [sflag:s8], $0x0  }
0x24: {  	s3 =	sadd.s32 $0x88, s3;
	s6 =	simm.s32 @!p1 $0x1082;
	[sflag:s4] =	ssyncset.s32 $0xFFFFF086  }
0x25: {  	[simem:s6], [sflag:s4] =	dma.local [hbm:s3], $0xF7A  }
0x26: {  	[smem:$0x3F9D] =	sst s1;
	(tag) =	ssettag s2;
	_ =	strace s9  }
0x27: {  	s1 =	sld [smem:$0x3FAD]  }
0x28: {  	s2 =	sld [smem:$0x3FAE]  }
0x29: {  	s4 =	sld [smem:$0x3FB0]  }
0x2a: {  	p0 =	seq.s32 s5, $0x0;
	s5 =	sld [smem:$0x3FB1]  }
0x2b: {  	s6 =	sld [smem:$0x3FB2]  }
0x2c: {  	s7 =	sld [smem:$0x3FB3]  }
0x2d: {  	s3 =	simm.s32 $0x108;
	s8 =	sld [smem:$0x3FB4]  }
0x2e: {  	s3 =	simm.s32 @!p0 $0x1082;
	s9 =	sld [smem:$0x3FB5]  }
0x2f: {  	lr =	sadd.s32 s0, s3;
	s0 =	sld [smem:$0x3FAC]  }
0x30: {  	s3 =	sld [smem:$0x3FAF]  }
0x31: {  	[smem:$0x3FB8] =	sst s10  }
0x32: {  	s10 =	sld [smem:$0x3FB6];
	_ =	sdelay $0x3  }
0x33: {  	p0 =	seq.s32 s10, $0x1;
	s10 =	sld [smem:$0x3FB8];
	_ =	sdelay $0x3  }
0x34: {  	[smem:$0x3FB8] =	sst s10  }
0x35: {  	s10 =	sld [smem:$0x3FB7];
	_ =	sdelay $0x3  }
0x36: {  	p1 =	seq.s32 s10, $0x1;
	s10 =	sld [smem:$0x3FB8];
	_ =	sdelay $0x3  }
0x37: {  	[smem:$0x3FB8] =	sst s10  }
0x38: {  	s10 =	sld [smem:$0x3FB9]  }
0x39: {  	_ = 	snop;
	(pc) =	sbr.ind lr, $3  }
0x3a: {  	_ = 	snop  }
0x3b: {  	_ = 	snop  }
0x3c: {  	p2 =	seq.s32 s10, $0x1;
	s10 =	sld [smem:$0x3FB8]  }
0x3d: {  	_ =	shalt  }
0x3e: {  	_ =	shalt  }
0x3f: {  	_ =	shalt  }
0x40: {  	_ =	shalt  }
0x41: {  	_ =	shalt  }
0x42: {  	_ =	shalt  }
0x43: {  	_ =	shalt  }
0x44: {  	_ =	shalt  }
0x45: {  	_ =	shalt  }
0x46: {  	_ =	shalt  }
0x47: {  	_ =	shalt  }
0x48: {  	_ =	shalt  }
0x49: {  	_ =	shalt  }
0x4a: {  	_ =	shalt  }
0x4b: {  	_ =	shalt  }
0x4c: {  	_ =	shalt  }
0x4d: {  	_ =	shalt  }
0x4e: {  	_ =	shalt  }
0x4f: {  	_ =	shalt  }
0x50: {  	_ =	shalt  }
0x51: {  	_ =	shalt  }
0x52: {  	_ =	shalt  }
0x53: {  	_ =	shalt  }
0x54: {  	_ =	shalt  }
0x55: {  	_ =	shalt  }
0x56: {  	_ =	shalt  }
0x57: {  	_ =	shalt  }
0x58: {  	_ =	shalt  }
0x59: {  	_ =	shalt  }
0x5a: {  	_ =	shalt  }
0x5b: {  	_ =	shalt  }
0x5c: {  	_ =	shalt  }
0x5d: {  	_ =	shalt  }
0x5e: {  	_ =	shalt  }
0x5f: {  	_ =	shalt  }
0x60: {  	_ =	shalt  }
0x61: {  	_ =	shalt  }
0x62: {  	_ =	shalt  }
0x63: {  	_ =	shalt  }
0x64: {  	_ =	shalt  }
0x65: {  	_ =	shalt  }
0x66: {  	_ =	shalt  }
0x67: {  	_ =	shalt  }
0x68: {  	_ =	shalt  }
0x69: {  	_ =	shalt  }
0x6a: {  	_ =	shalt  }
0x6b: {  	_ =	shalt  }
0x6c: {  	_ =	shalt  }
0x6d: {  	_ =	shalt  }
0x6e: {  	_ =	shalt  }
0x6f: {  	_ =	shalt  }
0x70: {  	_ =	shalt  }
0x71: {  	_ =	shalt  }
0x72: {  	_ =	shalt  }
0x73: {  	_ =	shalt  }
0x74: {  	_ =	shalt  }
0x75: {  	_ =	shalt  }
0x76: {  	_ =	shalt  }
0x77: {  	_ =	shalt  }
0x78: {  	_ =	shalt  }
0x79: {  	_ =	shalt  }
0x7a: {  	_ =	shalt  }
0x7b: {  	_ =	shalt  }
0x7c: {  	_ =	shalt  }
0x7d: {  	_ =	shalt  }
0x7e: {  	_ =	shalt  }
0x7f: {  	_ =	shalt  }
0x80: {  	_ =	shalt  }
0x81: {  	_ =	shalt  }
0x82: {  	_ =	shalt  }
0x83: {  	_ =	shalt  }
0x84: {  	_ =	shalt  }
0x85: {  	_ =	shalt  }
0x86: {  	_ =	shalt  }
0x87: {  	_ =	shalt  }
.Lfunc_end0:
.L_simem_size_0:
called_computation.1_lowered:
.L_overlay_start_0:
0x88: {  	s2 =	sld [smem:$0x3FD9]  }
0x89: {  	s3 =	sld [smem:$0x3FFE];
	_ =	sdelay $0x1  }
0x8a: {  	s1 =	srdreg.scid  }
0x8b: {  	s0 =	sand.u32 $0x1, s1  }
0x8c: {  	s17 =	sshll.u32 s0, $0xA;
	s2 =	sadd.s32 s3, s2  }
0x8d: {  	s2 =	sadd.s32 s2, s17  }
0x8e: {  	[smem:$0x3FC4] =	sst s2  }
0x8f: {  	_ = 	snop  }
0x90: {  	s2 =	sld [smem:$0x3FD0];
	(tm) =	ssettm $0x1  }
0x91: {  	s18 =	sld [smem:$0x3FFB];
	_ =	sdelay $0x3  }
0x92: {  	_ =	strace s18  }
0x93: {  	s3 =	sld [smem:$0x3FFC];
	_ =	sdelay $0x3  }
0x94: {  	_ =	strace s3  }
0x95: {  	s3 =	sld [smem:$0x3FFD];
	_ =	sdelay $0x3  }
0x96: {  	_ =	strace s3  }
0x97: {  	_ =	strace $0x8FFFFFFF  }
0x98: {  	s19 =	sld [smem:$0x3FDB];
	_ =	sdelay $0x1  }
0x99: {  	s4 =	simm.s32 $_scs_section_size  }
0x9a: {  	s5 =	simm.s32 $_size__tile_overlayer_lowered;
	s6 =	simm.s32 $_tile_overlayer_lowered  }
0x9b: {  	s22 =	simm.s32 $0x1BFF;
	s21 =	sshll.u32 s6, $0x1;
	s3 =	sadd.s32 s4, s19  }
0x9c: {  	s7 =	simm.s32 $0x0;
	s20 =	sshll.u32 s5, $0x1;
	s5 =	sadd.s32 s21, s3  }
0x9d: {  	[timem:s7], [sflag:s22] =	dma.local [hbm:s5], s20  }
0x9e: {  	_ =	swait.ge [sflag:s22], s20  }
0x9f: {  	s4 =	ssub.s32 $0x0, s20;
	[sflag:s22] =	ssyncset.done $0x0  }
0xa0: {  	[sflag:s22] =	ssyncadd.s32 s4;
	_ =	sdelay $0x1  }
0xa1: {  	s23 =	simm.s32 $0x1B8B  }
0xa2: {  	_ =	swait.ge [sflag:s23], $0x1  }
0xa3: {  	[sflag:s23] =	ssyncset.done $0x0  }
0xa4: {  	s25 =	simm.s32 $0x1B8E;
	s24 =	sld [smem:$0x3FFE];
	[sflag:s23] =	ssyncadd.s32 $0xFFFFFFFF  }
0xa5: {  	s26 =	simm.s32 $execute0_lowered;
	[smem:$0x3FD2] =	sst s25  }
0xa6: {  	s5 =	sshll.u32 s26, $0x1;
	_ =	strace $0x80000049;
	[dreg:$0x1] =	wrdreg $0xFFFFFFFF  }
0xa7: {  	s28 =	simm.s32 $_size_execute0_lowered;
	s3 =	sadd.s32 s3, s5;
	[dreg:$0x0] =	wrdreg $0x0  }
0xa8: {  	s5 =	sshll.u32 s28, $0x1;
	[dreg:$0x2] =	wrdreg s3  }
0xa9: {  	[dreg:$0x3] =	wrdreg s5  }
0xaa: {  	[dreg:$0x4] =	wrdreg $0xC0  }
0xab: {  	_ =	task [dreg:s7], $0x5FFFF  }
0xac: {  	[dreg:$0x1] =	wrdreg $0xFFFFFFFF  }
0xad: {  	[dreg:$0x0] =	wrdreg $0x60  }
0xae: {  	[dreg:$0x2] =	wrdreg s2  }
0xaf: {  	[dreg:$0x3] =	wrdreg s24  }
0xb0: {  	[dreg:$0x4] =	wrdreg $0xCF000  }
0xb1: {  	[dreg:$0x5] =	wrdreg $0x9  }
0xb2: {  	_ =	task.clear_ibuf [dreg:s7], $0x6FFFF;
	_ =	strace $0x90000049  }
0xb3: {  	s29 =	simm.s32 $0x9;
	_ =	strace $0x8000004B  }
0xb4: {  	_ =	swait.ge [sflag:s29], $0x1  }
0xb5: {  	[sflag:s29] =	ssyncadd.s32 $0xFFFFFFFF  }
0xb6: {  	_ =	strace $0x9000004B  }
0xb7: {  	_ =	sfence  }
0xb8: {  	s30 =	sld [smem:$0x0];
	_ =	sdelay $0x2  }
0xb9: {  	s31 =	sshll.u32 s1, $0xD;
	s1 =	sshrl.u32 s1, $0x2  }
0xba: {  	s3 =	sand.u32 $0x4000, s31;
	s1 =	sadd.s32 s1, s30  }
0xbb: {  	s0 =	sor.u32 s3, s0;
	s1 =	sshll.u32 s1, $0x11  }
0xbc: {  	s0 =	sor.u32 s1, s0  }
0xbd: {  	s0 =	sadd.s32 $0x8F2B, s0  }
0xbe: {  	[sflag:s0] =	ssyncadd.remote.s32 $0x1  }
0xbf: {  	_ =	sfence.sel $0xFFFF  }
0xc0: {  	[dreg:$0x0] =	wrdreg $0xFFFFFFFF;
	(pc) =	sbr.abs _section_cstart, $3  }
0xc1: {  	[dreg:$0x1] =	wrdreg $0xFFFFFFFF  }
0xc2: {  	_ =	task.clear_ibuf [dreg:s7], $0x2FFFF;
	_ =	strace $0x9FFFFFFF  }
0xc3: {  	(tm) =	ssettm $0x7FFFFFFF  }
tec
execute0_lowered:
.L_overlay_start_1:
0x0: {  	(tag) =	ssettag $0x1  }
0x1: {  	s1 =	rddreg [dreg:$0x0]  }
0x2: {  	s0 =	srdreg.scid;
	s4 =	rddreg [dreg:$0x1]  }
0x3: {  	s18 =	stileid.u32;
	s3 =	rddreg [dreg:$0x2];
	s6 =	simm.s32 $0x0  }
0x4: {  	s28 =	simm.s32 $0x5;
	s30 =	simm.s32 $0x80;
	s31 =	simm.s32 $0x6F00  }
0x5: {  	s29 =	simm.s32 $0x8F00;
	s0 =	sand.u32 $0x1, s0;
	s2 =	sshll.u32 s18, $0x1  }
0x6: {  	[smem:$0x7FF] =	sst s6;
	s9 =	smul.u32 $0x280, s18;
	s11 =	sadd.s32 $0x33000, s4  }
0x7: {  	s8 =	smul.u32 $0x28000, s18;
	p0 =	sgt.u32 s18, $0x1;
	s2 =	sor.u32 s0, s2  }
0x8: {  	_ =	strace $0x8000004A;
	s17 =	ssub.s32 $0x2, s0;
	s0 =	smul.u32 $0x140000, s0  }
0x9: {  	s5 =	smul.u32 $0x4E, s2;
	s2 =	smin.u32 s2, $0x4;
	s7 =	sshrl.u32 s17, $0x1  }
0xa: {  	s13 =	sadd.s32 $0x80, s9;
	s14 =	sadd.s32 $0x100, s9;
	s19 =	sshrl.u32 s8, $0x2  }
0xb: {  	s15 =	sadd.s32 $0x180, s9;
	s16 =	sadd.s32 $0x200, s9;
	s12 =	ssub.s32 s17, s7  }
0xc: {  	s20 =	sshll.u32 s13, $0x6;
	s21 =	sshll.u32 s14, $0x6;
	s6 =	sadd.s32 s19, s3  }
0xd: {  	s22 =	sshll.u32 s15, $0x6;
	s10 =	sshll.u32 s16, $0x6;
	s17 =	smul.u32 $0x14000, s18  }
0xe: {  	s13 =	sshll.u32 s13, $0x7;
	s14 =	sshll.u32 s14, $0x7;
	s15 =	sshll.u32 s15, $0x7  }
0xf: {  	s16 =	sshll.u32 s16, $0x7;
	s2 =	sadd.s32 s2, s5;
	s5 =	sadd.s32 $0xB600, s4  }
0x10: {  	s7 =	sadd.s32 s20, s3;
	s8 =	sadd.s32 s21, s3;
	s13 =	sadd.s32 s0, s13  }
0x11: {  	s9 =	sadd.s32 s22, s3;
	s14 =	sadd.s32 s0, s14;
	s13 =	sshrl.u32 s13, $0x3  }
0x12: {  	s2 =	sshll.u32 s2, $0x4;
	s14 =	sshrl.u32 s14, $0x3;
	s25 =	sadd.s32 s11, s13  }
0x13: {  	s2 =	sadd.s32 s2, s4;
	s26 =	sadd.s32 s11, s14;
	[dreg:$0x7] =	wrdreg s25  }
0x14: {  	s17 =	sadd.s32 s17, s0;
	s19 =	sadd.s32 $0x29240, s2;
	[dreg:$0x8] =	wrdreg s26  }
0x15: {  	s17 =	sshrl.u32 s17, $0x3;
	s23 =	sadd.s32 $0x1F600, s2;
	[dreg:$0x4] =	wrdreg s19  }
0x16: {  	s4 =	sadd.s32 $0x33008, s4;
	s24 =	sadd.s32 s11, s17;
	[dreg:$0x5] =	wrdreg s23  }
0x17: {  	s10 =	sadd.s32 s10, s3;
	s20 =	sadd.s32 s17, s4;
	[dreg:$0x6] =	wrdreg s24  }
0x18: {  	s15 =	sadd.s32 s0, s15;
	s21 =	sadd.s32 s13, s4;
	[dreg:$0xb] =	wrdreg s20  }
0x19: {  	s0 =	sadd.s32 s0, s16;
	s22 =	sadd.s32 s14, s4;
	[dreg:$0xc] =	wrdreg s21  }
0x1a: {  	s15 =	sshrl.u32 s15, $0x3;
	s25 =	sadd.s32 $0x1FAE0, s2;
	[dreg:$0xd] =	wrdreg s22  }
0x1b: {  	s0 =	sshrl.u32 s0, $0x3;
	s26 =	smax.u32 s12, $0x1;
	[dreg:$0x11] =	wrdreg s25  }
0x1c: {  	s12 =	simm.s32 $0x2;
	s19 =	sadd.s32 s11, s15;
	[dreg:$0x12] =	wrdreg s26  }
0x1d: {  	s13 =	simm.s32 $0x3;
	s11 =	sadd.s32 s11, s0;
	[dreg:$0x9] =	wrdreg s19  }
0x1e: {  	s14 =	simm.s32 $0x4;
	s23 =	sadd.s32 s15, s4;
	[dreg:$0xa] =	wrdreg s11  }
0x1f: {  	s0 =	sadd.s32 s0, s4;
	s24 =	sadd.s32 $0x29720, s2;
	[dreg:$0xe] =	wrdreg s23  }
0x20: {  	s26 =	simm.s32 $0x4F00;
	s4 =	simm.s32 $0xAF00;
	[dreg:$0xf] =	wrdreg s0  }
0x21: {  	s22 =	simm.s32 $0x4E00;
	s2 =	simm.s32 $0x8;
	[dreg:$0x10] =	wrdreg s24  }
0x22: {  	v0 =	vimm.f32 $0.0e+00;
	s11 =	simm.s32 $0x1;
	s23 =	simm.s32 $0x10;
	s24 =	simm.s32 $0x0  }
.LBB2_1:
0x23: {  	s15 =	simm.s32 $0x100;
	s0 =	simm.s32 $0x0  }
.LBB2_2:
0x24: {  	p1 =	sne.s32 s15, $0x7F00;
	[tilespmem:s0+$0x4F30] =	vst v0;
	s16 =	smov.u32 s15;
	s15 =	sadd.s32 $0x100, s15  }
.Ltmp0:
0x25: {  	[tilespmem:s0+$0x4F20] =	vst v0;
	(pc) =	sbr.rel @p1 .LBB2_2-.Ltmp0, $3  }
0x26: {  	[tilespmem:s0+$0x4F00] =	vst v0  }
0x27: {  	[tilespmem:s0+$0x4F10] =	vst v0;
	_ =	sdelay $0x1  }
0x28: {  	s0 =	sshra.s32 s16, $0x2  }
0x29: {  	[tilespmem:s0+$0x4F30] =	vst v0  }
0x2a: {  	[tilespmem:s0+$0x4F20] =	vst v0  }
0x2b: {  	[tilespmem:s0+$0x4F00] =	vst v0  }
0x2c: {  	[tilespmem:s0+$0x4F10] =	vst v0  }
0x2d: {  	[spmem:s6] =	stream.linear.scatter [tilespmem:s26], [sflag:$0x5], $0x2000, $0x38;
	[tilespmem:$0x16F00] =	vst v63  }
0x2e: {  	_ =	swait.ge [sflag:s28], $0x2000  }
0x2f: {  	[sflag:s28] =	ssyncset.done $0x0  }
0x30: {  	[sflag:s28] =	ssyncadd.s32 $0xFFFFE000  }
0x31: {  	[spmem:s7] =	stream.linear.scatter [tilespmem:s26], [sflag:$0x5], $0x2000, $0x38;
	[tilespmem:$0x16F00] =	vst v63  }
0x32: {  	_ =	swait.ge [sflag:s28], $0x2000  }
0x33: {  	[sflag:s28] =	ssyncset.done $0x0  }
0x34: {  	[sflag:s28] =	ssyncadd.s32 $0xFFFFE000  }
0x35: {  	[spmem:s8] =	stream.linear.scatter [tilespmem:s26], [sflag:$0x5], $0x2000, $0x38;
	[tilespmem:$0x16F00] =	vst v63  }
0x36: {  	_ =	swait.ge [sflag:s28], $0x2000  }
0x37: {  	[sflag:s28] =	ssyncset.done $0x0  }
0x38: {  	[sflag:s28] =	ssyncadd.s32 $0xFFFFE000  }
0x39: {  	[spmem:s9] =	stream.linear.scatter [tilespmem:s26], [sflag:$0x5], $0x2000, $0x38;
	[tilespmem:$0x16F00] =	vst v63  }
0x3a: {  	_ =	swait.ge [sflag:s28], $0x2000  }
0x3b: {  	[sflag:s28] =	ssyncset.done $0x0  }
0x3c: {  	[sflag:s28] =	ssyncadd.s32 $0xFFFFE000  }
0x3d: {  	[spmem:s10] =	stream.linear.scatter [tilespmem:s26], [sflag:$0x5], $0x2000, $0x38;
	[tilespmem:$0x16F00] =	vst v63  }
0x3e: {  	_ =	swait.ge [sflag:s28], $0x2000  }
0x3f: {  	[sflag:s28] =	ssyncset.done $0x0  }
0x40: {  	s19 =	simm.s32 $0x0;
	s15 =	rddreg [dreg:$0x4];
	[sflag:s28] =	ssyncadd.s32 $0xFFFFE000  }
0x41: {  	[tilespmem:s19], [sflag:$0x5] =	stream.linear.gather [hbm4b:s15+s19], $0x2700, $0x38;
	[tilespmem:$0x16F00] =	vst v63  }
0x42: {  	_ =	swait.ge [sflag:s28], $0x2700  }
0x43: {  	[sflag:s28] =	ssyncset.done $0x0  }
0x44: {  	s16 =	simm.s32 $0x2780;
	s20 =	rddreg [dreg:$0x5];
	[sflag:s28] =	ssyncadd.s32 $0xFFFFD900  }
0x45: {  	[tilespmem:s16], [sflag:$0x5] =	stream.linear.gather [hbm4b:s20+s19], $0x2700, $0x38;
	[tilespmem:$0x16F00] =	vst v63  }
0x46: {  	_ =	swait.ge [sflag:s28], $0x2700  }
0x47: {  	s0 =	simm.s32 @!p0 $0x0;
	[sflag:s28] =	ssyncset.done $0x0  }
0x48: {  	s15 =	simm.s32 @!p0 $0x2700;
	s16 =	rddreg [dreg:$0x10];
	[sflag:s28] =	ssyncadd.s32 $0xFFFFD900  }
0x49: {  	[tilespmem:s15], [sflag:$0x5] =	stream.linear.gather @!p0 [hbm4b:s16+s0], $0x80, $0x38;
	[tilespmem:$0x16F00] =	vst v63  }
0x4a: {  	s15 =	simm.s32 @!p0 $0x5  }
0x4b: {  	_ =	swait.ge @!p0 [sflag:s15], $0x80  }
0x4c: {  	[sflag:s15] =	ssyncset.done @!p0 $0x0  }
0x4d: {  	s16 =	simm.s32 @!p0 $0x4E80;
	s17 =	rddreg [dreg:$0x11];
	[sflag:s15] =	ssyncadd.s32 @!p0 $0xFFFFFF80  }
0x4e: {  	[tilespmem:s16], [sflag:$0x5] =	stream.linear.gather @!p0 [hbm4b:s17+s0], $0x80, $0x38;
	[tilespmem:$0x16F00] =	vst v63  }
0x4f: {  	_ =	swait.ge @!p0 [sflag:s15], $0x80  }
0x50: {  	[sflag:s15] =	ssyncset.done @!p0 $0x0  }
0x51: {  	[sflag:s15] =	ssyncadd.s32 @!p0 $0xFFFFFF80  }
0x52: {  	s21 =	simm.s32 $0x0;
	[bflag:$0x0] =	sbarrier.arrive $0xFFFF  }
0x53: {  	[tilespmem:s26], [sflag:$0x1] =	stream.indirect.gather [hbm4b:s1+s30], $0x40, s21, s30, $0xb8;
	[tilespmem:$0x16F00] =	vst v63  }
0x54: {  	_ = 	snop  }
0x55: {  	[tilespmem:s31], [sflag:$0x2] =	stream.indirect.gather [hbm4b:s1+s30], $0x40, s30, s30, $0xb8;
	[tilespmem:$0x16F00] =	vst v63  }
0x56: {  	s25 =	simm.s32 $0x100  }
0x57: {  	[tilespmem:s29], [sflag:$0x3] =	stream.indirect.gather [hbm4b:s1+s30], $0x40, s25, s30, $0xb8;
	[tilespmem:$0x16F00] =	vst v63  }
0x58: {  	s15 =	simm.s32 $0x180  }
0x59: {  	[tilespmem:s4], [sflag:$0x4] =	stream.indirect.gather [hbm4b:s1+s30], $0x40, s15, s30, $0xb8;
	[tilespmem:$0x16F00] =	vst v63  }
0x5a: {  	_ =	swait.ge [sflag:s11], $0x2000  }
0x5b: {  	[sflag:s11] =	ssyncset.done $0x0  }
0x5c: {  	s16 =	simm.s32 $0x2780;
	[sflag:s11] =	ssyncadd.s32 $0xFFFFE000  }
0x5d: {  	[spmem:s3] =	stream.indirect.scatter.add.f32 [tilespmem:s26], [sflag:$0x5], $0x40, s16, s30, $0xb8;
	[tilespmem:$0x16F00] =	vst v63  }
0x5e: {  	_ =	swait.ge [sflag:s28], $0x2000  }
0x5f: {  	[sflag:s28] =	ssyncset.done $0x0  }
0x60: {  	s17 =	simm.s32 $0x200;
	[sflag:s28] =	ssyncadd.s32 $0xFFFFE000  }
0x61: {  	[tilespmem:s26], [sflag:$0x1] =	stream.indirect.gather [hbm4b:s1+s30], $0x40, s17, s30, $0xb8;
	[tilespmem:$0x16F00] =	vst v63  }
0x62: {  	_ =	swait.ge [sflag:s12], $0x2000  }
0x63: {  	[sflag:s12] =	ssyncset.done $0x0  }
0x64: {  	s18 =	simm.s32 $0x2800;
	[sflag:s12] =	ssyncadd.s32 $0xFFFFE000  }
0x65: {  	[spmem:s3] =	stream.indirect.scatter.add.f32 [tilespmem:s31], [sflag:$0x5], $0x40, s18, s30, $0xb8;
	[tilespmem:$0x16F00] =	vst v63  }
0x66: {  	_ =	swait.ge [sflag:s28], $0x2000  }
0x67: {  	[sflag:s28] =	ssyncset.done $0x0  }
0x68: {  	s19 =	simm.s32 $0x280;
	[sflag:s28] =	ssyncadd.s32 $0xFFFFE000  }
0x69: {  	[tilespmem:s31], [sflag:$0x2] =	stream.indirect.gather [hbm4b:s1+s30], $0x40, s19, s30, $0xb8;
	[tilespmem:$0x16F00] =	vst v63  }
0x6a: {  	_ =	swait.ge [sflag:s13], $0x2000  }
0x6b: {  	[sflag:s13] =	ssyncset.done $0x0  }
0x6c: {  	s20 =	simm.s32 $0x2880;
	[sflag:s13] =	ssyncadd.s32 $0xFFFFE000  }
0x6d: {  	[spmem:s3] =	stream.indirect.scatter.add.f32 [tilespmem:s29], [sflag:$0x5], $0x40, s20, s30, $0xb8;
	[tilespmem:$0x16F00] =	vst v63  }
0x6e: {  	_ =	swait.ge [sflag:s28], $0x2000  }
0x6f: {  	[sflag:s28] =	ssyncset.done $0x0  }
0x70: {  	s21 =	simm.s32 $0x300;
	[sflag:s28] =	ssyncadd.s32 $0xFFFFE000  }
0x71: {  	[tilespmem:s29], [sflag:$0x3] =	stream.indirect.gather [hbm4b:s1+s30], $0x40, s21, s30, $0xb8;
	[tilespmem:$0x16F00] =	vst v63  }
0x72: {  	_ =	swait.ge [sflag:s14], $0x2000  }
0x73: {  	[sflag:s14] =	ssyncset.done $0x0  }
0x74: {  	s25 =	simm.s32 $0x2900;
	[sflag:s14] =	ssyncadd.s32 $0xFFFFE000  }
0x75: {  	[spmem:s3] =	stream.indirect.scatter.add.f32 [tilespmem:s4], [sflag:$0x5], $0x40, s25, s30, $0xb8;
	[tilespmem:$0x16F00] =	vst v63  }
0x76: {  	_ =	swait.ge [sflag:s28], $0x2000  }
0x77: {  	[sflag:s28] =	ssyncset.done $0x0  }
0x78: {  	s0 =	simm.s32 $0x800;
	s15 =	simm.s32 $0x380;
	[sflag:s28] =	ssyncadd.s32 $0xFFFFE000  }
.LBB2_4:
0x79: {  	[tilespmem:s4], [sflag:$0x4] =	stream.indirect.gather [hbm4b:s1+s30], $0x40, s15, s30, $0xb8;
	[tilespmem:$0x16F00] =	vst v63  }
0x7a: {  	s15 =	smov.u32 s0  }
0x7b: {  	p1 =	sne.s32 s0, $0x8800;
	s0 =	sadd.s32 $0x800, s0;
	_ =	swait.ge [sflag:s11], $0x2000  }
0x7c: {  	s15 =	sshra.s32 s15, $0x2;
	[sflag:s11] =	ssyncset.done $0x0  }
0x7d: {  	s16 =	sadd.s32 $0x2780, s15;
	[sflag:s11] =	ssyncadd.s32 $0xFFFFE000  }
0x7e: {  	[spmem:s3] =	stream.indirect.scatter.add.f32 [tilespmem:s26], [sflag:$0x5], $0x40, s16, s30, $0xb8;
	[tilespmem:$0x16F00] =	vst v63  }
0x7f: {  	_ =	swait.ge [sflag:s28], $0x2000  }
0x80: {  	[sflag:s28] =	ssyncset.done $0x0  }
0x81: {  	s16 =	sadd.s32 $0x200, s15;
	[sflag:s28] =	ssyncadd.s32 $0xFFFFE000  }
0x82: {  	[tilespmem:s26], [sflag:$0x1] =	stream.indirect.gather [hbm4b:s1+s30], $0x40, s16, s30, $0xb8;
	[tilespmem:$0x16F00] =	vst v63  }
0x83: {  	_ =	swait.ge [sflag:s12], $0x2000  }
0x84: {  	[sflag:s12] =	ssyncset.done $0x0  }
0x85: {  	s16 =	sadd.s32 $0x2800, s15;
	[sflag:s12] =	ssyncadd.s32 $0xFFFFE000  }
0x86: {  	[spmem:s3] =	stream.indirect.scatter.add.f32 [tilespmem:s31], [sflag:$0x5], $0x40, s16, s30, $0xb8;
	[tilespmem:$0x16F00] =	vst v63  }
0x87: {  	_ =	swait.ge [sflag:s28], $0x2000  }
0x88: {  	[sflag:s28] =	ssyncset.done $0x0  }
0x89: {  	s16 =	sadd.s32 $0x280, s15;
	[sflag:s28] =	ssyncadd.s32 $0xFFFFE000  }
0x8a: {  	[tilespmem:s31], [sflag:$0x2] =	stream.indirect.gather [hbm4b:s1+s30], $0x40, s16, s30, $0xb8;
	[tilespmem:$0x16F00] =	vst v63  }
0x8b: {  	_ =	swait.ge [sflag:s13], $0x2000  }
0x8c: {  	[sflag:s13] =	ssyncset.done $0x0  }
0x8d: {  	s16 =	sadd.s32 $0x2880, s15;
	[sflag:s13] =	ssyncadd.s32 $0xFFFFE000  }
0x8e: {  	[spmem:s3] =	stream.indirect.scatter.add.f32 [tilespmem:s29], [sflag:$0x5], $0x40, s16, s30, $0xb8;
	[tilespmem:$0x16F00] =	vst v63  }
0x8f: {  	_ =	swait.ge [sflag:s28], $0x2000  }
0x90: {  	[sflag:s28] =	ssyncset.done $0x0  }
0x91: {  	s16 =	sadd.s32 $0x300, s15;
	[sflag:s28] =	ssyncadd.s32 $0xFFFFE000  }
0x92: {  	[tilespmem:s29], [sflag:$0x3] =	stream.indirect.gather [hbm4b:s1+s30], $0x40, s16, s30, $0xb8;
	[tilespmem:$0x16F00] =	vst v63  }
0x93: {  	_ =	swait.ge [sflag:s14], $0x2000  }
0x94: {  	[sflag:s14] =	ssyncset.done $0x0  }
.Ltmp1:
0x95: {  	s16 =	sadd.s32 $0x2900, s15;
	[sflag:s14] =	ssyncadd.s32 $0xFFFFE000;
	(pc) =	sbr.rel @p1 .LBB2_4-.Ltmp1, $4  }
0x96: {  	[spmem:s3] =	stream.indirect.scatter.add.f32 [tilespmem:s4], [sflag:$0x5], $0x40, s16, s30, $0xb8;
	[tilespmem:$0x16F00] =	vst v63  }
0x97: {  	_ =	swait.ge [sflag:s28], $0x2000  }
0x98: {  	[sflag:s28] =	ssyncset.done $0x0  }
0x99: {  	s15 =	sadd.s32 $0x380, s15;
	[sflag:s28] =	ssyncadd.s32 $0xFFFFE000  }
0x9a: {  	[tilespmem:s4], [sflag:$0x4] =	stream.indirect.gather [hbm4b:s1+s30], $0x40, s15, s30, $0xb8;
	[tilespmem:$0x16F00] =	vst v63  }
0x9b: {  	_ =	swait.ge [sflag:s11], $0x2000  }
0x9c: {  	[sflag:s11] =	ssyncset.done $0x0  }
0x9d: {  	s0 =	simm.s32 $0x4B80;
	[sflag:s11] =	ssyncadd.s32 $0xFFFFE000  }
0x9e: {  	[spmem:s3] =	stream.indirect.scatter.add.f32 [tilespmem:s26], [sflag:$0x5], $0x40, s0, s30, $0xb8;
	[tilespmem:$0x16F00] =	vst v63  }
0x9f: {  	_ =	swait.ge [sflag:s28], $0x2000  }
0xa0: {  	[sflag:s28] =	ssyncset.done $0x0  }
0xa1: {  	s21 =	simm.s32 $0x2600;
	[sflag:s28] =	ssyncadd.s32 $0xFFFFE000  }
0xa2: {  	[tilespmem:s26], [sflag:$0x1] =	stream.indirect.gather [hbm4b:s1+s30], $0x40, s21, s30, $0xb8;
	[tilespmem:$0x16F00] =	vst v63  }
0xa3: {  	_ =	swait.ge [sflag:s12], $0x2000  }
0xa4: {  	[sflag:s12] =	ssyncset.done $0x0  }
0xa5: {  	s25 =	simm.s32 $0x4C00;
	[sflag:s12] =	ssyncadd.s32 $0xFFFFE000  }
0xa6: {  	[spmem:s3] =	stream.indirect.scatter.add.f32 [tilespmem:s31], [sflag:$0x5], $0x40, s25, s30, $0xb8;
	[tilespmem:$0x16F00] =	vst v63  }
0xa7: {  	_ =	swait.ge [sflag:s28], $0x2000  }
0xa8: {  	[sflag:s28] =	ssyncset.done $0x0  }
0xa9: {  	s15 =	simm.s32 $0x2680;
	[sflag:s28] =	ssyncadd.s32 $0xFFFFE000  }
0xaa: {  	[tilespmem:s31], [sflag:$0x2] =	stream.indirect.gather [hbm4b:s1+s30], $0x40, s15, s30, $0xb8;
	[tilespmem:$0x16F00] =	vst v63  }
0xab: {  	_ =	swait.ge [sflag:s13], $0x2000  }
0xac: {  	[sflag:s13] =	ssyncset.done $0x0  }
0xad: {  	s16 =	simm.s32 $0x4C80;
	[sflag:s13] =	ssyncadd.s32 $0xFFFFE000  }
0xae: {  	[spmem:s3] =	stream.indirect.scatter.add.f32 [tilespmem:s29], [sflag:$0x5], $0x40, s16, s30, $0xb8;
	[tilespmem:$0x16F00] =	vst v63  }
0xaf: {  	_ =	swait.ge [sflag:s28], $0x2000  }
0xb0: {  	[sflag:s28] =	ssyncset.done $0x0  }
0xb1: {  	[sflag:s28] =	ssyncadd.s32 $0xFFFFE000  }
0xb2: {  	_ =	swait.ge [sflag:s14], $0x2000  }
0xb3: {  	[sflag:s14] =	ssyncset.done $0x0  }
0xb4: {  	s17 =	simm.s32 $0x4D00;
	[sflag:s14] =	ssyncadd.s32 $0xFFFFE000  }
0xb5: {  	[spmem:s3] =	stream.indirect.scatter.add.f32 [tilespmem:s4], [sflag:$0x5], $0x40, s17, s30, $0xb8;
	[tilespmem:$0x16F00] =	vst v63  }
0xb6: {  	_ =	swait.ge [sflag:s28], $0x2000  }
0xb7: {  	[sflag:s28] =	ssyncset.done $0x0  }
0xb8: {  	[sflag:s28] =	ssyncadd.s32 $0xFFFFE000  }
0xb9: {  	_ =	swait.ge [sflag:s11], $0x2000  }
0xba: {  	[sflag:s11] =	ssyncset.done $0x0  }
0xbb: {  	s18 =	simm.s32 $0x4D80;
	[sflag:s11] =	ssyncadd.s32 $0xFFFFE000  }
0xbc: {  	[spmem:s3] =	stream.indirect.scatter.add.f32 [tilespmem:s26], [sflag:$0x5], $0x40, s18, s30, $0xb8;
	[tilespmem:$0x16F00] =	vst v63  }
0xbd: {  	_ =	swait.ge [sflag:s28], $0x2000  }
0xbe: {  	[sflag:s28] =	ssyncset.done $0x0  }
0xbf: {  	[sflag:s28] =	ssyncadd.s32 $0xFFFFE000  }
0xc0: {  	_ =	swait.ge [sflag:s12], $0x2000  }
0xc1: {  	[sflag:s12] =	ssyncset.done $0x0  }
0xc2: {  	[sflag:s12] =	ssyncadd.s32 $0xFFFFE000  }
0xc3: {  	[spmem:s3] =	stream.indirect.scatter.add.f32 [tilespmem:s31], [sflag:$0x5], $0x40, s22, s30, $0xb8;
	[tilespmem:$0x16F00] =	vst v63  }
0xc4: {  	_ =	swait.ge [sflag:s28], $0x2000  }
0xc5: {  	s0 =	simm.s32 @!p0 $0x80;
	[sflag:s28] =	ssyncset.done $0x0  }
0xc6: {  	s15 =	simm.s32 @!p0 $0x2700;
	s16 =	simm.s32 @!p0 $0x4F00;
	[sflag:s28] =	ssyncadd.s32 $0xFFFFE000  }
0xc7: {  	[tilespmem:s16], [sflag:$0x1] =	stream.indirect.gather @!p0 [hbm4b:s1+s0], $0x40, s15, s0, $0xb8;
	[tilespmem:$0x16F00] =	vst v63  }
0xc8: {  	s15 =	simm.s32 @!p0 $0x1  }
0xc9: {  	_ =	swait.ge @!p0 [sflag:s15], $0x2000  }
0xca: {  	[sflag:s15] =	ssyncset.done @!p0 $0x0  }
0xcb: {  	[sflag:s15] =	ssyncadd.s32 @!p0 $0xFFFFE000;
	s15 =	simm.s32 @!p0 $0x4E80  }
0xcc: {  	[spmem:s3] =	stream.indirect.scatter.add.f32 @!p0 [tilespmem:s16], [sflag:$0x5], $0x40, s15, s0, $0xb8;
	[tilespmem:$0x16F00] =	vst v63  }
0xcd: {  	s0 =	simm.s32 @!p0 $0x5  }
0xce: {  	_ =	swait.ge @!p0 [sflag:s0], $0x2000  }
0xcf: {  	[sflag:s0] =	ssyncset.done @!p0 $0x0  }
0xd0: {  	s19 =	stileid.u32;
	[sflag:s0] =	ssyncadd.s32 @!p0 $0xFFFFE000  }
0xd1: {  	s0 =	sshll.u32 s19, $0x6;
	[bflag:$0x0] =	sbarrier.arrive $0xFFFF  }
0xd2: {  	s25 =	sor.u32 $0x1C05, s0;
	s0 =	sshrl.u32 s6, $0x3;
	s20 =	rddreg [dreg:$0x6]  }
0xd3: {  	[hbm:s20@s23], [sflag:s25] =	dma.strided [spmem:s0@s2], $0x400, s11, $0x8   }
0xd4: {  	_ =	swait.ge [sflag:s28], $0x400  }
0xd5: {  	[sflag:s28] =	ssyncset.done $0x0  }
0xd6: {  	s15 =	sshrl.u32 s7, $0x3;
	s21 =	rddreg [dreg:$0x7];
	[sflag:s28] =	ssyncadd.s32 $0xFFFFFC00  }
0xd7: {  	[hbm:s21@s23], [sflag:s25] =	dma.strided [spmem:s15@s2], $0x400, s11, $0x8   }
0xd8: {  	_ =	swait.ge [sflag:s28], $0x400  }
0xd9: {  	[sflag:s28] =	ssyncset.done $0x0  }
0xda: {  	s16 =	sshrl.u32 s8, $0x3;
	s17 =	rddreg [dreg:$0x8];
	[sflag:s28] =	ssyncadd.s32 $0xFFFFFC00  }
0xdb: {  	[hbm:s17@s23], [sflag:s25] =	dma.strided [spmem:s16@s2], $0x400, s11, $0x8   }
0xdc: {  	_ =	swait.ge [sflag:s28], $0x400  }
0xdd: {  	[sflag:s28] =	ssyncset.done $0x0  }
0xde: {  	s17 =	sshrl.u32 s9, $0x3;
	s18 =	rddreg [dreg:$0x9];
	[sflag:s28] =	ssyncadd.s32 $0xFFFFFC00  }
0xdf: {  	[hbm:s18@s23], [sflag:s25] =	dma.strided [spmem:s17@s2], $0x400, s11, $0x8   }
0xe0: {  	_ =	swait.ge [sflag:s28], $0x400  }
0xe1: {  	[sflag:s28] =	ssyncset.done $0x0  }
0xe2: {  	s18 =	sshrl.u32 s10, $0x3;
	s19 =	rddreg [dreg:$0xa];
	[sflag:s28] =	ssyncadd.s32 $0xFFFFFC00  }
0xe3: {  	[hbm:s19@s23], [sflag:s25] =	dma.strided [spmem:s18@s2], $0x400, s11, $0x8   }
0xe4: {  	_ =	swait.ge [sflag:s28], $0x400  }
0xe5: {  	[sflag:s28] =	ssyncset.done $0x0  }
0xe6: {  	s20 =	simm.s32 $0x100;
	s19 =	simm.s32 $0x0;
	[sflag:s28] =	ssyncadd.s32 $0xFFFFFC00  }
.LBB2_6:
0xe7: {  	p1 =	sne.s32 s20, $0x7F00;
	[tilespmem:s19+$0x4F30] =	vst v0;
	s21 =	smov.u32 s20;
	s20 =	sadd.s32 $0x100, s20  }
.Ltmp2:
0xe8: {  	[tilespmem:s19+$0x4F20] =	vst v0;
	(pc) =	sbr.rel @p1 .LBB2_6-.Ltmp2, $3  }
0xe9: {  	[tilespmem:s19+$0x4F00] =	vst v0  }
0xea: {  	[tilespmem:s19+$0x4F10] =	vst v0;
	_ =	sdelay $0x1  }
0xeb: {  	s19 =	sshra.s32 s21, $0x2  }
0xec: {  	[tilespmem:s19+$0x4F30] =	vst v0  }
0xed: {  	[tilespmem:s19+$0x4F20] =	vst v0  }
0xee: {  	[tilespmem:s19+$0x4F00] =	vst v0  }
0xef: {  	[tilespmem:s19+$0x4F10] =	vst v0  }
0xf0: {  	[spmem:s6] =	stream.linear.scatter [tilespmem:s26], [sflag:$0x5], $0x2000, $0x38;
	[tilespmem:$0x16F00] =	vst v63  }
0xf1: {  	_ =	swait.ge [sflag:s28], $0x2000  }
0xf2: {  	[sflag:s28] =	ssyncset.done $0x0  }
0xf3: {  	[sflag:s28] =	ssyncadd.s32 $0xFFFFE000  }
0xf4: {  	[spmem:s7] =	stream.linear.scatter [tilespmem:s26], [sflag:$0x5], $0x2000, $0x38;
	[tilespmem:$0x16F00] =	vst v63  }
0xf5: {  	_ =	swait.ge [sflag:s28], $0x2000  }
0xf6: {  	[sflag:s28] =	ssyncset.done $0x0  }
0xf7: {  	[sflag:s28] =	ssyncadd.s32 $0xFFFFE000  }
0xf8: {  	[spmem:s8] =	stream.linear.scatter [tilespmem:s26], [sflag:$0x5], $0x2000, $0x38;
	[tilespmem:$0x16F00] =	vst v63  }
0xf9: {  	_ =	swait.ge [sflag:s28], $0x2000  }
0xfa: {  	[sflag:s28] =	ssyncset.done $0x0  }
0xfb: {  	[sflag:s28] =	ssyncadd.s32 $0xFFFFE000  }
0xfc: {  	[spmem:s9] =	stream.linear.scatter [tilespmem:s26], [sflag:$0x5], $0x2000, $0x38;
	[tilespmem:$0x16F00] =	vst v63  }
0xfd: {  	_ =	swait.ge [sflag:s28], $0x2000  }
0xfe: {  	[sflag:s28] =	ssyncset.done $0x0  }
0xff: {  	[sflag:s28] =	ssyncadd.s32 $0xFFFFE000  }
0x100: {  	[spmem:s10] =	stream.linear.scatter [tilespmem:s26], [sflag:$0x5], $0x2000, $0x38;
	[tilespmem:$0x16F00] =	vst v63  }
0x101: {  	_ =	swait.ge [sflag:s28], $0x2000  }
0x102: {  	[sflag:s28] =	ssyncset.done $0x0  }
0x103: {  	[sflag:s28] =	ssyncadd.s32 $0xFFFFE000  }
0x104: {  	s20 =	simm.s32 $0x0;
	[bflag:$0x0] =	sbarrier.arrive $0xFFFF  }
0x105: {  	[tilespmem:s26], [sflag:$0x1] =	stream.indirect.gather [hbm4b:s5+s30], $0x40, s20, s30, $0xb8;
	[tilespmem:$0x16F00] =	vst v63  }
0x106: {  	_ = 	snop  }
0x107: {  	[tilespmem:s31], [sflag:$0x2] =	stream.indirect.gather [hbm4b:s5+s30], $0x40, s30, s30, $0xb8;
	[tilespmem:$0x16F00] =	vst v63  }
0x108: {  	s21 =	simm.s32 $0x100  }
0x109: {  	[tilespmem:s29], [sflag:$0x3] =	stream.indirect.gather [hbm4b:s5+s30], $0x40, s21, s30, $0xb8;
	[tilespmem:$0x16F00] =	vst v63  }
0x10a: {  	s20 =	simm.s32 $0x180  }
0x10b: {  	[tilespmem:s4], [sflag:$0x4] =	stream.indirect.gather [hbm4b:s5+s30], $0x40, s20, s30, $0xb8;
	[tilespmem:$0x16F00] =	vst v63  }
0x10c: {  	_ =	swait.ge [sflag:s11], $0x2000  }
0x10d: {  	[sflag:s11] =	ssyncset.done $0x0  }
0x10e: {  	s21 =	simm.s32 $0x2780;
	[sflag:s11] =	ssyncadd.s32 $0xFFFFE000  }
0x10f: {  	[spmem:s3] =	stream.indirect.scatter.add.f32 [tilespmem:s26], [sflag:$0x5], $0x40, s21, s30, $0xb8;
	[tilespmem:$0x16F00] =	vst v63  }
0x110: {  	_ =	swait.ge [sflag:s28], $0x2000  }
0x111: {  	[sflag:s28] =	ssyncset.done $0x0  }
0x112: {  	s20 =	simm.s32 $0x200;
	[sflag:s28] =	ssyncadd.s32 $0xFFFFE000  }
0x113: {  	[tilespmem:s26], [sflag:$0x1] =	stream.indirect.gather [hbm4b:s5+s30], $0x40, s20, s30, $0xb8;
	[tilespmem:$0x16F00] =	vst v63  }
0x114: {  	_ =	swait.ge [sflag:s12], $0x2000  }
0x115: {  	[sflag:s12] =	ssyncset.done $0x0  }
0x116: {  	s21 =	simm.s32 $0x2800;
	[sflag:s12] =	ssyncadd.s32 $0xFFFFE000  }
0x117: {  	[spmem:s3] =	stream.indirect.scatter.add.f32 [tilespmem:s31], [sflag:$0x5], $0x40, s21, s30, $0xb8;
	[tilespmem:$0x16F00] =	vst v63  }
0x118: {  	_ =	swait.ge [sflag:s28], $0x2000  }
0x119: {  	[sflag:s28] =	ssyncset.done $0x0  }
0x11a: {  	s20 =	simm.s32 $0x280;
	[sflag:s28] =	ssyncadd.s32 $0xFFFFE000  }
0x11b: {  	[tilespmem:s31], [sflag:$0x2] =	stream.indirect.gather [hbm4b:s5+s30], $0x40, s20, s30, $0xb8;
	[tilespmem:$0x16F00] =	vst v63  }
0x11c: {  	_ =	swait.ge [sflag:s13], $0x2000  }
0x11d: {  	[sflag:s13] =	ssyncset.done $0x0  }
0x11e: {  	s21 =	simm.s32 $0x2880;
	[sflag:s13] =	ssyncadd.s32 $0xFFFFE000  }
0x11f: {  	[spmem:s3] =	stream.indirect.scatter.add.f32 [tilespmem:s29], [sflag:$0x5], $0x40, s21, s30, $0xb8;
	[tilespmem:$0x16F00] =	vst v63  }
0x120: {  	_ =	swait.ge [sflag:s28], $0x2000  }
0x121: {  	[sflag:s28] =	ssyncset.done $0x0  }
0x122: {  	s20 =	simm.s32 $0x300;
	[sflag:s28] =	ssyncadd.s32 $0xFFFFE000  }
0x123: {  	[tilespmem:s29], [sflag:$0x3] =	stream.indirect.gather [hbm4b:s5+s30], $0x40, s20, s30, $0xb8;
	[tilespmem:$0x16F00] =	vst v63  }
0x124: {  	_ =	swait.ge [sflag:s14], $0x2000  }
0x125: {  	[sflag:s14] =	ssyncset.done $0x0  }
0x126: {  	s21 =	simm.s32 $0x2900;
	[sflag:s14] =	ssyncadd.s32 $0xFFFFE000  }
0x127: {  	[spmem:s3] =	stream.indirect.scatter.add.f32 [tilespmem:s4], [sflag:$0x5], $0x40, s21, s30, $0xb8;
	[tilespmem:$0x16F00] =	vst v63  }
0x128: {  	_ =	swait.ge [sflag:s28], $0x2000  }
0x129: {  	[sflag:s28] =	ssyncset.done $0x0  }
0x12a: {  	s19 =	simm.s32 $0x800;
	s20 =	simm.s32 $0x380;
	[sflag:s28] =	ssyncadd.s32 $0xFFFFE000  }
.LBB2_8:
0x12b: {  	[tilespmem:s4], [sflag:$0x4] =	stream.indirect.gather [hbm4b:s5+s30], $0x40, s20, s30, $0xb8;
	[tilespmem:$0x16F00] =	vst v63  }
0x12c: {  	s20 =	smov.u32 s19  }
0x12d: {  	p1 =	sne.s32 s19, $0x8800;
	s19 =	sadd.s32 $0x800, s19;
	_ =	swait.ge [sflag:s11], $0x2000  }
0x12e: {  	s20 =	sshra.s32 s20, $0x2;
	[sflag:s11] =	ssyncset.done $0x0  }
0x12f: {  	s21 =	sadd.s32 $0x2780, s20;
	[sflag:s11] =	ssyncadd.s32 $0xFFFFE000  }
0x130: {  	[spmem:s3] =	stream.indirect.scatter.add.f32 [tilespmem:s26], [sflag:$0x5], $0x40, s21, s30, $0xb8;
	[tilespmem:$0x16F00] =	vst v63  }
0x131: {  	_ =	swait.ge [sflag:s28], $0x2000  }
0x132: {  	[sflag:s28] =	ssyncset.done $0x0  }
0x133: {  	s21 =	sadd.s32 $0x200, s20;
	[sflag:s28] =	ssyncadd.s32 $0xFFFFE000  }
0x134: {  	[tilespmem:s26], [sflag:$0x1] =	stream.indirect.gather [hbm4b:s5+s30], $0x40, s21, s30, $0xb8;
	[tilespmem:$0x16F00] =	vst v63  }
0x135: {  	_ =	swait.ge [sflag:s12], $0x2000  }
0x136: {  	[sflag:s12] =	ssyncset.done $0x0  }
0x137: {  	s21 =	sadd.s32 $0x2800, s20;
	[sflag:s12] =	ssyncadd.s32 $0xFFFFE000  }
0x138: {  	[spmem:s3] =	stream.indirect.scatter.add.f32 [tilespmem:s31], [sflag:$0x5], $0x40, s21, s30, $0xb8;
	[tilespmem:$0x16F00] =	vst v63  }
0x139: {  	_ =	swait.ge [sflag:s28], $0x2000  }
0x13a: {  	[sflag:s28] =	ssyncset.done $0x0  }
0x13b: {  	s21 =	sadd.s32 $0x280, s20;
	[sflag:s28] =	ssyncadd.s32 $0xFFFFE000  }
0x13c: {  	[tilespmem:s31], [sflag:$0x2] =	stream.indirect.gather [hbm4b:s5+s30], $0x40, s21, s30, $0xb8;
	[tilespmem:$0x16F00] =	vst v63  }
0x13d: {  	_ =	swait.ge [sflag:s13], $0x2000  }
0x13e: {  	[sflag:s13] =	ssyncset.done $0x0  }
0x13f: {  	s21 =	sadd.s32 $0x2880, s20;
	[sflag:s13] =	ssyncadd.s32 $0xFFFFE000  }
0x140: {  	[spmem:s3] =	stream.indirect.scatter.add.f32 [tilespmem:s29], [sflag:$0x5], $0x40, s21, s30, $0xb8;
	[tilespmem:$0x16F00] =	vst v63  }
0x141: {  	_ =	swait.ge [sflag:s28], $0x2000  }
0x142: {  	[sflag:s28] =	ssyncset.done $0x0  }
0x143: {  	s21 =	sadd.s32 $0x300, s20;
	[sflag:s28] =	ssyncadd.s32 $0xFFFFE000  }
0x144: {  	[tilespmem:s29], [sflag:$0x3] =	stream.indirect.gather [hbm4b:s5+s30], $0x40, s21, s30, $0xb8;
	[tilespmem:$0x16F00] =	vst v63  }
0x145: {  	_ =	swait.ge [sflag:s14], $0x2000  }
0x146: {  	[sflag:s14] =	ssyncset.done $0x0  }
.Ltmp3:
0x147: {  	s21 =	sadd.s32 $0x2900, s20;
	[sflag:s14] =	ssyncadd.s32 $0xFFFFE000;
	(pc) =	sbr.rel @p1 .LBB2_8-.Ltmp3, $4  }
0x148: {  	[spmem:s3] =	stream.indirect.scatter.add.f32 [tilespmem:s4], [sflag:$0x5], $0x40, s21, s30, $0xb8;
	[tilespmem:$0x16F00] =	vst v63  }
0x149: {  	_ =	swait.ge [sflag:s28], $0x2000  }
0x14a: {  	[sflag:s28] =	ssyncset.done $0x0  }
0x14b: {  	s20 =	sadd.s32 $0x380, s20;
	[sflag:s28] =	ssyncadd.s32 $0xFFFFE000  }
0x14c: {  	[tilespmem:s4], [sflag:$0x4] =	stream.indirect.gather [hbm4b:s5+s30], $0x40, s20, s30, $0xb8;
	[tilespmem:$0x16F00] =	vst v63  }
0x14d: {  	_ =	swait.ge [sflag:s11], $0x2000  }
0x14e: {  	[sflag:s11] =	ssyncset.done $0x0  }
0x14f: {  	s19 =	simm.s32 $0x4B80;
	[sflag:s11] =	ssyncadd.s32 $0xFFFFE000  }
0x150: {  	[spmem:s3] =	stream.indirect.scatter.add.f32 [tilespmem:s26], [sflag:$0x5], $0x40, s19, s30, $0xb8;
	[tilespmem:$0x16F00] =	vst v63  }
0x151: {  	_ =	swait.ge [sflag:s28], $0x2000  }
0x152: {  	[sflag:s28] =	ssyncset.done $0x0  }
0x153: {  	s20 =	simm.s32 $0x2600;
	[sflag:s28] =	ssyncadd.s32 $0xFFFFE000  }
0x154: {  	[tilespmem:s26], [sflag:$0x1] =	stream.indirect.gather [hbm4b:s5+s30], $0x40, s20, s30, $0xb8;
	[tilespmem:$0x16F00] =	vst v63  }
0x155: {  	_ =	swait.ge [sflag:s12], $0x2000  }
0x156: {  	[sflag:s12] =	ssyncset.done $0x0  }
0x157: {  	s21 =	simm.s32 $0x4C00;
	[sflag:s12] =	ssyncadd.s32 $0xFFFFE000  }
0x158: {  	[spmem:s3] =	stream.indirect.scatter.add.f32 [tilespmem:s31], [sflag:$0x5], $0x40, s21, s30, $0xb8;
	[tilespmem:$0x16F00] =	vst v63  }
0x159: {  	_ =	swait.ge [sflag:s28], $0x2000  }
0x15a: {  	[sflag:s28] =	ssyncset.done $0x0  }
0x15b: {  	s20 =	simm.s32 $0x2680;
	[sflag:s28] =	ssyncadd.s32 $0xFFFFE000  }
0x15c: {  	[tilespmem:s31], [sflag:$0x2] =	stream.indirect.gather [hbm4b:s5+s30], $0x40, s20, s30, $0xb8;
	[tilespmem:$0x16F00] =	vst v63  }
0x15d: {  	_ =	swait.ge [sflag:s13], $0x2000  }
0x15e: {  	[sflag:s13] =	ssyncset.done $0x0  }
0x15f: {  	s21 =	simm.s32 $0x4C80;
	[sflag:s13] =	ssyncadd.s32 $0xFFFFE000  }
0x160: {  	[spmem:s3] =	stream.indirect.scatter.add.f32 [tilespmem:s29], [sflag:$0x5], $0x40, s21, s30, $0xb8;
	[tilespmem:$0x16F00] =	vst v63  }
0x161: {  	_ =	swait.ge [sflag:s28], $0x2000  }
0x162: {  	[sflag:s28] =	ssyncset.done $0x0  }
0x163: {  	[sflag:s28] =	ssyncadd.s32 $0xFFFFE000  }
0x164: {  	_ =	swait.ge [sflag:s14], $0x2000  }
0x165: {  	[sflag:s14] =	ssyncset.done $0x0  }
0x166: {  	s20 =	simm.s32 $0x4D00;
	[sflag:s14] =	ssyncadd.s32 $0xFFFFE000  }
0x167: {  	[spmem:s3] =	stream.indirect.scatter.add.f32 [tilespmem:s4], [sflag:$0x5], $0x40, s20, s30, $0xb8;
	[tilespmem:$0x16F00] =	vst v63  }
0x168: {  	_ =	swait.ge [sflag:s28], $0x2000  }
0x169: {  	[sflag:s28] =	ssyncset.done $0x0  }
0x16a: {  	[sflag:s28] =	ssyncadd.s32 $0xFFFFE000  }
0x16b: {  	_ =	swait.ge [sflag:s11], $0x2000  }
0x16c: {  	[sflag:s11] =	ssyncset.done $0x0  }
0x16d: {  	s21 =	simm.s32 $0x4D80;
	[sflag:s11] =	ssyncadd.s32 $0xFFFFE000  }
0x16e: {  	[spmem:s3] =	stream.indirect.scatter.add.f32 [tilespmem:s26], [sflag:$0x5], $0x40, s21, s30, $0xb8;
	[tilespmem:$0x16F00] =	vst v63  }
0x16f: {  	_ =	swait.ge [sflag:s28], $0x2000  }
0x170: {  	[sflag:s28] =	ssyncset.done $0x0  }
0x171: {  	[sflag:s28] =	ssyncadd.s32 $0xFFFFE000  }
0x172: {  	_ =	swait.ge [sflag:s12], $0x2000  }
0x173: {  	[sflag:s12] =	ssyncset.done $0x0  }
0x174: {  	[sflag:s12] =	ssyncadd.s32 $0xFFFFE000  }
0x175: {  	[spmem:s3] =	stream.indirect.scatter.add.f32 [tilespmem:s31], [sflag:$0x5], $0x40, s22, s30, $0xb8;
	[tilespmem:$0x16F00] =	vst v63  }
0x176: {  	_ =	swait.ge [sflag:s28], $0x2000  }
0x177: {  	s19 =	simm.s32 @!p0 $0x80;
	[sflag:s28] =	ssyncset.done $0x0  }
0x178: {  	s20 =	simm.s32 @!p0 $0x2700;
	s21 =	simm.s32 @!p0 $0x4F00;
	[sflag:s28] =	ssyncadd.s32 $0xFFFFE000  }
0x179: {  	[tilespmem:s21], [sflag:$0x1] =	stream.indirect.gather @!p0 [hbm4b:s5+s19], $0x40, s20, s19, $0xb8;
	[tilespmem:$0x16F00] =	vst v63  }
0x17a: {  	s20 =	simm.s32 @!p0 $0x1  }
0x17b: {  	_ =	swait.ge @!p0 [sflag:s20], $0x2000  }
0x17c: {  	[sflag:s20] =	ssyncset.done @!p0 $0x0  }
0x17d: {  	[sflag:s20] =	ssyncadd.s32 @!p0 $0xFFFFE000;
	s20 =	simm.s32 @!p0 $0x4E80  }
0x17e: {  	[spmem:s3] =	stream.indirect.scatter.add.f32 @!p0 [tilespmem:s21], [sflag:$0x5], $0x40, s20, s19, $0xb8;
	[tilespmem:$0x16F00] =	vst v63  }
0x17f: {  	s19 =	simm.s32 @!p0 $0x5  }
0x180: {  	_ =	swait.ge @!p0 [sflag:s19], $0x2000  }
0x181: {  	[sflag:s19] =	ssyncset.done @!p0 $0x0  }
0x182: {  	[sflag:s19] =	ssyncadd.s32 @!p0 $0xFFFFE000  }
0x183: {  	[bflag:$0x0] =	sbarrier.arrive $0xFFFF  }
0x184: {  	s20 =	rddreg [dreg:$0xb]  }
0x185: {  	[hbm:s20@s23], [sflag:s25] =	dma.strided [spmem:s0@s2], $0x400, s11, $0x8   }
0x186: {  	_ =	swait.ge [sflag:s28], $0x400  }
0x187: {  	[sflag:s28] =	ssyncset.done $0x0  }
0x188: {  	s21 =	rddreg [dreg:$0xc];
	[sflag:s28] =	ssyncadd.s32 $0xFFFFFC00  }
0x189: {  	[hbm:s21@s23], [sflag:s25] =	dma.strided [spmem:s15@s2], $0x400, s11, $0x8   }
0x18a: {  	_ =	swait.ge [sflag:s28], $0x400  }
0x18b: {  	[sflag:s28] =	ssyncset.done $0x0  }
0x18c: {  	s19 =	rddreg [dreg:$0xd];
	[sflag:s28] =	ssyncadd.s32 $0xFFFFFC00  }
0x18d: {  	[hbm:s19@s23], [sflag:s25] =	dma.strided [spmem:s16@s2], $0x400, s11, $0x8   }
0x18e: {  	_ =	swait.ge [sflag:s28], $0x400  }
0x18f: {  	[sflag:s28] =	ssyncset.done $0x0  }
0x190: {  	s20 =	rddreg [dreg:$0xe];
	[sflag:s28] =	ssyncadd.s32 $0xFFFFFC00  }
0x191: {  	[hbm:s20@s23], [sflag:s25] =	dma.strided [spmem:s17@s2], $0x400, s11, $0x8   }
0x192: {  	_ =	swait.ge [sflag:s28], $0x400  }
0x193: {  	[sflag:s28] =	ssyncset.done $0x0  }
0x194: {  	s21 =	rddreg [dreg:$0xf];
	[sflag:s28] =	ssyncadd.s32 $0xFFFFFC00  }
0x195: {  	[hbm:s21@s23], [sflag:s25] =	dma.strided [spmem:s18@s2], $0x400, s11, $0x8   }
0x196: {  	_ =	swait.ge [sflag:s28], $0x400  }
0x197: {  	s24 =	sadd.s32 $0x1, s24;
	s25 =	rddreg [dreg:$0x12]  }
0x198: {  	p1 =	sne.s32 s24, s25  }
.Ltmp4:
0x199: {  	_ = 	snop;
	(pc) =	sbr.rel @p1 .LBB2_1-.Ltmp4, $3  }
0x19a: {  	_ =	sdelay $0x1  }
0x19b: {  	[sflag:s28] =	ssyncset.done $0x0  }
0x19c: {  	[sflag:s28] =	ssyncadd.s32 $0xFFFFFC00  }
0x19d: {  	_ =	sfence.sel $0x180000  }
0x19e: {  	[bflag:$0x0] =	sbarrier.arrive $0xFFFF  }
0x19f: {  	_ =	strace $0x9000004A  }
0x1a0: {  	s0 =	stileid.u32;
	[bflag:$0x2] =	sbarrier.arrive $0xFFFF  }
0x1a1: {  	p0 =	sne.s32 s0, $0x0;
	s0 =	rddreg [dreg:$0x3]  }
0x1a2: {  	s0 =	sadd.s32 @!p0 $0x100000, s0  }
0x1a3: {  	[sflag:s0] =	ssyncadd.tile.s32 @!p0 $0x1;
	_ =	shalt  }
.Lfunc_end2:
_tile_overlayer_lowered:
.L_overlay_start_2:
0x1a4: {  	(tag) =	ssettag $0x2  }
0x1a5: {  	s0 =	rddreg [dreg:$0x0];
	s2 =	stileid.u32  }
0x1a6: {  	s1 =	rddreg [dreg:$0x1];
	p0 =	sne.s32 s2, $0x0  }
0x1a7: {  	s3 =	rddreg [dreg:$0x2];
	[bflag:$0x3] =	sbarrier.arrive $0xFFFF;
	s2 =	simm.s32 @!p0 $0x1C05  }
0x1a8: {  	[timem:s3], [sflag:s2] =	dma.local @!p0 [hbm:s0], s1  }
0x1a9: {  	s0 =	simm.s32 @!p0 $0x5  }
0x1aa: {  	_ =	swait.ge @!p0 [sflag:s0], s1  }
0x1ab: {  	s1 =	ssub.s32 @!p0 $0x0, s1;
	[sflag:s0] =	ssyncset.done @!p0 $0x0  }
0x1ac: {  	[sflag:s0] =	ssyncadd.s32 @!p0 s1  }
0x1ad: {  	[bflag:$0x3] =	sbarrier.arrive $0xFFFF  }
0x1ae: {  	_ =	shalt  }

</sc_bundles>
